<compile_context>
chip_gen: v7x
topology: tpu7x:2x2x1
jax: 0.10.2.dev20260603
libtpu: 0.0.44.dev20260713+nightly
codegen_flags: <defaults>
</compile_context>

<pallas_src>
import functools

import numpy as np

import jax
import jax.numpy as jnp
from jax import lax
from jax.experimental import pallas as pl
from jax.experimental.pallas import tpu as pltpu
from jax.experimental.pallas import tpu_sc as plsc

N = 10000
E = 320000
IN_DIM = 128
HID = 256
NUM_MASK = 3000
NPAD = 10240
NC, NS = 2, 16
K = 128
CH1 = 80
CH2 = 160
EPAD = NC * NS * CH1 * K
NACC = 10112
RPS = NACC // NS
RB = 512
GRID = NPAD // RB


def _make_spmm(split, ch):
    mesh = plsc.VectorSubcoreMesh(core_axis_name="c", subcore_axis_name="s")

    @functools.partial(
        pl.kernel,
        out_type=jax.ShapeDtypeStruct((NC, NPAD, 128), jnp.float32),
        mesh=mesh,
        scratch_types=[
            pltpu.VMEM((2, K), jnp.int32),
            pltpu.VMEM((2, K), jnp.int32),
            pltpu.VMEM((K, 128), jnp.float32),
            pltpu.VMEM((K, 128), jnp.float32),
            pltpu.VMEM_SHARED((NACC, 128), jnp.float32),
            pltpu.SemaphoreType.DMA,
            pltpu.SemaphoreType.DMA,
            pltpu.SemaphoreType.DMA,
            pltpu.SemaphoreType.DMA,
        ],
    )
    def spmm(table, idx, zeros, out, ia, ib, rows_a, rows_b, acc,
             sem_ia, sem_ib, sem_ga, sem_gb):
        c = lax.axis_index("c")
        s = lax.axis_index("s")
        r0 = s * RPS
        if split == "edge":
            ip = idx.at[c * NS + s]
        else:
            ip = idx.at[c, s]

        def load_idx(g, buf, sem):
            pltpu.async_copy(ip.at[pl.ds(2 * g, 2)], buf, sem)

        def wait_idx(buf, sem):
            pltpu.make_async_copy(ip.at[pl.ds(0, 2)], buf, sem).wait()

        def gather(buf, rows, sem):
            pltpu.async_copy(table.at[buf.at[0]], rows, sem)

        def wait_gather(rows, sem):
            pltpu.make_async_copy(table.at[ia.at[0]], rows, sem).wait()

        def scat(buf, rows):
            pltpu.sync_copy(rows, acc.at[buf.at[1]], add=True)

        pltpu.sync_copy(zeros.at[pl.ds(r0, RPS)], acc.at[pl.ds(r0, RPS)])
        plsc.subcore_barrier()
        load_idx(0, ia, sem_ia)
        load_idx(1, ib, sem_ib)
        wait_idx(ia, sem_ia)
        gather(ia, rows_a, sem_ga)

        def stage(buf, rows, sem_i, sem_g, g_next):
            wait_gather(rows, sem_g)
            scat(buf, rows)

            @pl.when(g_next < ch)
            def _():
                load_idx(g_next, buf, sem_i)
                wait_idx(buf, sem_i)
                gather(buf, rows, sem_g)

        def pair(t, carry):
            g0 = 2 * t
            wait_idx(ib, sem_ib)
            gather(ib, rows_b, sem_gb)
            stage(ia, rows_a, sem_ia, sem_ga, g0 + 2)
            wait_gather(rows_b, sem_gb)
            scat(ib, rows_b)

            @pl.when(g0 + 3 < ch)
            def _():
                load_idx(g0 + 3, ib, sem_ib)

            return carry

        lax.fori_loop(0, ch // 2, pair, 0)
        plsc.subcore_barrier()
        pltpu.sync_copy(acc.at[pl.ds(r0, RPS)], out.at[c, pl.ds(r0, RPS)])

    return spmm


def _make_deg():
    mesh = plsc.VectorSubcoreMesh(core_axis_name="c", subcore_axis_name="s")

    @functools.partial(
        pl.kernel,
        out_type=jax.ShapeDtypeStruct((NC, NPAD, 16), jnp.float32),
        mesh=mesh,
        scratch_types=[
            pltpu.VMEM((2, K), jnp.int32),
            pltpu.VMEM((2, K), jnp.int32),
            pltpu.VMEM((2, K), jnp.int32),
            pltpu.VMEM((2, K), jnp.int32),
            pltpu.VMEM((K, 16), jnp.float32),
            pltpu.VMEM_SHARED((NACC, 16), jnp.float32),
            pltpu.SemaphoreType.DMA,
            pltpu.SemaphoreType.DMA,
            pltpu.SemaphoreType.DMA,
            pltpu.SemaphoreType.DMA,
            pltpu.SemaphoreType.DMA,
            pltpu.SemaphoreType.DMA,
            pltpu.SemaphoreType.DMA,
            pltpu.SemaphoreType.DMA,
        ],
    )
    def deg(idx, ones16, zeros16, out, ia, ib, ic, id_, ones_v, acc,
            si_a, si_b, si_c, si_d, ss_a, ss_b, ss_c, ss_d):
        c = lax.axis_index("c")
        s = lax.axis_index("s")
        r0 = s * RPS
        ip = idx.at[c * NS + s]
        bufs = (ia, ib, ic, id_)
        isems = (si_a, si_b, si_c, si_d)
        ssems = (ss_a, ss_b, ss_c, ss_d)

        def load_idx(g, buf, sem):
            pltpu.async_copy(ip.at[pl.ds(2 * g, 2)], buf, sem)

        def wait_idx(buf, sem):
            pltpu.make_async_copy(ip.at[pl.ds(0, 2)], buf, sem).wait()

        def wait_scat(buf, sem):
            pltpu.make_async_copy(ones_v, acc.at[buf.at[1]], sem).wait()

        for x in range(4):
            load_idx(x, bufs[x], isems[x])
        pltpu.sync_copy(ones16, ones_v)
        pltpu.sync_copy(zeros16.at[pl.ds(r0, RPS)], acc.at[pl.ds(r0, RPS)])
        plsc.subcore_barrier()

        def quad(t, carry):
            g0 = 4 * t
            for x in range(4):
                wait_idx(bufs[x], isems[x])
                pltpu.async_copy(ones_v, acc.at[bufs[x].at[1]], ssems[x],
                                 add=True)
            for x in range(4):
                @pl.when(g0 + 4 + x < CH1)
                def _(x=x):
                    wait_scat(bufs[x], ssems[x])
                    load_idx(g0 + 4 + x, bufs[x], isems[x])
            return carry

        lax.fori_loop(0, CH1 // 4, quad, 0)
        for x in range(4):
            wait_scat(bufs[x], ssems[x])
        plsc.subcore_barrier()
        pltpu.sync_copy(acc.at[pl.ds(r0, RPS)], out.at[c, pl.ds(r0, RPS)])

    return deg


def _rowspec(shape3=False, minor=128):
    if shape3:
        return pl.BlockSpec((NC, RB, minor), lambda i: (0, i, 0))
    return pl.BlockSpec((RB, minor), lambda i: (i, 0))


def _fullspec(shape):
    nd = len(shape)
    return pl.BlockSpec(shape, lambda i: (0,) * nd)


def _valid(i):
    row = i * RB + lax.broadcasted_iota(jnp.int32, (RB, 128), 0)
    return row < N


def _t0_body(deg_ref, x_ref, m_ref, tok_ref, dn_ref, x1_ref):
    d = deg_ref[0, :, :1] + deg_ref[1, :, :1] + 1.0
    dn = jnp.broadcast_to(lax.rsqrt(d), (RB, 128))
    m = m_ref[...]
    use_x = m * tok_ref[...] + (1.0 - m) * x_ref[...]
    dn_ref[...] = dn
    x1_ref[...] = jnp.where(_valid(pl.program_id(0)), dn * use_x, 0.0)


def _t0(degp, xp, maskf, tok):
    return pl.pallas_call(
        _t0_body,
        grid=(GRID,),
        in_specs=[_rowspec(True, minor=16), _rowspec(), _rowspec(),
                  _fullspec((1, 128))],
        out_specs=[_rowspec(), _rowspec()],
        out_shape=[jax.ShapeDtypeStruct((NPAD, 128), jnp.float32),
                   jax.ShapeDtypeStruct((NPAD, 128), jnp.float32)],
    )(degp, xp, maskf, tok)


def _t1_body(aggp_ref, x1_ref, dn_ref, w1_ref, b1_ref, a1_ref, out_ref):
    pre = dn_ref[...] * (aggp_ref[0] + aggp_ref[1] + x1_ref[...])
    h = jnp.dot(pre, w1_ref[...], preferred_element_type=jnp.float32)
    h = h + b1_ref[...]
    h = jnp.where(h >= 0.0, h, a1_ref[...] * h)
    dnw = jnp.concatenate([dn_ref[...], dn_ref[...]], axis=1)
    v = _valid(pl.program_id(0))
    x2 = jnp.where(jnp.concatenate([v, v], axis=1), dnw * h, 0.0)
    out_ref[0] = x2[:, :128]
    out_ref[1] = x2[:, 128:]


def _t1(agg1p, x1, dn, W1, b1r, a1r):
    return pl.pallas_call(
        _t1_body,
        grid=(GRID,),
        in_specs=[_rowspec(True), _rowspec(), _rowspec(),
                  _fullspec((IN_DIM, HID)), _fullspec((1, HID)),
                  _fullspec((1, HID))],
        out_specs=_rowspec(True),
        out_shape=jax.ShapeDtypeStruct((NC, NPAD, 128), jnp.float32),
    )(agg1p, x1, dn, W1, b1r, a1r)


def _t2_body(aggh_ref, x2_ref, dn_ref, w2_ref, b2_ref, a2_ref, wf_ref,
             m_ref, out_ref):
    agg = jnp.concatenate([aggh_ref[0], aggh_ref[1]], axis=1)
    x2 = jnp.concatenate([x2_ref[0], x2_ref[1]], axis=1)
    dnw = jnp.concatenate([dn_ref[...], dn_ref[...]], axis=1)
    pre = dnw * (agg + x2)
    h = jnp.dot(pre, w2_ref[...], preferred_element_type=jnp.float32)
    h = h + b2_ref[...]
    enc = jnp.where(h >= 0.0, h, a2_ref[...] * h)
    z = jnp.dot(enc, wf_ref[...], preferred_element_type=jnp.float32)
    z = (1.0 - m_ref[...]) * z
    out_ref[...] = jnp.where(_valid(pl.program_id(0)),
                             dn_ref[...] * z, 0.0)


def _t2(agg2h, x2, dn, W2, b2r, a2r, wf, maskf):
    return pl.pallas_call(
        _t2_body,
        grid=(GRID,),
        in_specs=[_rowspec(True), _rowspec(True), _rowspec(),
                  _fullspec((HID, HID)), _fullspec((1, HID)),
                  _fullspec((1, HID)), _fullspec((HID, 128)), _rowspec()],
        out_specs=_rowspec(),
        out_shape=jax.ShapeDtypeStruct((NPAD, 128), jnp.float32),
    )(agg2h, x2, dn, W2, b2r, a2r, wf, maskf)


def _t3_body(aggp_ref, x3_ref, dn_ref, bd_ref, x_ref, m_ref, out_ref):
    i = pl.program_id(0)

    @pl.when(i == 0)
    def _():
        out_ref[...] = jnp.zeros_like(out_ref)

    recon = dn_ref[...] * (aggp_ref[0] + aggp_ref[1] + x3_ref[...])
    recon = recon + bd_ref[...]
    xb = x_ref[...]
    dot = jnp.sum(recon * xb, axis=1)
    nr = jnp.maximum(jnp.sqrt(jnp.sum(recon * recon, axis=1)), 1e-8)
    nx = jnp.maximum(jnp.sqrt(jnp.sum(xb * xb, axis=1)), 1e-8)
    cos = dot / (nr * nx)
    contrib = jnp.where(m_ref[:, 0] > 0.0,
                        (1.0 - cos) * (1.0 - cos), 0.0)
    part = jnp.sum(contrib) * (1.0 / NUM_MASK)
    out_ref[...] = out_ref[...] + jnp.full((8, 128), part, jnp.float32)


def _t3(agg3p, x3, dn, bdr, xp, maskf):
    return pl.pallas_call(
        _t3_body,
        grid=(GRID,),
        in_specs=[_rowspec(True), _rowspec(), _rowspec(),
                  _fullspec((1, 128)), _rowspec(), _rowspec()],
        out_specs=_fullspec((8, 128)),
        out_shape=jax.ShapeDtypeStruct((8, 128), jnp.float32),
    )(agg3p, x3, dn, bdr, xp, maskf)


def _wf_body(wed_ref, wdec_ref, out_ref):
    out_ref[...] = jnp.dot(wed_ref[...], wdec_ref[...],
                           preferred_element_type=jnp.float32)


def _wfuse(Wed, Wdec):
    return pl.pallas_call(
        _wf_body,
        in_specs=[pl.BlockSpec((HID, HID), lambda: (0, 0)),
                  pl.BlockSpec((HID, IN_DIM), lambda: (0, 0))],
        out_specs=pl.BlockSpec((HID, IN_DIM), lambda: (0, 0)),
        out_shape=jax.ShapeDtypeStruct((HID, IN_DIM), jnp.float32),
    )(Wed, Wdec)


_MASK_HEX = (
    "2840422f55ab6040214102a03d099090200088e1804469f2401420ca51624d461a805c1442408868914a50283122842c"
    "4441431c808e0306682e546f118f19224e04860cf41b0a00004091200413c0080b08ea0194851d95c041002c228c29c9"
    "010e14821205144a108c02302203040c0620ad65107400ae3200c50384285c42a052c080c02010b0e28986110920c051"
    "d422c08021406c41b69348a00025b1732ca4046213d040c0c103acc01a31022ccdcc0041090a543a01168208680c4095"
    "448400e0116335040ad882dc20caa520941990400400608120044922010002094250a5a25048140011035f6440140708"
    "0818204009440462a8b0d2c065080420880c25c0d200104450109082648fa28d02102864300d814ca409201bf30d4204"
    "d40a0d2414042051391901412802fd1049e7090c8e863451a02002a50354003a041a45ac00804c1378800b002c754202"
    "8008210441105a404a88c0402008dd0a10041ba8a048400027402808034710ada01042c162c210a0962106034821281d"
    "8aa676601200e48280202a1410a09880c944a852038080532745b8c22262010282102a7a6a0400a81411e40080010683"
    "29111d4a25002115a08a488a0449000931061001171430021494142761405a09fc09a353a410819093a0801012140602"
    "0502501808630011ae5169801a2885627072a113140c48804800ee0e000019888442940a902d680182db20a00a841003"
    "18830b7b3df5e00c8a52496802848464900c812066c6230081d66629c0940604040d091d044121106897084c4116151e"
    "8cc929080c890e82000c84400870208ba6810b43250c169c728845bac8020400437c58e5310825783218381284921894"
    "862436f42c459b4a487a2955c8c06802822870042868caa880273525a0280422a6c039c420f24010900ec00008111033"
    "87a91c40a200051dd82001202148c83c48a90007681508800048141208048c417ab49320148c4240b3c750b80f6acd61"
    "214450a280121680851486022bea88346060051a0c1e8a43400d8c41ae8354040130f68aac0c14ab096dc4581a400088"
    "e04026d8a424809a56096cba402c411d80609d25a22af66008800e08048210e270020000050829074003300a00101201"
    "050d3d007034000f93044012208809c249140c01066852d142000e088660846505011241001c0114a0f81112989800a1"
    "00086200473802200a04153c1260f1d020b138101085043ec74210dd4688060104524010d8102ca210004330a9022283"
    "100029694002080ea331803408000a760f010014511481044561429400012490140122481612574cd4235312240a3080"
    "a10e0230886428d014510221a899f483ba502784100fc5a01508110928412338129b021000c08c400a64044d09476a00"
    "d813e2410018c98110dc743951d1f949300c24421ec083904d9043440100a23189034b29a0a01c2001849740d9821074"
    "1400d18504d59510d8d0941dc0a32804828810a62051308589020911e2001280c00c0921ce840b110640060742428a82"
    "834090a112080a2280840364de8060e06015006eb30000296c000802390408009cc3235046a8a2c1208012a5d06802e4"
    "c82810020065c2c826942209944419b1a892184b042f203202804d921508ac006001c00ec20c184d20000a009208c944"
    "a508e64120028da0188917010c0e02c020536b300225066c09cc4651a18515080d9a10bca00068d2216802000201b34a"
    "028e"
)
_MASK_NP = np.unpackbits(
    np.frombuffer(bytes.fromhex(_MASK_HEX), np.uint8))[:N].astype(np.float32)
_PAD_N = EPAD - E
_PAD_SRC = ((np.arange(_PAD_N, dtype=np.int64) * 613) % N).astype(np.int32)
_PAD_DST = (N + np.arange(_PAD_N, dtype=np.int64) % (NACC - N)).astype(np.int32)


def kernel(x, edge_index, W1, b1, a1, W2, b2, a2, Wed, Wdec, bdec, mask_token):
    mf = jnp.asarray(np.pad(_MASK_NP, (0, NPAD - N)))
    maskf = jnp.broadcast_to(mf[:, None], (NPAD, 128))
    zeros_tab = jnp.zeros((NPAD, 128), jnp.float32)

    src_p = jnp.concatenate([edge_index[0], jnp.asarray(_PAD_SRC)])
    dst_p = jnp.concatenate([edge_index[1], jnp.asarray(_PAD_DST)])
    src1 = src_p.reshape(NC * NS, CH1, K)
    dst1 = dst_p.reshape(NC * NS, CH1, K)
    pair1 = jnp.stack([src1, dst1], axis=2).reshape(NC * NS, 2 * CH1, K)
    src_a = src_p.reshape(NS, CH2, K)
    dst_a = dst_p.reshape(NS, CH2, K)
    pair2 = jnp.stack(
        [jnp.stack([src_a, dst_a], axis=2),
         jnp.stack([src_a + NPAD, dst_a], axis=2)]).reshape(
             NC, NS, 2 * CH2, K)

    spmm_e = _make_spmm("edge", CH1)
    spmm_f = _make_spmm("feature", CH2)

    degp = _make_deg()(pair1, jnp.ones((K, 16), jnp.float32),
                       jnp.zeros((NPAD, 16), jnp.float32))
    dn, x1 = _t0(degp, x, maskf, mask_token)

    agg1p = spmm_e(x1, pair1, zeros_tab)
    x2 = _t1(agg1p, x1, dn, W1, b1[None, :], jnp.broadcast_to(a1, (1, HID)))

    agg2h = spmm_f(x2.reshape(2 * NPAD, 128), pair2, zeros_tab)
    wf = _wfuse(Wed, Wdec)
    x3 = _t2(agg2h, x2, dn, W2, b2[None, :],
             jnp.broadcast_to(a2, (1, HID)), wf, maskf)

    agg3p = spmm_e(x3, pair1, zeros_tab)
    losst = _t3(agg3p, x3, dn, bdec[None, :], x, maskf)
    return losst[0, 0]

# --- scband reference (transcript-rebuilt; emitter-appended) ---
"""Pipeline reference for scband-pre-model-76587856822441 (READ-ONLY COPY).

The authoritative reference and input builder live on the scoring server;
editing this copy changes nothing except your own understanding.
"""

import jax, jax.numpy as jnp
import numpy as np

N_NODES = 10000
N_EDGES = 320000
IN_DIM = 128
HID = 256
MASK_RATE = 0.3
ALPHA = 2.0


def prelu(x, a):
    return jnp.where(x >= 0, x, a * x)


def gcn_layer(x, src, dst, dn, W, b, n):
    # symmetric-normalized GCN conv: aggregate then linear
    msg = x[src] * (dn[src] * dn[dst])[:, None]
    agg = jax.ops.segment_sum(msg, dst, num_segments=n)
    return agg @ W + b


def sce_loss(x_rec, x_init, alpha):
    a = x_rec / jnp.maximum(jnp.linalg.norm(x_rec, axis=-1, keepdims=True), 1e-8)
    b = x_init / jnp.maximum(jnp.linalg.norm(x_init, axis=-1, keepdims=True), 1e-8)
    cos = jnp.sum(a * b, axis=-1)
    return jnp.mean(jnp.power(1.0 - cos, alpha))


def setup_inputs(seed: int = 0) -> dict:
    key = jax.random.key(seed)
    ks = jax.random.split(key, 12)
    x = jax.random.normal(ks[0], (N_NODES, IN_DIM), dtype=jnp.float32)
    edge_index = jax.random.randint(ks[1], (2, N_EDGES), 0, N_NODES, dtype=jnp.int32)
    # encoder: 2-layer GCN (in_dim -> hid -> hid) with PReLU activations
    W1 = jax.random.normal(ks[2], (IN_DIM, HID), dtype=jnp.float32) * 0.05
    b1 = jnp.zeros((HID,), dtype=jnp.float32)
    a1 = jnp.full((1,), 0.25, dtype=jnp.float32)
    W2 = jax.random.normal(ks[3], (HID, HID), dtype=jnp.float32) * 0.05
    b2 = jnp.zeros((HID,), dtype=jnp.float32)
    a2 = jnp.full((1,), 0.25, dtype=jnp.float32)
    # encoder_to_decoder linear (no bias)
    Wed = jax.random.normal(ks[4], (HID, HID), dtype=jnp.float32) * 0.05
    # decoder: 1-layer GCN (hid -> in_dim)
    Wdec = jax.random.normal(ks[5], (HID, IN_DIM), dtype=jnp.float32) * 0.05
    bdec = jnp.zeros((IN_DIM,), dtype=jnp.float32)
    mask_token = jax.random.normal(ks[6], (1, IN_DIM), dtype=jnp.float32) * 0.02
    return {"x": x, "edge_index": edge_index, "W1": W1, "b1": b1, "a1": a1,
            "W2": W2, "b2": b2, "a2": a2, "Wed": Wed, "Wdec": Wdec,
            "bdec": bdec, "mask_token": mask_token}


def reference(x, edge_index, W1, b1, a1, W2, b2, a2, Wed, Wdec, bdec, mask_token):
    n = x.shape[0]
    # ---- encoding_mask_noise: sample masked nodes (replace_rate = 0) ----
    mkey = jax.random.key(123)
    perm = jax.random.permutation(mkey, n)
    num_mask = int(MASK_RATE * n)
    mask_nodes = perm[:num_mask]
    mask_flag = jnp.zeros((n,), dtype=bool).at[mask_nodes].set(True)
    # masked node features replaced by learned mask token
    use_x = jnp.where(mask_flag[:, None], mask_token, x)
    # ---- add self loops + symmetric degree normalization ----
    loops = jnp.arange(n, dtype=edge_index.dtype)
    src = jnp.concatenate([edge_index[0], loops])
    dst = jnp.concatenate([edge_index[1], loops])
    deg = jax.ops.segment_sum(jnp.ones_like(dst, dtype=jnp.float32), dst, num_segments=n)
    dn = jax.lax.rsqrt(jnp.maximum(deg, 1.0))
    # ---- encoder (2-layer GCN) ----
    h = prelu(gcn_layer(use_x, src, dst, dn, W1, b1, n), a1)
    enc_rep = prelu(gcn_layer(h, src, dst, dn, W2, b2, n), a2)
    # ---- encoder_to_decoder + re-mask ----
    rep = enc_rep @ Wed
    rep = jnp.where(mask_flag[:, None], 0.0, rep)
    # ---- decoder (1-layer GCN) ----
    recon = gcn_layer(rep, src, dst, dn, Wdec, bdec, n)
    # ---- SCE loss on masked nodes ----
    x_init = x[mask_nodes]
    x_rec = recon[mask_nodes]
    loss = sce_loss(x_rec, x_init, ALPHA)
    return loss

if __name__ == "__main__":
    import jax
    _d = setup_inputs()
    print(jax.jit(kernel)(*tuple(_d.values())))

</pallas_src>

<mosaic_0001>
#map = affine_map<(d0, d1) -> (0, 0)>
#map1 = affine_map<(d0, d1) -> (0, 0, 0)>
module attributes {stable_mosaic.version = 14 : i64} {
  func.func @spmm(%arg0: i32, %arg1: i32, %arg2: memref<10240x128xf32, #tpu.memory_space<hbm>>, %arg3: memref<32x160x128xi32, #tpu.memory_space<hbm>>, %arg4: memref<10240x128xf32, #tpu.memory_space<hbm>>, %arg5: memref<2x10240x128xf32, #tpu.memory_space<hbm>>, %arg6: memref<2x128xi32, #tpu.memory_space<vmem>>, %arg7: memref<2x128xi32, #tpu.memory_space<vmem>>, %arg8: memref<128x128xf32, #tpu.memory_space<vmem>>, %arg9: memref<128x128xf32, #tpu.memory_space<vmem>>, %arg10: memref<10112x128xf32, #tpu.memory_space<vmem_shared>>, %arg11: memref<!tpu.dma_semaphore, #tpu.memory_space<semaphore_mem>>, %arg12: memref<!tpu.dma_semaphore, #tpu.memory_space<semaphore_mem>>, %arg13: memref<!tpu.dma_semaphore, #tpu.memory_space<semaphore_mem>>, %arg14: memref<!tpu.dma_semaphore, #tpu.memory_space<semaphore_mem>>) attributes {dimension_semantics = [#tpu.dimension_semantics<core_parallel>, #tpu.dimension_semantics<subcore_parallel>], iteration_bounds = array<i64: 2, 16>, scalar_prefetch = 0 : i64, scratch_operands = 9 : i64, tpu.core_type = #tpu.core_type<sc_vector_subcore>, window_params = [{transform_indices = #map}, {transform_indices = #map1}, {transform_indices = #map}, {transform_indices = #map1}]} {
    %mul3A = arith.constant 632 : i32
    %mul3A_0 = arith.muli %arg1, %mul3A : i32
    %mul3A_1 = arith.constant 16 : i32
    %mul3A_2 = arith.muli %arg0, %mul3A_1 : i32
    %add3A = arith.addi %mul3A_2, %arg1 : i32
    "tpu.region"() ({
      %run_scoped3A = tpu.sem_alloc : memref<!tpu.dma_semaphore, #tpu.memory_space<semaphore_mem>>
      %dma_start3A_56 = arith.constant 0 : i32
      %dma_start3A_57 = tpu.memref_slice %arg10[%mul3A_0, %dma_start3A_56] : memref<10112x128xf32, #tpu.memory_space<vmem_shared>> -> memref<632x128xf32, #tpu.memory_space<vmem_shared>>
      %dma_start3A_58 = arith.constant 0 : i32
      %dma_start3A_59 = tpu.memref_slice %arg4[%mul3A_0, %dma_start3A_58] : memref<10240x128xf32, #tpu.memory_space<hbm>> -> memref<632x128xf32, #tpu.memory_space<hbm>>
      tpu.enqueue_dma source(%dma_start3A_59 : memref<632x128xf32, #tpu.memory_space<hbm>>) target(%dma_start3A_57 : memref<632x128xf32, #tpu.memory_space<vmem_shared>>) target_semaphore(%run_scoped3A : memref<!tpu.dma_semaphore, #tpu.memory_space<semaphore_mem>>)
      %dma_wait3A_60 = arith.constant 0 : i32
      %dma_wait3A_61 = tpu.memref_slice %arg10[%mul3A_0, %dma_wait3A_60] : memref<10112x128xf32, #tpu.memory_space<vmem_shared>> -> memref<632x128xf32, #tpu.memory_space<vmem_shared>>
      %dma_wait3A_62 = arith.constant 0 : i32
      %dma_wait3A_63 = tpu.memref_slice %arg4[%mul3A_0, %dma_wait3A_62] : memref<10240x128xf32, #tpu.memory_space<hbm>> -> memref<632x128xf32, #tpu.memory_space<hbm>>
      tpu.wait_dma2 semaphore(%run_scoped3A : memref<!tpu.dma_semaphore, #tpu.memory_space<semaphore_mem>>) src(%dma_wait3A_63 : memref<632x128xf32, #tpu.memory_space<hbm>>) dst(%dma_wait3A_61 : memref<632x128xf32, #tpu.memory_space<vmem_shared>>)
      tpu.yield
    }) : () -> ()
    %barrier3A = arith.constant 0 : index
    tpu.barrier barrier_id(%barrier3A)
    %dma_start3A = arith.constant 0 : i32
    %dma_start3A_3 = arith.constant 0 : i32
    %dma_start3A_4 = tpu.memref_slice %arg3[%add3A, %dma_start3A, %dma_start3A_3] : memref<32x160x128xi32, #tpu.memory_space<hbm>> -> memref<1x160x128xi32, #tpu.memory_space<hbm>>
    %dma_start3A_5 = tpu.memref_squeeze %dma_start3A_4 : memref<1x160x128xi32, #tpu.memory_space<hbm>> -> memref<160x128xi32, #tpu.memory_space<hbm>>
    %dma_start3A_6 = arith.constant 0 : i32
    %dma_start3A_7 = arith.constant 0 : i32
    %dma_start3A_8 = tpu.memref_slice %dma_start3A_5[%dma_start3A_6, %dma_start3A_7] : memref<160x128xi32, #tpu.memory_space<hbm>> -> memref<2x128xi32, #tpu.memory_space<hbm>>
    %dma_start3A_9 = arith.constant 0 : i32
    %dma_start3A_10 = arith.constant 0 : i32
    %dma_start3A_11 = tpu.memref_slice %arg3[%add3A, %dma_start3A_9, %dma_start3A_10] : memref<32x160x128xi32, #tpu.memory_space<hbm>> -> memref<1x160x128xi32, #tpu.memory_space<hbm>>
    %dma_start3A_12 = tpu.memref_squeeze %dma_start3A_11 : memref<1x160x128xi32, #tpu.memory_space<hbm>> -> memref<160x128xi32, #tpu.memory_space<hbm>>
    %dma_start3A_13 = arith.constant 0 : i32
    %dma_start3A_14 = arith.constant 0 : i32
    %dma_start3A_15 = tpu.memref_slice %dma_start3A_12[%dma_start3A_13, %dma_start3A_14] : memref<160x128xi32, #tpu.memory_space<hbm>> -> memref<2x128xi32, #tpu.memory_space<hbm>>
    tpu.enqueue_dma source(%dma_start3A_15 : memref<2x128xi32, #tpu.memory_space<hbm>>) target(%arg6 : memref<2x128xi32, #tpu.memory_space<vmem>>) target_semaphore(%arg11 : memref<!tpu.dma_semaphore, #tpu.memory_space<semaphore_mem>>)
    %dma_start3A_16 = arith.constant 0 : i32
    %dma_start3A_17 = arith.constant 0 : i32
    %dma_start3A_18 = tpu.memref_slice %arg3[%add3A, %dma_start3A_16, %dma_start3A_17] : memref<32x160x128xi32, #tpu.memory_space<hbm>> -> memref<1x160x128xi32, #tpu.memory_space<hbm>>
    %dma_start3A_19 = tpu.memref_squeeze %dma_start3A_18 : memref<1x160x128xi32, #tpu.memory_space<hbm>> -> memref<160x128xi32, #tpu.memory_space<hbm>>
    %dma_start3A_20 = arith.constant 2 : i32
    %dma_start3A_21 = arith.constant 0 : i32
    %dma_start3A_22 = tpu.memref_slice %dma_start3A_19[%dma_start3A_20, %dma_start3A_21] : memref<160x128xi32, #tpu.memory_space<hbm>> -> memref<2x128xi32, #tpu.memory_space<hbm>>
    %dma_start3A_23 = arith.constant 0 : i32
    %dma_start3A_24 = arith.constant 0 : i32
    %dma_start3A_25 = tpu.memref_slice %arg3[%add3A, %dma_start3A_23, %dma_start3A_24] : memref<32x160x128xi32, #tpu.memory_space<hbm>> -> memref<1x160x128xi32, #tpu.memory_space<hbm>>
    %dma_start3A_26 = tpu.memref_squeeze %dma_start3A_25 : memref<1x160x128xi32, #tpu.memory_space<hbm>> -> memref<160x128xi32, #tpu.memory_space<hbm>>
    %dma_start3A_27 = arith.constant 2 : i32
    %dma_start3A_28 = arith.constant 0 : i32
    %dma_start3A_29 = tpu.memref_slice %dma_start3A_26[%dma_start3A_27, %dma_start3A_28] : memref<160x128xi32, #tpu.memory_space<hbm>> -> memref<2x128xi32, #tpu.memory_space<hbm>>
    tpu.enqueue_dma source(%dma_start3A_29 : memref<2x128xi32, #tpu.memory_space<hbm>>) target(%arg7 : memref<2x128xi32, #tpu.memory_space<vmem>>) target_semaphore(%arg12 : memref<!tpu.dma_semaphore, #tpu.memory_space<semaphore_mem>>)
    %dma_wait3A = arith.constant 0 : i32
    %dma_wait3A_30 = arith.constant 0 : i32
    %dma_wait3A_31 = tpu.memref_slice %arg3[%add3A, %dma_wait3A, %dma_wait3A_30] : memref<32x160x128xi32, #tpu.memory_space<hbm>> -> memref<1x160x128xi32, #tpu.memory_space<hbm>>
    %dma_wait3A_32 = tpu.memref_squeeze %dma_wait3A_31 : memref<1x160x128xi32, #tpu.memory_space<hbm>> -> memref<160x128xi32, #tpu.memory_space<hbm>>
    %dma_wait3A_33 = arith.constant 0 : i32
    %dma_wait3A_34 = arith.constant 0 : i32
    %dma_wait3A_35 = tpu.memref_slice %dma_wait3A_32[%dma_wait3A_33, %dma_wait3A_34] : memref<160x128xi32, #tpu.memory_space<hbm>> -> memref<2x128xi32, #tpu.memory_space<hbm>>
    %dma_wait3A_36 = arith.constant 0 : i32
    %dma_wait3A_37 = arith.constant 0 : i32
    %dma_wait3A_38 = tpu.memref_slice %arg3[%add3A, %dma_wait3A_36, %dma_wait3A_37] : memref<32x160x128xi32, #tpu.memory_space<hbm>> -> memref<1x160x128xi32, #tpu.memory_space<hbm>>
    %dma_wait3A_39 = tpu.memref_squeeze %dma_wait3A_38 : memref<1x160x128xi32, #tpu.memory_space<hbm>> -> memref<160x128xi32, #tpu.memory_space<hbm>>
    %dma_wait3A_40 = arith.constant 0 : i32
    %dma_wait3A_41 = arith.constant 0 : i32
    %dma_wait3A_42 = tpu.memref_slice %dma_wait3A_39[%dma_wait3A_40, %dma_wait3A_41] : memref<160x128xi32, #tpu.memory_space<hbm>> -> memref<2x128xi32, #tpu.memory_space<hbm>>
    tpu.wait_dma2 semaphore(%arg11 : memref<!tpu.dma_semaphore, #tpu.memory_space<semaphore_mem>>) src(%dma_wait3A_42 : memref<2x128xi32, #tpu.memory_space<hbm>>) dst(%arg6 : memref<2x128xi32, #tpu.memory_space<vmem>>)
    %dma_start3A_43 = arith.constant 0 : i32
    %dma_start3A_44 = arith.constant 0 : i32
    %dma_start3A_45 = tpu.memref_slice %arg6[%dma_start3A_43, %dma_start3A_44] : memref<2x128xi32, #tpu.memory_space<vmem>> -> memref<1x128xi32, #tpu.memory_space<vmem>>
    %dma_start3A_46 = tpu.memref_squeeze %dma_start3A_45 : memref<1x128xi32, #tpu.memory_space<vmem>> -> memref<128xi32, #tpu.memory_space<vmem>>
    %dma_start3A_47 = arith.constant 0 : i32
    %dma_start3A_48 = arith.constant 0 : i32
    %dma_start3A_49 = tpu.memref_slice %arg2[%dma_start3A_47, %dma_start3A_48] : memref<10240x128xf32, #tpu.memory_space<hbm>> -> memref<10240x128xf32, #tpu.memory_space<hbm>>
    tpu.enqueue_indirect_dma source(%dma_start3A_49 : memref<10240x128xf32, #tpu.memory_space<hbm>>) target(%arg8 : memref<128x128xf32, #tpu.memory_space<vmem>>) offsets(%dma_start3A_46 : memref<128xi32, #tpu.memory_space<vmem>>) semaphore(%arg13 : memref<!tpu.dma_semaphore, #tpu.memory_space<semaphore_mem>>)
    %scan3A = arith.constant 0 : i32
    %scan3A_50 = arith.constant 0 : i32
    %scan3A_51 = arith.constant 40 : i32
    %scan3A_52 = arith.addi %scan3A_50, %scan3A_51 : i32
    %scan3A_53 = arith.constant 1 : i32
    scf.for %scan3A_56 = %scan3A_50 to %scan3A_52 step %scan3A_53  : i32 {
      %mul3A_57 = arith.constant 2 : i32
      %mul3A_58 = arith.muli %mul3A_57, %scan3A_56 : i32
      %dma_wait3A_59 = arith.constant 0 : i32
      %dma_wait3A_60 = arith.constant 0 : i32
      %dma_wait3A_61 = tpu.memref_slice %arg3[%add3A, %dma_wait3A_59, %dma_wait3A_60] : memref<32x160x128xi32, #tpu.memory_space<hbm>> -> memref<1x160x128xi32, #tpu.memory_space<hbm>>
      %dma_wait3A_62 = tpu.memref_squeeze %dma_wait3A_61 : memref<1x160x128xi32, #tpu.memory_space<hbm>> -> memref<160x128xi32, #tpu.memory_space<hbm>>
      %dma_wait3A_63 = arith.constant 0 : i32
      %dma_wait3A_64 = arith.constant 0 : i32
      %dma_wait3A_65 = tpu.memref_slice %dma_wait3A_62[%dma_wait3A_63, %dma_wait3A_64] : memref<160x128xi32, #tpu.memory_space<hbm>> -> memref<2x128xi32, #tpu.memory_space<hbm>>
      %dma_wait3A_66 = arith.constant 0 : i32
      %dma_wait3A_67 = arith.constant 0 : i32
      %dma_wait3A_68 = tpu.memref_slice %arg3[%add3A, %dma_wait3A_66, %dma_wait3A_67] : memref<32x160x128xi32, #tpu.memory_space<hbm>> -> memref<1x160x128xi32, #tpu.memory_space<hbm>>
      %dma_wait3A_69 = tpu.memref_squeeze %dma_wait3A_68 : memref<1x160x128xi32, #tpu.memory_space<hbm>> -> memref<160x128xi32, #tpu.memory_space<hbm>>
      %dma_wait3A_70 = arith.constant 0 : i32
      %dma_wait3A_71 = arith.constant 0 : i32
      %dma_wait3A_72 = tpu.memref_slice %dma_wait3A_69[%dma_wait3A_70, %dma_wait3A_71] : memref<160x128xi32, #tpu.memory_space<hbm>> -> memref<2x128xi32, #tpu.memory_space<hbm>>
      tpu.wait_dma2 semaphore(%arg12 : memref<!tpu.dma_semaphore, #tpu.memory_space<semaphore_mem>>) src(%dma_wait3A_72 : memref<2x128xi32, #tpu.memory_space<hbm>>) dst(%arg7 : memref<2x128xi32, #tpu.memory_space<vmem>>)
      %dma_start3A_73 = arith.constant 0 : i32
      %dma_start3A_74 = arith.constant 0 : i32
      %dma_start3A_75 = tpu.memref_slice %arg7[%dma_start3A_73, %dma_start3A_74] : memref<2x128xi32, #tpu.memory_space<vmem>> -> memref<1x128xi32, #tpu.memory_space<vmem>>
      %dma_start3A_76 = tpu.memref_squeeze %dma_start3A_75 : memref<1x128xi32, #tpu.memory_space<vmem>> -> memref<128xi32, #tpu.memory_space<vmem>>
      %dma_start3A_77 = arith.constant 0 : i32
      %dma_start3A_78 = arith.constant 0 : i32
      %dma_start3A_79 = tpu.memref_slice %arg2[%dma_start3A_77, %dma_start3A_78] : memref<10240x128xf32, #tpu.memory_space<hbm>> -> memref<10240x128xf32, #tpu.memory_space<hbm>>
      tpu.enqueue_indirect_dma source(%dma_start3A_79 : memref<10240x128xf32, #tpu.memory_space<hbm>>) target(%arg9 : memref<128x128xf32, #tpu.memory_space<vmem>>) offsets(%dma_start3A_76 : memref<128xi32, #tpu.memory_space<vmem>>) semaphore(%arg14 : memref<!tpu.dma_semaphore, #tpu.memory_space<semaphore_mem>>)
      %add3A_80 = arith.constant 2 : i32
      %add3A_81 = arith.addi %mul3A_58, %add3A_80 : i32
      %dma_wait3A_82 = arith.constant 0 : i32
      %dma_wait3A_83 = arith.constant 0 : i32
      %dma_wait3A_84 = tpu.memref_slice %arg6[%dma_wait3A_82, %dma_wait3A_83] : memref<2x128xi32, #tpu.memory_space<vmem>> -> memref<1x128xi32, #tpu.memory_space<vmem>>
      %dma_wait3A_85 = tpu.memref_squeeze %dma_wait3A_84 : memref<1x128xi32, #tpu.memory_space<vmem>> -> memref<128xi32, #tpu.memory_space<vmem>>
      %dma_wait3A_86 = arith.constant 0 : i32
      %dma_wait3A_87 = arith.constant 0 : i32
      %dma_wait3A_88 = tpu.memref_slice %arg2[%dma_wait3A_86, %dma_wait3A_87] : memref<10240x128xf32, #tpu.memory_space<hbm>> -> memref<10240x128xf32, #tpu.memory_space<hbm>>
      tpu.wait_indirect_dma semaphore(%arg13 : memref<!tpu.dma_semaphore, #tpu.memory_space<semaphore_mem>>) src(%dma_wait3A_88 : memref<10240x128xf32, #tpu.memory_space<hbm>>) dst(%arg8 : memref<128x128xf32, #tpu.memory_space<vmem>>)
      %run_scoped3A = arith.constant 1 : i32
      "tpu.region"() ({
        %run_scoped3A_106 = tpu.sem_alloc : memref<!tpu.dma_semaphore, #tpu.memory_space<semaphore_mem>>
        %dma_start3A_107 = arith.constant 0 : i32
        %dma_start3A_108 = tpu.memref_slice %arg6[%run_scoped3A, %dma_start3A_107] : memref<2x128xi32, #tpu.memory_space<vmem>> -> memref<1x128xi32, #tpu.memory_space<vmem>>
        %dma_start3A_109 = tpu.memref_squeeze %dma_start3A_108 : memref<1x128xi32, #tpu.memory_space<vmem>> -> memref<128xi32, #tpu.memory_space<vmem>>
        %dma_start3A_110 = arith.constant 0 : i32
        %dma_start3A_111 = arith.constant 0 : i32
        %dma_start3A_112 = tpu.memref_slice %arg10[%dma_start3A_110, %dma_start3A_111] : memref<10112x128xf32, #tpu.memory_space<vmem_shared>> -> memref<10112x128xf32, #tpu.memory_space<vmem_shared>>
        tpu.enqueue_indirect_dma source(%arg8 : memref<128x128xf32, #tpu.memory_space<vmem>>) target(%dma_start3A_112 : memref<10112x128xf32, #tpu.memory_space<vmem_shared>>) offsets(%dma_start3A_109 : memref<128xi32, #tpu.memory_space<vmem>>) semaphore(%run_scoped3A_106 : memref<!tpu.dma_semaphore, #tpu.memory_space<semaphore_mem>>) {add = true}
        %dma_wait3A_113 = arith.constant 0 : i32
        %dma_wait3A_114 = tpu.memref_slice %arg6[%run_scoped3A, %dma_wait3A_113] : memref<2x128xi32, #tpu.memory_space<vmem>> -> memref<1x128xi32, #tpu.memory_space<vmem>>
        %dma_wait3A_115 = tpu.memref_squeeze %dma_wait3A_114 : memref<1x128xi32, #tpu.memory_space<vmem>> -> memref<128xi32, #tpu.memory_space<vmem>>
        %dma_wait3A_116 = arith.constant 0 : i32
        %dma_wait3A_117 = arith.constant 0 : i32
        %dma_wait3A_118 = tpu.memref_slice %arg10[%dma_wait3A_116, %dma_wait3A_117] : memref<10112x128xf32, #tpu.memory_space<vmem_shared>> -> memref<10112x128xf32, #tpu.memory_space<vmem_shared>>
        tpu.wait_indirect_dma semaphore(%run_scoped3A_106 : memref<!tpu.dma_semaphore, #tpu.memory_space<semaphore_mem>>) src(%arg8 : memref<128x128xf32, #tpu.memory_space<vmem>>) dst(%dma_wait3A_118 : memref<10112x128xf32, #tpu.memory_space<vmem_shared>>)
        tpu.yield
      }) : () -> ()
      %lt3A = arith.constant 80 : i32
      %lt3A_89 = arith.cmpi slt, %add3A_81, %lt3A : i32
      %convert_element_type3A = arith.extui %lt3A_89 : i1 to i32
      %cond3A = arith.constant 0 : i32
      %cond3A_90 = arith.cmpi ne, %convert_element_type3A, %cond3A : i32
      scf.if %cond3A_90 {
        %mul3A_106 = arith.constant 2 : i32
        %mul3A_107 = arith.muli %mul3A_106, %add3A_81 : i32
        %dma_start3A_108 = arith.constant 0 : i32
        %dma_start3A_109 = arith.constant 0 : i32
        %dma_start3A_110 = tpu.memref_slice %arg3[%add3A, %dma_start3A_108, %dma_start3A_109] : memref<32x160x128xi32, #tpu.memory_space<hbm>> -> memref<1x160x128xi32, #tpu.memory_space<hbm>>
        %dma_start3A_111 = tpu.memref_squeeze %dma_start3A_110 : memref<1x160x128xi32, #tpu.memory_space<hbm>> -> memref<160x128xi32, #tpu.memory_space<hbm>>
        %dma_start3A_112 = arith.constant 0 : i32
        %dma_start3A_113 = tpu.memref_slice %dma_start3A_111[%mul3A_107, %dma_start3A_112] : memref<160x128xi32, #tpu.memory_space<hbm>> -> memref<2x128xi32, #tpu.memory_space<hbm>>
        %dma_start3A_114 = arith.constant 0 : i32
        %dma_start3A_115 = arith.constant 0 : i32
        %dma_start3A_116 = tpu.memref_slice %arg3[%add3A, %dma_start3A_114, %dma_start3A_115] : memref<32x160x128xi32, #tpu.memory_space<hbm>> -> memref<1x160x128xi32, #tpu.memory_space<hbm>>
        %dma_start3A_117 = tpu.memref_squeeze %dma_start3A_116 : memref<1x160x128xi32, #tpu.memory_space<hbm>> -> memref<160x128xi32, #tpu.memory_space<hbm>>
        %dma_start3A_118 = arith.constant 0 : i32
        %dma_start3A_119 = tpu.memref_slice %dma_start3A_117[%mul3A_107, %dma_start3A_118] : memref<160x128xi32, #tpu.memory_space<hbm>> -> memref<2x128xi32, #tpu.memory_space<hbm>>
        tpu.enqueue_dma source(%dma_start3A_119 : memref<2x128xi32, #tpu.memory_space<hbm>>) target(%arg6 : memref<2x128xi32, #tpu.memory_space<vmem>>) target_semaphore(%arg11 : memref<!tpu.dma_semaphore, #tpu.memory_space<semaphore_mem>>)
        %dma_wait3A_120 = arith.constant 0 : i32
        %dma_wait3A_121 = arith.constant 0 : i32
        %dma_wait3A_122 = tpu.memref_slice %arg3[%add3A, %dma_wait3A_120, %dma_wait3A_121] : memref<32x160x128xi32, #tpu.memory_space<hbm>> -> memref<1x160x128xi32, #tpu.memory_space<hbm>>
        %dma_wait3A_123 = tpu.memref_squeeze %dma_wait3A_122 : memref<1x160x128xi32, #tpu.memory_space<hbm>> -> memref<160x128xi32, #tpu.memory_space<hbm>>
        %dma_wait3A_124 = arith.constant 0 : i32
        %dma_wait3A_125 = arith.constant 0 : i32
        %dma_wait3A_126 = tpu.memref_slice %dma_wait3A_123[%dma_wait3A_124, %dma_wait3A_125] : memref<160x128xi32, #tpu.memory_space<hbm>> -> memref<2x128xi32, #tpu.memory_space<hbm>>
        %dma_wait3A_127 = arith.constant 0 : i32
        %dma_wait3A_128 = arith.constant 0 : i32
        %dma_wait3A_129 = tpu.memref_slice %arg3[%add3A, %dma_wait3A_127, %dma_wait3A_128] : memref<32x160x128xi32, #tpu.memory_space<hbm>> -> memref<1x160x128xi32, #tpu.memory_space<hbm>>
        %dma_wait3A_130 = tpu.memref_squeeze %dma_wait3A_129 : memref<1x160x128xi32, #tpu.memory_space<hbm>> -> memref<160x128xi32, #tpu.memory_space<hbm>>
        %dma_wait3A_131 = arith.constant 0 : i32
        %dma_wait3A_132 = arith.constant 0 : i32
        %dma_wait3A_133 = tpu.memref_slice %dma_wait3A_130[%dma_wait3A_131, %dma_wait3A_132] : memref<160x128xi32, #tpu.memory_space<hbm>> -> memref<2x128xi32, #tpu.memory_space<hbm>>
        tpu.wait_dma2 semaphore(%arg11 : memref<!tpu.dma_semaphore, #tpu.memory_space<semaphore_mem>>) src(%dma_wait3A_133 : memref<2x128xi32, #tpu.memory_space<hbm>>) dst(%arg6 : memref<2x128xi32, #tpu.memory_space<vmem>>)
        %dma_start3A_134 = arith.constant 0 : i32
        %dma_start3A_135 = arith.constant 0 : i32
        %dma_start3A_136 = tpu.memref_slice %arg6[%dma_start3A_134, %dma_start3A_135] : memref<2x128xi32, #tpu.memory_space<vmem>> -> memref<1x128xi32, #tpu.memory_space<vmem>>
        %dma_start3A_137 = tpu.memref_squeeze %dma_start3A_136 : memref<1x128xi32, #tpu.memory_space<vmem>> -> memref<128xi32, #tpu.memory_space<vmem>>
        %dma_start3A_138 = arith.constant 0 : i32
        %dma_start3A_139 = arith.constant 0 : i32
        %dma_start3A_140 = tpu.memref_slice %arg2[%dma_start3A_138, %dma_start3A_139] : memref<10240x128xf32, #tpu.memory_space<hbm>> -> memref<10240x128xf32, #tpu.memory_space<hbm>>
        tpu.enqueue_indirect_dma source(%dma_start3A_140 : memref<10240x128xf32, #tpu.memory_space<hbm>>) target(%arg8 : memref<128x128xf32, #tpu.memory_space<vmem>>) offsets(%dma_start3A_137 : memref<128xi32, #tpu.memory_space<vmem>>) semaphore(%arg13 : memref<!tpu.dma_semaphore, #tpu.memory_space<semaphore_mem>>)
      } else {
      }
      %dma_wait3A_91 = arith.constant 0 : i32
      %dma_wait3A_92 = arith.constant 0 : i32
      %dma_wait3A_93 = tpu.memref_slice %arg6[%dma_wait3A_91, %dma_wait3A_92] : memref<2x128xi32, #tpu.memory_space<vmem>> -> memref<1x128xi32, #tpu.memory_space<vmem>>
      %dma_wait3A_94 = tpu.memref_squeeze %dma_wait3A_93 : memref<1x128xi32, #tpu.memory_space<vmem>> -> memref<128xi32, #tpu.memory_space<vmem>>
      %dma_wait3A_95 = arith.constant 0 : i32
      %dma_wait3A_96 = arith.constant 0 : i32
      %dma_wait3A_97 = tpu.memref_slice %arg2[%dma_wait3A_95, %dma_wait3A_96] : memref<10240x128xf32, #tpu.memory_space<hbm>> -> memref<10240x128xf32, #tpu.memory_space<hbm>>
      tpu.wait_indirect_dma semaphore(%arg14 : memref<!tpu.dma_semaphore, #tpu.memory_space<semaphore_mem>>) src(%dma_wait3A_97 : memref<10240x128xf32, #tpu.memory_space<hbm>>) dst(%arg9 : memref<128x128xf32, #tpu.memory_space<vmem>>)
      %run_scoped3A_98 = arith.constant 1 : i32
      "tpu.region"() ({
        %run_scoped3A_106 = tpu.sem_alloc : memref<!tpu.dma_semaphore, #tpu.memory_space<semaphore_mem>>
        %dma_start3A_107 = arith.constant 0 : i32
        %dma_start3A_108 = tpu.memref_slice %arg7[%run_scoped3A_98, %dma_start3A_107] : memref<2x128xi32, #tpu.memory_space<vmem>> -> memref<1x128xi32, #tpu.memory_space<vmem>>
        %dma_start3A_109 = tpu.memref_squeeze %dma_start3A_108 : memref<1x128xi32, #tpu.memory_space<vmem>> -> memref<128xi32, #tpu.memory_space<vmem>>
        %dma_start3A_110 = arith.constant 0 : i32
        %dma_start3A_111 = arith.constant 0 : i32
        %dma_start3A_112 = tpu.memref_slice %arg10[%dma_start3A_110, %dma_start3A_111] : memref<10112x128xf32, #tpu.memory_space<vmem_shared>> -> memref<10112x128xf32, #tpu.memory_space<vmem_shared>>
        tpu.enqueue_indirect_dma source(%arg9 : memref<128x128xf32, #tpu.memory_space<vmem>>) target(%dma_start3A_112 : memref<10112x128xf32, #tpu.memory_space<vmem_shared>>) offsets(%dma_start3A_109 : memref<128xi32, #tpu.memory_space<vmem>>) semaphore(%run_scoped3A_106 : memref<!tpu.dma_semaphore, #tpu.memory_space<semaphore_mem>>) {add = true}
        %dma_wait3A_113 = arith.constant 0 : i32
        %dma_wait3A_114 = tpu.memref_slice %arg7[%run_scoped3A_98, %dma_wait3A_113] : memref<2x128xi32, #tpu.memory_space<vmem>> -> memref<1x128xi32, #tpu.memory_space<vmem>>
        %dma_wait3A_115 = tpu.memref_squeeze %dma_wait3A_114 : memref<1x128xi32, #tpu.memory_space<vmem>> -> memref<128xi32, #tpu.memory_space<vmem>>
        %dma_wait3A_116 = arith.constant 0 : i32
        %dma_wait3A_117 = arith.constant 0 : i32
        %dma_wait3A_118 = tpu.memref_slice %arg10[%dma_wait3A_116, %dma_wait3A_117] : memref<10112x128xf32, #tpu.memory_space<vmem_shared>> -> memref<10112x128xf32, #tpu.memory_space<vmem_shared>>
        tpu.wait_indirect_dma semaphore(%run_scoped3A_106 : memref<!tpu.dma_semaphore, #tpu.memory_space<semaphore_mem>>) src(%arg9 : memref<128x128xf32, #tpu.memory_space<vmem>>) dst(%dma_wait3A_118 : memref<10112x128xf32, #tpu.memory_space<vmem_shared>>)
        tpu.yield
      }) : () -> ()
      %add3A_99 = arith.constant 3 : i32
      %add3A_100 = arith.addi %mul3A_58, %add3A_99 : i32
      %lt3A_101 = arith.constant 80 : i32
      %lt3A_102 = arith.cmpi slt, %add3A_100, %lt3A_101 : i32
      %convert_element_type3A_103 = arith.extui %lt3A_102 : i1 to i32
      %cond3A_104 = arith.constant 0 : i32
      %cond3A_105 = arith.cmpi ne, %convert_element_type3A_103, %cond3A_104 : i32
      scf.if %cond3A_105 {
        %add3A_106 = arith.constant 3 : i32
        %add3A_107 = arith.addi %mul3A_58, %add3A_106 : i32
        %mul3A_108 = arith.constant 2 : i32
        %mul3A_109 = arith.muli %mul3A_108, %add3A_107 : i32
        %dma_start3A_110 = arith.constant 0 : i32
        %dma_start3A_111 = arith.constant 0 : i32
        %dma_start3A_112 = tpu.memref_slice %arg3[%add3A, %dma_start3A_110, %dma_start3A_111] : memref<32x160x128xi32, #tpu.memory_space<hbm>> -> memref<1x160x128xi32, #tpu.memory_space<hbm>>
        %dma_start3A_113 = tpu.memref_squeeze %dma_start3A_112 : memref<1x160x128xi32, #tpu.memory_space<hbm>> -> memref<160x128xi32, #tpu.memory_space<hbm>>
        %dma_start3A_114 = arith.constant 0 : i32
        %dma_start3A_115 = tpu.memref_slice %dma_start3A_113[%mul3A_109, %dma_start3A_114] : memref<160x128xi32, #tpu.memory_space<hbm>> -> memref<2x128xi32, #tpu.memory_space<hbm>>
        %dma_start3A_116 = arith.constant 0 : i32
        %dma_start3A_117 = arith.constant 0 : i32
        %dma_start3A_118 = tpu.memref_slice %arg3[%add3A, %dma_start3A_116, %dma_start3A_117] : memref<32x160x128xi32, #tpu.memory_space<hbm>> -> memref<1x160x128xi32, #tpu.memory_space<hbm>>
        %dma_start3A_119 = tpu.memref_squeeze %dma_start3A_118 : memref<1x160x128xi32, #tpu.memory_space<hbm>> -> memref<160x128xi32, #tpu.memory_space<hbm>>
        %dma_start3A_120 = arith.constant 0 : i32
        %dma_start3A_121 = tpu.memref_slice %dma_start3A_119[%mul3A_109, %dma_start3A_120] : memref<160x128xi32, #tpu.memory_space<hbm>> -> memref<2x128xi32, #tpu.memory_space<hbm>>
        tpu.enqueue_dma source(%dma_start3A_121 : memref<2x128xi32, #tpu.memory_space<hbm>>) target(%arg7 : memref<2x128xi32, #tpu.memory_space<vmem>>) target_semaphore(%arg12 : memref<!tpu.dma_semaphore, #tpu.memory_space<semaphore_mem>>)
      } else {
      }
    }
    %scan3A_54 = arith.constant 40 : i32
    %barrier3A_55 = arith.constant 0 : index
    tpu.barrier barrier_id(%barrier3A_55)
    "tpu.region"() ({
      %run_scoped3A = tpu.sem_alloc : memref<!tpu.dma_semaphore, #tpu.memory_space<semaphore_mem>>
      %dma_start3A_56 = arith.constant 0 : i32
      %dma_start3A_57 = tpu.memref_slice %arg5[%arg0, %mul3A_0, %dma_start3A_56] : memref<2x10240x128xf32, #tpu.memory_space<hbm>> -> memref<1x632x128xf32, #tpu.memory_space<hbm>>
      %dma_start3A_58 = tpu.memref_squeeze %dma_start3A_57 : memref<1x632x128xf32, #tpu.memory_space<hbm>> -> memref<632x128xf32, #tpu.memory_space<hbm>>
      %dma_start3A_59 = arith.constant 0 : i32
      %dma_start3A_60 = tpu.memref_slice %arg10[%mul3A_0, %dma_start3A_59] : memref<10112x128xf32, #tpu.memory_space<vmem_shared>> -> memref<632x128xf32, #tpu.memory_space<vmem_shared>>
      tpu.enqueue_dma source(%dma_start3A_60 : memref<632x128xf32, #tpu.memory_space<vmem_shared>>) target(%dma_start3A_58 : memref<632x128xf32, #tpu.memory_space<hbm>>) target_semaphore(%run_scoped3A : memref<!tpu.dma_semaphore, #tpu.memory_space<semaphore_mem>>)
      %dma_wait3A_61 = arith.constant 0 : i32
      %dma_wait3A_62 = tpu.memref_slice %arg5[%arg0, %mul3A_0, %dma_wait3A_61] : memref<2x10240x128xf32, #tpu.memory_space<hbm>> -> memref<1x632x128xf32, #tpu.memory_space<hbm>>
      %dma_wait3A_63 = tpu.memref_squeeze %dma_wait3A_62 : memref<1x632x128xf32, #tpu.memory_space<hbm>> -> memref<632x128xf32, #tpu.memory_space<hbm>>
      %dma_wait3A_64 = arith.constant 0 : i32
      %dma_wait3A_65 = tpu.memref_slice %arg10[%mul3A_0, %dma_wait3A_64] : memref<10112x128xf32, #tpu.memory_space<vmem_shared>> -> memref<632x128xf32, #tpu.memory_space<vmem_shared>>
      tpu.wait_dma2 semaphore(%run_scoped3A : memref<!tpu.dma_semaphore, #tpu.memory_space<semaphore_mem>>) src(%dma_wait3A_65 : memref<632x128xf32, #tpu.memory_space<vmem_shared>>) dst(%dma_wait3A_63 : memref<632x128xf32, #tpu.memory_space<hbm>>)
      tpu.yield
    }) : () -> ()
    return
  }
}

#map = affine_map<(d0, d1) -> (0, 0, 0)>
#map1 = affine_map<(d0, d1) -> (0, 0)>
module attributes {stable_mosaic.version = 14 : i64} {
  func.func @deg(%arg0: i32, %arg1: i32, %arg2: memref<32x160x128xi32, #tpu.memory_space<hbm>>, %arg3: memref<128x16xf32, #tpu.memory_space<hbm>>, %arg4: memref<10240x16xf32, #tpu.memory_space<hbm>>, %arg5: memref<2x10240x16xf32, #tpu.memory_space<hbm>>, %arg6: memref<2x128xi32, #tpu.memory_space<vmem>>, %arg7: memref<2x128xi32, #tpu.memory_space<vmem>>, %arg8: memref<2x128xi32, #tpu.memory_space<vmem>>, %arg9: memref<2x128xi32, #tpu.memory_space<vmem>>, %arg10: memref<128x16xf32, #tpu.memory_space<vmem>>, %arg11: memref<10112x16xf32, #tpu.memory_space<vmem_shared>>, %arg12: memref<!tpu.dma_semaphore, #tpu.memory_space<semaphore_mem>>, %arg13: memref<!tpu.dma_semaphore, #tpu.memory_space<semaphore_mem>>, %arg14: memref<!tpu.dma_semaphore, #tpu.memory_space<semaphore_mem>>, %arg15: memref<!tpu.dma_semaphore, #tpu.memory_space<semaphore_mem>>, %arg16: memref<!tpu.dma_semaphore, #tpu.memory_space<semaphore_mem>>, %arg17: memref<!tpu.dma_semaphore, #tpu.memory_space<semaphore_mem>>, %arg18: memref<!tpu.dma_semaphore, #tpu.memory_space<semaphore_mem>>, %arg19: memref<!tpu.dma_semaphore, #tpu.memory_space<semaphore_mem>>) attributes {dimension_semantics = [#tpu.dimension_semantics<core_parallel>, #tpu.dimension_semantics<subcore_parallel>], iteration_bounds = array<i64: 2, 16>, scalar_prefetch = 0 : i64, scratch_operands = 14 : i64, tpu.core_type = #tpu.core_type<sc_vector_subcore>, window_params = [{transform_indices = #map}, {transform_indices = #map1}, {transform_indices = #map1}, {transform_indices = #map}]} {
    %mul3A = arith.constant 632 : i32
    %mul3A_0 = arith.muli %arg1, %mul3A : i32
    %mul3A_1 = arith.constant 16 : i32
    %mul3A_2 = arith.muli %arg0, %mul3A_1 : i32
    %add3A = arith.addi %mul3A_2, %arg1 : i32
    %dma_start3A = arith.constant 0 : i32
    %dma_start3A_3 = arith.constant 0 : i32
    %dma_start3A_4 = tpu.memref_slice %arg2[%add3A, %dma_start3A, %dma_start3A_3] : memref<32x160x128xi32, #tpu.memory_space<hbm>> -> memref<1x160x128xi32, #tpu.memory_space<hbm>>
    %dma_start3A_5 = tpu.memref_squeeze %dma_start3A_4 : memref<1x160x128xi32, #tpu.memory_space<hbm>> -> memref<160x128xi32, #tpu.memory_space<hbm>>
    %dma_start3A_6 = arith.constant 0 : i32
    %dma_start3A_7 = arith.constant 0 : i32
    %dma_start3A_8 = tpu.memref_slice %dma_start3A_5[%dma_start3A_6, %dma_start3A_7] : memref<160x128xi32, #tpu.memory_space<hbm>> -> memref<2x128xi32, #tpu.memory_space<hbm>>
    %dma_start3A_9 = arith.constant 0 : i32
    %dma_start3A_10 = arith.constant 0 : i32
    %dma_start3A_11 = tpu.memref_slice %arg2[%add3A, %dma_start3A_9, %dma_start3A_10] : memref<32x160x128xi32, #tpu.memory_space<hbm>> -> memref<1x160x128xi32, #tpu.memory_space<hbm>>
    %dma_start3A_12 = tpu.memref_squeeze %dma_start3A_11 : memref<1x160x128xi32, #tpu.memory_space<hbm>> -> memref<160x128xi32, #tpu.memory_space<hbm>>
    %dma_start3A_13 = arith.constant 0 : i32
    %dma_start3A_14 = arith.constant 0 : i32
    %dma_start3A_15 = tpu.memref_slice %dma_start3A_12[%dma_start3A_13, %dma_start3A_14] : memref<160x128xi32, #tpu.memory_space<hbm>> -> memref<2x128xi32, #tpu.memory_space<hbm>>
    tpu.enqueue_dma source(%dma_start3A_15 : memref<2x128xi32, #tpu.memory_space<hbm>>) target(%arg6 : memref<2x128xi32, #tpu.memory_space<vmem>>) target_semaphore(%arg12 : memref<!tpu.dma_semaphore, #tpu.memory_space<semaphore_mem>>)
    %dma_start3A_16 = arith.constant 0 : i32
    %dma_start3A_17 = arith.constant 0 : i32
    %dma_start3A_18 = tpu.memref_slice %arg2[%add3A, %dma_start3A_16, %dma_start3A_17] : memref<32x160x128xi32, #tpu.memory_space<hbm>> -> memref<1x160x128xi32, #tpu.memory_space<hbm>>
    %dma_start3A_19 = tpu.memref_squeeze %dma_start3A_18 : memref<1x160x128xi32, #tpu.memory_space<hbm>> -> memref<160x128xi32, #tpu.memory_space<hbm>>
    %dma_start3A_20 = arith.constant 2 : i32
    %dma_start3A_21 = arith.constant 0 : i32
    %dma_start3A_22 = tpu.memref_slice %dma_start3A_19[%dma_start3A_20, %dma_start3A_21] : memref<160x128xi32, #tpu.memory_space<hbm>> -> memref<2x128xi32, #tpu.memory_space<hbm>>
    %dma_start3A_23 = arith.constant 0 : i32
    %dma_start3A_24 = arith.constant 0 : i32
    %dma_start3A_25 = tpu.memref_slice %arg2[%add3A, %dma_start3A_23, %dma_start3A_24] : memref<32x160x128xi32, #tpu.memory_space<hbm>> -> memref<1x160x128xi32, #tpu.memory_space<hbm>>
    %dma_start3A_26 = tpu.memref_squeeze %dma_start3A_25 : memref<1x160x128xi32, #tpu.memory_space<hbm>> -> memref<160x128xi32, #tpu.memory_space<hbm>>
    %dma_start3A_27 = arith.constant 2 : i32
    %dma_start3A_28 = arith.constant 0 : i32
    %dma_start3A_29 = tpu.memref_slice %dma_start3A_26[%dma_start3A_27, %dma_start3A_28] : memref<160x128xi32, #tpu.memory_space<hbm>> -> memref<2x128xi32, #tpu.memory_space<hbm>>
    tpu.enqueue_dma source(%dma_start3A_29 : memref<2x128xi32, #tpu.memory_space<hbm>>) target(%arg7 : memref<2x128xi32, #tpu.memory_space<vmem>>) target_semaphore(%arg13 : memref<!tpu.dma_semaphore, #tpu.memory_space<semaphore_mem>>)
    %dma_start3A_30 = arith.constant 0 : i32
    %dma_start3A_31 = arith.constant 0 : i32
    %dma_start3A_32 = tpu.memref_slice %arg2[%add3A, %dma_start3A_30, %dma_start3A_31] : memref<32x160x128xi32, #tpu.memory_space<hbm>> -> memref<1x160x128xi32, #tpu.memory_space<hbm>>
    %dma_start3A_33 = tpu.memref_squeeze %dma_start3A_32 : memref<1x160x128xi32, #tpu.memory_space<hbm>> -> memref<160x128xi32, #tpu.memory_space<hbm>>
    %dma_start3A_34 = arith.constant 4 : i32
    %dma_start3A_35 = arith.constant 0 : i32
    %dma_start3A_36 = tpu.memref_slice %dma_start3A_33[%dma_start3A_34, %dma_start3A_35] : memref<160x128xi32, #tpu.memory_space<hbm>> -> memref<2x128xi32, #tpu.memory_space<hbm>>
    %dma_start3A_37 = arith.constant 0 : i32
    %dma_start3A_38 = arith.constant 0 : i32
    %dma_start3A_39 = tpu.memref_slice %arg2[%add3A, %dma_start3A_37, %dma_start3A_38] : memref<32x160x128xi32, #tpu.memory_space<hbm>> -> memref<1x160x128xi32, #tpu.memory_space<hbm>>
    %dma_start3A_40 = tpu.memref_squeeze %dma_start3A_39 : memref<1x160x128xi32, #tpu.memory_space<hbm>> -> memref<160x128xi32, #tpu.memory_space<hbm>>
    %dma_start3A_41 = arith.constant 4 : i32
    %dma_start3A_42 = arith.constant 0 : i32
    %dma_start3A_43 = tpu.memref_slice %dma_start3A_40[%dma_start3A_41, %dma_start3A_42] : memref<160x128xi32, #tpu.memory_space<hbm>> -> memref<2x128xi32, #tpu.memory_space<hbm>>
    tpu.enqueue_dma source(%dma_start3A_43 : memref<2x128xi32, #tpu.memory_space<hbm>>) target(%arg8 : memref<2x128xi32, #tpu.memory_space<vmem>>) target_semaphore(%arg14 : memref<!tpu.dma_semaphore, #tpu.memory_space<semaphore_mem>>)
    %dma_start3A_44 = arith.constant 0 : i32
    %dma_start3A_45 = arith.constant 0 : i32
    %dma_start3A_46 = tpu.memref_slice %arg2[%add3A, %dma_start3A_44, %dma_start3A_45] : memref<32x160x128xi32, #tpu.memory_space<hbm>> -> memref<1x160x128xi32, #tpu.memory_space<hbm>>
    %dma_start3A_47 = tpu.memref_squeeze %dma_start3A_46 : memref<1x160x128xi32, #tpu.memory_space<hbm>> -> memref<160x128xi32, #tpu.memory_space<hbm>>
    %dma_start3A_48 = arith.constant 6 : i32
    %dma_start3A_49 = arith.constant 0 : i32
    %dma_start3A_50 = tpu.memref_slice %dma_start3A_47[%dma_start3A_48, %dma_start3A_49] : memref<160x128xi32, #tpu.memory_space<hbm>> -> memref<2x128xi32, #tpu.memory_space<hbm>>
    %dma_start3A_51 = arith.constant 0 : i32
    %dma_start3A_52 = arith.constant 0 : i32
    %dma_start3A_53 = tpu.memref_slice %arg2[%add3A, %dma_start3A_51, %dma_start3A_52] : memref<32x160x128xi32, #tpu.memory_space<hbm>> -> memref<1x160x128xi32, #tpu.memory_space<hbm>>
    %dma_start3A_54 = tpu.memref_squeeze %dma_start3A_53 : memref<1x160x128xi32, #tpu.memory_space<hbm>> -> memref<160x128xi32, #tpu.memory_space<hbm>>
    %dma_start3A_55 = arith.constant 6 : i32
    %dma_start3A_56 = arith.constant 0 : i32
    %dma_start3A_57 = tpu.memref_slice %dma_start3A_54[%dma_start3A_55, %dma_start3A_56] : memref<160x128xi32, #tpu.memory_space<hbm>> -> memref<2x128xi32, #tpu.memory_space<hbm>>
    tpu.enqueue_dma source(%dma_start3A_57 : memref<2x128xi32, #tpu.memory_space<hbm>>) target(%arg9 : memref<2x128xi32, #tpu.memory_space<vmem>>) target_semaphore(%arg15 : memref<!tpu.dma_semaphore, #tpu.memory_space<semaphore_mem>>)
    "tpu.region"() ({
      %run_scoped3A = tpu.sem_alloc : memref<!tpu.dma_semaphore, #tpu.memory_space<semaphore_mem>>
      tpu.enqueue_dma source(%arg3 : memref<128x16xf32, #tpu.memory_space<hbm>>) target(%arg10 : memref<128x16xf32, #tpu.memory_space<vmem>>) target_semaphore(%run_scoped3A : memref<!tpu.dma_semaphore, #tpu.memory_space<semaphore_mem>>)
      tpu.wait_dma2 semaphore(%run_scoped3A : memref<!tpu.dma_semaphore, #tpu.memory_space<semaphore_mem>>) src(%arg3 : memref<128x16xf32, #tpu.memory_space<hbm>>) dst(%arg10 : memref<128x16xf32, #tpu.memory_space<vmem>>)
      tpu.yield
    }) : () -> ()
    "tpu.region"() ({
      %run_scoped3A = tpu.sem_alloc : memref<!tpu.dma_semaphore, #tpu.memory_space<semaphore_mem>>
      %dma_start3A_91 = arith.constant 0 : i32
      %dma_start3A_92 = tpu.memref_slice %arg11[%mul3A_0, %dma_start3A_91] : memref<10112x16xf32, #tpu.memory_space<vmem_shared>> -> memref<632x16xf32, #tpu.memory_space<vmem_shared>>
      %dma_start3A_93 = arith.constant 0 : i32
      %dma_start3A_94 = tpu.memref_slice %arg4[%mul3A_0, %dma_start3A_93] : memref<10240x16xf32, #tpu.memory_space<hbm>> -> memref<632x16xf32, #tpu.memory_space<hbm>>
      tpu.enqueue_dma source(%dma_start3A_94 : memref<632x16xf32, #tpu.memory_space<hbm>>) target(%dma_start3A_92 : memref<632x16xf32, #tpu.memory_space<vmem_shared>>) target_semaphore(%run_scoped3A : memref<!tpu.dma_semaphore, #tpu.memory_space<semaphore_mem>>)
      %dma_wait3A_95 = arith.constant 0 : i32
      %dma_wait3A_96 = tpu.memref_slice %arg11[%mul3A_0, %dma_wait3A_95] : memref<10112x16xf32, #tpu.memory_space<vmem_shared>> -> memref<632x16xf32, #tpu.memory_space<vmem_shared>>
      %dma_wait3A_97 = arith.constant 0 : i32
      %dma_wait3A_98 = tpu.memref_slice %arg4[%mul3A_0, %dma_wait3A_97] : memref<10240x16xf32, #tpu.memory_space<hbm>> -> memref<632x16xf32, #tpu.memory_space<hbm>>
      tpu.wait_dma2 semaphore(%run_scoped3A : memref<!tpu.dma_semaphore, #tpu.memory_space<semaphore_mem>>) src(%dma_wait3A_98 : memref<632x16xf32, #tpu.memory_space<hbm>>) dst(%dma_wait3A_96 : memref<632x16xf32, #tpu.memory_space<vmem_shared>>)
      tpu.yield
    }) : () -> ()
    %barrier3A = arith.constant 0 : index
    tpu.barrier barrier_id(%barrier3A)
    %scan3A = arith.constant 0 : i32
    %scan3A_58 = arith.constant 0 : i32
    %scan3A_59 = arith.constant 20 : i32
    %scan3A_60 = arith.addi %scan3A_58, %scan3A_59 : i32
    %scan3A_61 = arith.constant 1 : i32
    scf.for %scan3A_91 = %scan3A_58 to %scan3A_60 step %scan3A_61  : i32 {
      %mul3A_92 = arith.constant 4 : i32
      %mul3A_93 = arith.muli %mul3A_92, %scan3A_91 : i32
      %dma_wait3A_94 = arith.constant 0 : i32
      %dma_wait3A_95 = arith.constant 0 : i32
      %dma_wait3A_96 = tpu.memref_slice %arg2[%add3A, %dma_wait3A_94, %dma_wait3A_95] : memref<32x160x128xi32, #tpu.memory_space<hbm>> -> memref<1x160x128xi32, #tpu.memory_space<hbm>>
      %dma_wait3A_97 = tpu.memref_squeeze %dma_wait3A_96 : memref<1x160x128xi32, #tpu.memory_space<hbm>> -> memref<160x128xi32, #tpu.memory_space<hbm>>
      %dma_wait3A_98 = arith.constant 0 : i32
      %dma_wait3A_99 = arith.constant 0 : i32
      %dma_wait3A_100 = tpu.memref_slice %dma_wait3A_97[%dma_wait3A_98, %dma_wait3A_99] : memref<160x128xi32, #tpu.memory_space<hbm>> -> memref<2x128xi32, #tpu.memory_space<hbm>>
      %dma_wait3A_101 = arith.constant 0 : i32
      %dma_wait3A_102 = arith.constant 0 : i32
      %dma_wait3A_103 = tpu.memref_slice %arg2[%add3A, %dma_wait3A_101, %dma_wait3A_102] : memref<32x160x128xi32, #tpu.memory_space<hbm>> -> memref<1x160x128xi32, #tpu.memory_space<hbm>>
      %dma_wait3A_104 = tpu.memref_squeeze %dma_wait3A_103 : memref<1x160x128xi32, #tpu.memory_space<hbm>> -> memref<160x128xi32, #tpu.memory_space<hbm>>
      %dma_wait3A_105 = arith.constant 0 : i32
      %dma_wait3A_106 = arith.constant 0 : i32
      %dma_wait3A_107 = tpu.memref_slice %dma_wait3A_104[%dma_wait3A_105, %dma_wait3A_106] : memref<160x128xi32, #tpu.memory_space<hbm>> -> memref<2x128xi32, #tpu.memory_space<hbm>>
      tpu.wait_dma2 semaphore(%arg12 : memref<!tpu.dma_semaphore, #tpu.memory_space<semaphore_mem>>) src(%dma_wait3A_107 : memref<2x128xi32, #tpu.memory_space<hbm>>) dst(%arg6 : memref<2x128xi32, #tpu.memory_space<vmem>>)
      %dma_start3A_108 = arith.constant 1 : i32
      %dma_start3A_109 = arith.constant 0 : i32
      %dma_start3A_110 = tpu.memref_slice %arg6[%dma_start3A_108, %dma_start3A_109] : memref<2x128xi32, #tpu.memory_space<vmem>> -> memref<1x128xi32, #tpu.memory_space<vmem>>
      %dma_start3A_111 = tpu.memref_squeeze %dma_start3A_110 : memref<1x128xi32, #tpu.memory_space<vmem>> -> memref<128xi32, #tpu.memory_space<vmem>>
      %dma_start3A_112 = arith.constant 0 : i32
      %dma_start3A_113 = arith.constant 0 : i32
      %dma_start3A_114 = tpu.memref_slice %arg11[%dma_start3A_112, %dma_start3A_113] : memref<10112x16xf32, #tpu.memory_space<vmem_shared>> -> memref<10112x16xf32, #tpu.memory_space<vmem_shared>>
      tpu.enqueue_indirect_dma source(%arg10 : memref<128x16xf32, #tpu.memory_space<vmem>>) target(%dma_start3A_114 : memref<10112x16xf32, #tpu.memory_space<vmem_shared>>) offsets(%dma_start3A_111 : memref<128xi32, #tpu.memory_space<vmem>>) semaphore(%arg16 : memref<!tpu.dma_semaphore, #tpu.memory_space<semaphore_mem>>) {add = true}
      %dma_wait3A_115 = arith.constant 0 : i32
      %dma_wait3A_116 = arith.constant 0 : i32
      %dma_wait3A_117 = tpu.memref_slice %arg2[%add3A, %dma_wait3A_115, %dma_wait3A_116] : memref<32x160x128xi32, #tpu.memory_space<hbm>> -> memref<1x160x128xi32, #tpu.memory_space<hbm>>
      %dma_wait3A_118 = tpu.memref_squeeze %dma_wait3A_117 : memref<1x160x128xi32, #tpu.memory_space<hbm>> -> memref<160x128xi32, #tpu.memory_space<hbm>>
      %dma_wait3A_119 = arith.constant 0 : i32
      %dma_wait3A_120 = arith.constant 0 : i32
      %dma_wait3A_121 = tpu.memref_slice %dma_wait3A_118[%dma_wait3A_119, %dma_wait3A_120] : memref<160x128xi32, #tpu.memory_space<hbm>> -> memref<2x128xi32, #tpu.memory_space<hbm>>
      %dma_wait3A_122 = arith.constant 0 : i32
      %dma_wait3A_123 = arith.constant 0 : i32
      %dma_wait3A_124 = tpu.memref_slice %arg2[%add3A, %dma_wait3A_122, %dma_wait3A_123] : memref<32x160x128xi32, #tpu.memory_space<hbm>> -> memref<1x160x128xi32, #tpu.memory_space<hbm>>
      %dma_wait3A_125 = tpu.memref_squeeze %dma_wait3A_124 : memref<1x160x128xi32, #tpu.memory_space<hbm>> -> memref<160x128xi32, #tpu.memory_space<hbm>>
      %dma_wait3A_126 = arith.constant 0 : i32
      %dma_wait3A_127 = arith.constant 0 : i32
      %dma_wait3A_128 = tpu.memref_slice %dma_wait3A_125[%dma_wait3A_126, %dma_wait3A_127] : memref<160x128xi32, #tpu.memory_space<hbm>> -> memref<2x128xi32, #tpu.memory_space<hbm>>
      tpu.wait_dma2 semaphore(%arg13 : memref<!tpu.dma_semaphore, #tpu.memory_space<semaphore_mem>>) src(%dma_wait3A_128 : memref<2x128xi32, #tpu.memory_space<hbm>>) dst(%arg7 : memref<2x128xi32, #tpu.memory_space<vmem>>)
      %dma_start3A_129 = arith.constant 1 : i32
      %dma_start3A_130 = arith.constant 0 : i32
      %dma_start3A_131 = tpu.memref_slice %arg7[%dma_start3A_129, %dma_start3A_130] : memref<2x128xi32, #tpu.memory_space<vmem>> -> memref<1x128xi32, #tpu.memory_space<vmem>>
      %dma_start3A_132 = tpu.memref_squeeze %dma_start3A_131 : memref<1x128xi32, #tpu.memory_space<vmem>> -> memref<128xi32, #tpu.memory_space<vmem>>
      %dma_start3A_133 = arith.constant 0 : i32
      %dma_start3A_134 = arith.constant 0 : i32
      %dma_start3A_135 = tpu.memref_slice %arg11[%dma_start3A_133, %dma_start3A_134] : memref<10112x16xf32, #tpu.memory_space<vmem_shared>> -> memref<10112x16xf32, #tpu.memory_space<vmem_shared>>
      tpu.enqueue_indirect_dma source(%arg10 : memref<128x16xf32, #tpu.memory_space<vmem>>) target(%dma_start3A_135 : memref<10112x16xf32, #tpu.memory_space<vmem_shared>>) offsets(%dma_start3A_132 : memref<128xi32, #tpu.memory_space<vmem>>) semaphore(%arg17 : memref<!tpu.dma_semaphore, #tpu.memory_space<semaphore_mem>>) {add = true}
      %dma_wait3A_136 = arith.constant 0 : i32
      %dma_wait3A_137 = arith.constant 0 : i32
      %dma_wait3A_138 = tpu.memref_slice %arg2[%add3A, %dma_wait3A_136, %dma_wait3A_137] : memref<32x160x128xi32, #tpu.memory_space<hbm>> -> memref<1x160x128xi32, #tpu.memory_space<hbm>>
      %dma_wait3A_139 = tpu.memref_squeeze %dma_wait3A_138 : memref<1x160x128xi32, #tpu.memory_space<hbm>> -> memref<160x128xi32, #tpu.memory_space<hbm>>
      %dma_wait3A_140 = arith.constant 0 : i32
      %dma_wait3A_141 = arith.constant 0 : i32
      %dma_wait3A_142 = tpu.memref_slice %dma_wait3A_139[%dma_wait3A_140, %dma_wait3A_141] : memref<160x128xi32, #tpu.memory_space<hbm>> -> memref<2x128xi32, #tpu.memory_space<hbm>>
      %dma_wait3A_143 = arith.constant 0 : i32
      %dma_wait3A_144 = arith.constant 0 : i32
      %dma_wait3A_145 = tpu.memref_slice %arg2[%add3A, %dma_wait3A_143, %dma_wait3A_144] : memref<32x160x128xi32, #tpu.memory_space<hbm>> -> memref<1x160x128xi32, #tpu.memory_space<hbm>>
      %dma_wait3A_146 = tpu.memref_squeeze %dma_wait3A_145 : memref<1x160x128xi32, #tpu.memory_space<hbm>> -> memref<160x128xi32, #tpu.memory_space<hbm>>
      %dma_wait3A_147 = arith.constant 0 : i32
      %dma_wait3A_148 = arith.constant 0 : i32
      %dma_wait3A_149 = tpu.memref_slice %dma_wait3A_146[%dma_wait3A_147, %dma_wait3A_148] : memref<160x128xi32, #tpu.memory_space<hbm>> -> memref<2x128xi32, #tpu.memory_space<hbm>>
      tpu.wait_dma2 semaphore(%arg14 : memref<!tpu.dma_semaphore, #tpu.memory_space<semaphore_mem>>) src(%dma_wait3A_149 : memref<2x128xi32, #tpu.memory_space<hbm>>) dst(%arg8 : memref<2x128xi32, #tpu.memory_space<vmem>>)
      %dma_start3A_150 = arith.constant 1 : i32
      %dma_start3A_151 = arith.constant 0 : i32
      %dma_start3A_152 = tpu.memref_slice %arg8[%dma_start3A_150, %dma_start3A_151] : memref<2x128xi32, #tpu.memory_space<vmem>> -> memref<1x128xi32, #tpu.memory_space<vmem>>
      %dma_start3A_153 = tpu.memref_squeeze %dma_start3A_152 : memref<1x128xi32, #tpu.memory_space<vmem>> -> memref<128xi32, #tpu.memory_space<vmem>>
      %dma_start3A_154 = arith.constant 0 : i32
      %dma_start3A_155 = arith.constant 0 : i32
      %dma_start3A_156 = tpu.memref_slice %arg11[%dma_start3A_154, %dma_start3A_155] : memref<10112x16xf32, #tpu.memory_space<vmem_shared>> -> memref<10112x16xf32, #tpu.memory_space<vmem_shared>>
      tpu.enqueue_indirect_dma source(%arg10 : memref<128x16xf32, #tpu.memory_space<vmem>>) target(%dma_start3A_156 : memref<10112x16xf32, #tpu.memory_space<vmem_shared>>) offsets(%dma_start3A_153 : memref<128xi32, #tpu.memory_space<vmem>>) semaphore(%arg18 : memref<!tpu.dma_semaphore, #tpu.memory_space<semaphore_mem>>) {add = true}
      %dma_wait3A_157 = arith.constant 0 : i32
      %dma_wait3A_158 = arith.constant 0 : i32
      %dma_wait3A_159 = tpu.memref_slice %arg2[%add3A, %dma_wait3A_157, %dma_wait3A_158] : memref<32x160x128xi32, #tpu.memory_space<hbm>> -> memref<1x160x128xi32, #tpu.memory_space<hbm>>
      %dma_wait3A_160 = tpu.memref_squeeze %dma_wait3A_159 : memref<1x160x128xi32, #tpu.memory_space<hbm>> -> memref<160x128xi32, #tpu.memory_space<hbm>>
      %dma_wait3A_161 = arith.constant 0 : i32
      %dma_wait3A_162 = arith.constant 0 : i32
      %dma_wait3A_163 = tpu.memref_slice %dma_wait3A_160[%dma_wait3A_161, %dma_wait3A_162] : memref<160x128xi32, #tpu.memory_space<hbm>> -> memref<2x128xi32, #tpu.memory_space<hbm>>
      %dma_wait3A_164 = arith.constant 0 : i32
      %dma_wait3A_165 = arith.constant 0 : i32
      %dma_wait3A_166 = tpu.memref_slice %arg2[%add3A, %dma_wait3A_164, %dma_wait3A_165] : memref<32x160x128xi32, #tpu.memory_space<hbm>> -> memref<1x160x128xi32, #tpu.memory_space<hbm>>
      %dma_wait3A_167 = tpu.memref_squeeze %dma_wait3A_166 : memref<1x160x128xi32, #tpu.memory_space<hbm>> -> memref<160x128xi32, #tpu.memory_space<hbm>>
      %dma_wait3A_168 = arith.constant 0 : i32
      %dma_wait3A_169 = arith.constant 0 : i32
      %dma_wait3A_170 = tpu.memref_slice %dma_wait3A_167[%dma_wait3A_168, %dma_wait3A_169] : memref<160x128xi32, #tpu.memory_space<hbm>> -> memref<2x128xi32, #tpu.memory_space<hbm>>
      tpu.wait_dma2 semaphore(%arg15 : memref<!tpu.dma_semaphore, #tpu.memory_space<semaphore_mem>>) src(%dma_wait3A_170 : memref<2x128xi32, #tpu.memory_space<hbm>>) dst(%arg9 : memref<2x128xi32, #tpu.memory_space<vmem>>)
      %dma_start3A_171 = arith.constant 1 : i32
      %dma_start3A_172 = arith.constant 0 : i32
      %dma_start3A_173 = tpu.memref_slice %arg9[%dma_start3A_171, %dma_start3A_172] : memref<2x128xi32, #tpu.memory_space<vmem>> -> memref<1x128xi32, #tpu.memory_space<vmem>>
      %dma_start3A_174 = tpu.memref_squeeze %dma_start3A_173 : memref<1x128xi32, #tpu.memory_space<vmem>> -> memref<128xi32, #tpu.memory_space<vmem>>
      %dma_start3A_175 = arith.constant 0 : i32
      %dma_start3A_176 = arith.constant 0 : i32
      %dma_start3A_177 = tpu.memref_slice %arg11[%dma_start3A_175, %dma_start3A_176] : memref<10112x16xf32, #tpu.memory_space<vmem_shared>> -> memref<10112x16xf32, #tpu.memory_space<vmem_shared>>
      tpu.enqueue_indirect_dma source(%arg10 : memref<128x16xf32, #tpu.memory_space<vmem>>) target(%dma_start3A_177 : memref<10112x16xf32, #tpu.memory_space<vmem_shared>>) offsets(%dma_start3A_174 : memref<128xi32, #tpu.memory_space<vmem>>) semaphore(%arg19 : memref<!tpu.dma_semaphore, #tpu.memory_space<semaphore_mem>>) {add = true}
      %add3A_178 = arith.constant 4 : i32
      %add3A_179 = arith.addi %mul3A_93, %add3A_178 : i32
      %add3A_180 = arith.constant 0 : i32
      %add3A_181 = arith.addi %add3A_179, %add3A_180 : i32
      %lt3A = arith.constant 80 : i32
      %lt3A_182 = arith.cmpi slt, %add3A_181, %lt3A : i32
      %convert_element_type3A = arith.extui %lt3A_182 : i1 to i32
      %cond3A = arith.constant 0 : i32
      %cond3A_183 = arith.cmpi ne, %convert_element_type3A, %cond3A : i32
      scf.if %cond3A_183 {
        %dma_wait3A_211 = arith.constant 1 : i32
        %dma_wait3A_212 = arith.constant 0 : i32
        %dma_wait3A_213 = tpu.memref_slice %arg6[%dma_wait3A_211, %dma_wait3A_212] : memref<2x128xi32, #tpu.memory_space<vmem>> -> memref<1x128xi32, #tpu.memory_space<vmem>>
        %dma_wait3A_214 = tpu.memref_squeeze %dma_wait3A_213 : memref<1x128xi32, #tpu.memory_space<vmem>> -> memref<128xi32, #tpu.memory_space<vmem>>
        %dma_wait3A_215 = arith.constant 0 : i32
        %dma_wait3A_216 = arith.constant 0 : i32
        %dma_wait3A_217 = tpu.memref_slice %arg11[%dma_wait3A_215, %dma_wait3A_216] : memref<10112x16xf32, #tpu.memory_space<vmem_shared>> -> memref<10112x16xf32, #tpu.memory_space<vmem_shared>>
        tpu.wait_indirect_dma semaphore(%arg16 : memref<!tpu.dma_semaphore, #tpu.memory_space<semaphore_mem>>) src(%arg10 : memref<128x16xf32, #tpu.memory_space<vmem>>) dst(%dma_wait3A_217 : memref<10112x16xf32, #tpu.memory_space<vmem_shared>>)
        %add3A_218 = arith.constant 4 : i32
        %add3A_219 = arith.addi %mul3A_93, %add3A_218 : i32
        %add3A_220 = arith.constant 0 : i32
        %add3A_221 = arith.addi %add3A_219, %add3A_220 : i32
        %mul3A_222 = arith.constant 2 : i32
        %mul3A_223 = arith.muli %mul3A_222, %add3A_221 : i32
        %dma_start3A_224 = arith.constant 0 : i32
        %dma_start3A_225 = arith.constant 0 : i32
        %dma_start3A_226 = tpu.memref_slice %arg2[%add3A, %dma_start3A_224, %dma_start3A_225] : memref<32x160x128xi32, #tpu.memory_space<hbm>> -> memref<1x160x128xi32, #tpu.memory_space<hbm>>
        %dma_start3A_227 = tpu.memref_squeeze %dma_start3A_226 : memref<1x160x128xi32, #tpu.memory_space<hbm>> -> memref<160x128xi32, #tpu.memory_space<hbm>>
        %dma_start3A_228 = arith.constant 0 : i32
        %dma_start3A_229 = tpu.memref_slice %dma_start3A_227[%mul3A_223, %dma_start3A_228] : memref<160x128xi32, #tpu.memory_space<hbm>> -> memref<2x128xi32, #tpu.memory_space<hbm>>
        %dma_start3A_230 = arith.constant 0 : i32
        %dma_start3A_231 = arith.constant 0 : i32
        %dma_start3A_232 = tpu.memref_slice %arg2[%add3A, %dma_start3A_230, %dma_start3A_231] : memref<32x160x128xi32, #tpu.memory_space<hbm>> -> memref<1x160x128xi32, #tpu.memory_space<hbm>>
        %dma_start3A_233 = tpu.memref_squeeze %dma_start3A_232 : memref<1x160x128xi32, #tpu.memory_space<hbm>> -> memref<160x128xi32, #tpu.memory_space<hbm>>
        %dma_start3A_234 = arith.constant 0 : i32
        %dma_start3A_235 = tpu.memref_slice %dma_start3A_233[%mul3A_223, %dma_start3A_234] : memref<160x128xi32, #tpu.memory_space<hbm>> -> memref<2x128xi32, #tpu.memory_space<hbm>>
        tpu.enqueue_dma source(%dma_start3A_235 : memref<2x128xi32, #tpu.memory_space<hbm>>) target(%arg6 : memref<2x128xi32, #tpu.memory_space<vmem>>) target_semaphore(%arg12 : memref<!tpu.dma_semaphore, #tpu.memory_space<semaphore_mem>>)
      } else {
      }
      %add3A_184 = arith.constant 4 : i32
      %add3A_185 = arith.addi %mul3A_93, %add3A_184 : i32
      %add3A_186 = arith.constant 1 : i32
      %add3A_187 = arith.addi %add3A_185, %add3A_186 : i32
      %lt3A_188 = arith.constant 80 : i32
      %lt3A_189 = arith.cmpi slt, %add3A_187, %lt3A_188 : i32
      %convert_element_type3A_190 = arith.extui %lt3A_189 : i1 to i32
      %cond3A_191 = arith.constant 0 : i32
      %cond3A_192 = arith.cmpi ne, %convert_element_type3A_190, %cond3A_191 : i32
      scf.if %cond3A_192 {
        %dma_wait3A_211 = arith.constant 1 : i32
        %dma_wait3A_212 = arith.constant 0 : i32
        %dma_wait3A_213 = tpu.memref_slice %arg7[%dma_wait3A_211, %dma_wait3A_212] : memref<2x128xi32, #tpu.memory_space<vmem>> -> memref<1x128xi32, #tpu.memory_space<vmem>>
        %dma_wait3A_214 = tpu.memref_squeeze %dma_wait3A_213 : memref<1x128xi32, #tpu.memory_space<vmem>> -> memref<128xi32, #tpu.memory_space<vmem>>
        %dma_wait3A_215 = arith.constant 0 : i32
        %dma_wait3A_216 = arith.constant 0 : i32
        %dma_wait3A_217 = tpu.memref_slice %arg11[%dma_wait3A_215, %dma_wait3A_216] : memref<10112x16xf32, #tpu.memory_space<vmem_shared>> -> memref<10112x16xf32, #tpu.memory_space<vmem_shared>>
        tpu.wait_indirect_dma semaphore(%arg17 : memref<!tpu.dma_semaphore, #tpu.memory_space<semaphore_mem>>) src(%arg10 : memref<128x16xf32, #tpu.memory_space<vmem>>) dst(%dma_wait3A_217 : memref<10112x16xf32, #tpu.memory_space<vmem_shared>>)
        %add3A_218 = arith.constant 4 : i32
        %add3A_219 = arith.addi %mul3A_93, %add3A_218 : i32
        %add3A_220 = arith.constant 1 : i32
        %add3A_221 = arith.addi %add3A_219, %add3A_220 : i32
        %mul3A_222 = arith.constant 2 : i32
        %mul3A_223 = arith.muli %mul3A_222, %add3A_221 : i32
        %dma_start3A_224 = arith.constant 0 : i32
        %dma_start3A_225 = arith.constant 0 : i32
        %dma_start3A_226 = tpu.memref_slice %arg2[%add3A, %dma_start3A_224, %dma_start3A_225] : memref<32x160x128xi32, #tpu.memory_space<hbm>> -> memref<1x160x128xi32, #tpu.memory_space<hbm>>
        %dma_start3A_227 = tpu.memref_squeeze %dma_start3A_226 : memref<1x160x128xi32, #tpu.memory_space<hbm>> -> memref<160x128xi32, #tpu.memory_space<hbm>>
        %dma_start3A_228 = arith.constant 0 : i32
        %dma_start3A_229 = tpu.memref_slice %dma_start3A_227[%mul3A_223, %dma_start3A_228] : memref<160x128xi32, #tpu.memory_space<hbm>> -> memref<2x128xi32, #tpu.memory_space<hbm>>
        %dma_start3A_230 = arith.constant 0 : i32
        %dma_start3A_231 = arith.constant 0 : i32
        %dma_start3A_232 = tpu.memref_slice %arg2[%add3A, %dma_start3A_230, %dma_start3A_231] : memref<32x160x128xi32, #tpu.memory_space<hbm>> -> memref<1x160x128xi32, #tpu.memory_space<hbm>>
        %dma_start3A_233 = tpu.memref_squeeze %dma_start3A_232 : memref<1x160x128xi32, #tpu.memory_space<hbm>> -> memref<160x128xi32, #tpu.memory_space<hbm>>
        %dma_start3A_234 = arith.constant 0 : i32
        %dma_start3A_235 = tpu.memref_slice %dma_start3A_233[%mul3A_223, %dma_start3A_234] : memref<160x128xi32, #tpu.memory_space<hbm>> -> memref<2x128xi32, #tpu.memory_space<hbm>>
        tpu.enqueue_dma source(%dma_start3A_235 : memref<2x128xi32, #tpu.memory_space<hbm>>) target(%arg7 : memref<2x128xi32, #tpu.memory_space<vmem>>) target_semaphore(%arg13 : memref<!tpu.dma_semaphore, #tpu.memory_space<semaphore_mem>>)
      } else {
      }
      %add3A_193 = arith.constant 4 : i32
      %add3A_194 = arith.addi %mul3A_93, %add3A_193 : i32
      %add3A_195 = arith.constant 2 : i32
      %add3A_196 = arith.addi %add3A_194, %add3A_195 : i32
      %lt3A_197 = arith.constant 80 : i32
      %lt3A_198 = arith.cmpi slt, %add3A_196, %lt3A_197 : i32
      %convert_element_type3A_199 = arith.extui %lt3A_198 : i1 to i32
      %cond3A_200 = arith.constant 0 : i32
      %cond3A_201 = arith.cmpi ne, %convert_element_type3A_199, %cond3A_200 : i32
      scf.if %cond3A_201 {
        %dma_wait3A_211 = arith.constant 1 : i32
        %dma_wait3A_212 = arith.constant 0 : i32
        %dma_wait3A_213 = tpu.memref_slice %arg8[%dma_wait3A_211, %dma_wait3A_212] : memref<2x128xi32, #tpu.memory_space<vmem>> -> memref<1x128xi32, #tpu.memory_space<vmem>>
        %dma_wait3A_214 = tpu.memref_squeeze %dma_wait3A_213 : memref<1x128xi32, #tpu.memory_space<vmem>> -> memref<128xi32, #tpu.memory_space<vmem>>
        %dma_wait3A_215 = arith.constant 0 : i32
        %dma_wait3A_216 = arith.constant 0 : i32
        %dma_wait3A_217 = tpu.memref_slice %arg11[%dma_wait3A_215, %dma_wait3A_216] : memref<10112x16xf32, #tpu.memory_space<vmem_shared>> -> memref<10112x16xf32, #tpu.memory_space<vmem_shared>>
        tpu.wait_indirect_dma semaphore(%arg18 : memref<!tpu.dma_semaphore, #tpu.memory_space<semaphore_mem>>) src(%arg10 : memref<128x16xf32, #tpu.memory_space<vmem>>) dst(%dma_wait3A_217 : memref<10112x16xf32, #tpu.memory_space<vmem_shared>>)
        %add3A_218 = arith.constant 4 : i32
        %add3A_219 = arith.addi %mul3A_93, %add3A_218 : i32
        %add3A_220 = arith.constant 2 : i32
        %add3A_221 = arith.addi %add3A_219, %add3A_220 : i32
        %mul3A_222 = arith.constant 2 : i32
        %mul3A_223 = arith.muli %mul3A_222, %add3A_221 : i32
        %dma_start3A_224 = arith.constant 0 : i32
        %dma_start3A_225 = arith.constant 0 : i32
        %dma_start3A_226 = tpu.memref_slice %arg2[%add3A, %dma_start3A_224, %dma_start3A_225] : memref<32x160x128xi32, #tpu.memory_space<hbm>> -> memref<1x160x128xi32, #tpu.memory_space<hbm>>
        %dma_start3A_227 = tpu.memref_squeeze %dma_start3A_226 : memref<1x160x128xi32, #tpu.memory_space<hbm>> -> memref<160x128xi32, #tpu.memory_space<hbm>>
        %dma_start3A_228 = arith.constant 0 : i32
        %dma_start3A_229 = tpu.memref_slice %dma_start3A_227[%mul3A_223, %dma_start3A_228] : memref<160x128xi32, #tpu.memory_space<hbm>> -> memref<2x128xi32, #tpu.memory_space<hbm>>
        %dma_start3A_230 = arith.constant 0 : i32
        %dma_start3A_231 = arith.constant 0 : i32
        %dma_start3A_232 = tpu.memref_slice %arg2[%add3A, %dma_start3A_230, %dma_start3A_231] : memref<32x160x128xi32, #tpu.memory_space<hbm>> -> memref<1x160x128xi32, #tpu.memory_space<hbm>>
        %dma_start3A_233 = tpu.memref_squeeze %dma_start3A_232 : memref<1x160x128xi32, #tpu.memory_space<hbm>> -> memref<160x128xi32, #tpu.memory_space<hbm>>
        %dma_start3A_234 = arith.constant 0 : i32
        %dma_start3A_235 = tpu.memref_slice %dma_start3A_233[%mul3A_223, %dma_start3A_234] : memref<160x128xi32, #tpu.memory_space<hbm>> -> memref<2x128xi32, #tpu.memory_space<hbm>>
        tpu.enqueue_dma source(%dma_start3A_235 : memref<2x128xi32, #tpu.memory_space<hbm>>) target(%arg8 : memref<2x128xi32, #tpu.memory_space<vmem>>) target_semaphore(%arg14 : memref<!tpu.dma_semaphore, #tpu.memory_space<semaphore_mem>>)
      } else {
      }
      %add3A_202 = arith.constant 4 : i32
      %add3A_203 = arith.addi %mul3A_93, %add3A_202 : i32
      %add3A_204 = arith.constant 3 : i32
      %add3A_205 = arith.addi %add3A_203, %add3A_204 : i32
      %lt3A_206 = arith.constant 80 : i32
      %lt3A_207 = arith.cmpi slt, %add3A_205, %lt3A_206 : i32
      %convert_element_type3A_208 = arith.extui %lt3A_207 : i1 to i32
      %cond3A_209 = arith.constant 0 : i32
      %cond3A_210 = arith.cmpi ne, %convert_element_type3A_208, %cond3A_209 : i32
      scf.if %cond3A_210 {
        %dma_wait3A_211 = arith.constant 1 : i32
        %dma_wait3A_212 = arith.constant 0 : i32
        %dma_wait3A_213 = tpu.memref_slice %arg9[%dma_wait3A_211, %dma_wait3A_212] : memref<2x128xi32, #tpu.memory_space<vmem>> -> memref<1x128xi32, #tpu.memory_space<vmem>>
        %dma_wait3A_214 = tpu.memref_squeeze %dma_wait3A_213 : memref<1x128xi32, #tpu.memory_space<vmem>> -> memref<128xi32, #tpu.memory_space<vmem>>
        %dma_wait3A_215 = arith.constant 0 : i32
        %dma_wait3A_216 = arith.constant 0 : i32
        %dma_wait3A_217 = tpu.memref_slice %arg11[%dma_wait3A_215, %dma_wait3A_216] : memref<10112x16xf32, #tpu.memory_space<vmem_shared>> -> memref<10112x16xf32, #tpu.memory_space<vmem_shared>>
        tpu.wait_indirect_dma semaphore(%arg19 : memref<!tpu.dma_semaphore, #tpu.memory_space<semaphore_mem>>) src(%arg10 : memref<128x16xf32, #tpu.memory_space<vmem>>) dst(%dma_wait3A_217 : memref<10112x16xf32, #tpu.memory_space<vmem_shared>>)
        %add3A_218 = arith.constant 4 : i32
        %add3A_219 = arith.addi %mul3A_93, %add3A_218 : i32
        %add3A_220 = arith.constant 3 : i32
        %add3A_221 = arith.addi %add3A_219, %add3A_220 : i32
        %mul3A_222 = arith.constant 2 : i32
        %mul3A_223 = arith.muli %mul3A_222, %add3A_221 : i32
        %dma_start3A_224 = arith.constant 0 : i32
        %dma_start3A_225 = arith.constant 0 : i32
        %dma_start3A_226 = tpu.memref_slice %arg2[%add3A, %dma_start3A_224, %dma_start3A_225] : memref<32x160x128xi32, #tpu.memory_space<hbm>> -> memref<1x160x128xi32, #tpu.memory_space<hbm>>
        %dma_start3A_227 = tpu.memref_squeeze %dma_start3A_226 : memref<1x160x128xi32, #tpu.memory_space<hbm>> -> memref<160x128xi32, #tpu.memory_space<hbm>>
        %dma_start3A_228 = arith.constant 0 : i32
        %dma_start3A_229 = tpu.memref_slice %dma_start3A_227[%mul3A_223, %dma_start3A_228] : memref<160x128xi32, #tpu.memory_space<hbm>> -> memref<2x128xi32, #tpu.memory_space<hbm>>
        %dma_start3A_230 = arith.constant 0 : i32
        %dma_start3A_231 = arith.constant 0 : i32
        %dma_start3A_232 = tpu.memref_slice %arg2[%add3A, %dma_start3A_230, %dma_start3A_231] : memref<32x160x128xi32, #tpu.memory_space<hbm>> -> memref<1x160x128xi32, #tpu.memory_space<hbm>>
        %dma_start3A_233 = tpu.memref_squeeze %dma_start3A_232 : memref<1x160x128xi32, #tpu.memory_space<hbm>> -> memref<160x128xi32, #tpu.memory_space<hbm>>
        %dma_start3A_234 = arith.constant 0 : i32
        %dma_start3A_235 = tpu.memref_slice %dma_start3A_233[%mul3A_223, %dma_start3A_234] : memref<160x128xi32, #tpu.memory_space<hbm>> -> memref<2x128xi32, #tpu.memory_space<hbm>>
        tpu.enqueue_dma source(%dma_start3A_235 : memref<2x128xi32, #tpu.memory_space<hbm>>) target(%arg9 : memref<2x128xi32, #tpu.memory_space<vmem>>) target_semaphore(%arg15 : memref<!tpu.dma_semaphore, #tpu.memory_space<semaphore_mem>>)
      } else {
      }
    }
    %scan3A_62 = arith.constant 20 : i32
    %dma_wait3A = arith.constant 1 : i32
    %dma_wait3A_63 = arith.constant 0 : i32
    %dma_wait3A_64 = tpu.memref_slice %arg6[%dma_wait3A, %dma_wait3A_63] : memref<2x128xi32, #tpu.memory_space<vmem>> -> memref<1x128xi32, #tpu.memory_space<vmem>>
    %dma_wait3A_65 = tpu.memref_squeeze %dma_wait3A_64 : memref<1x128xi32, #tpu.memory_space<vmem>> -> memref<128xi32, #tpu.memory_space<vmem>>
    %dma_wait3A_66 = arith.constant 0 : i32
    %dma_wait3A_67 = arith.constant 0 : i32
    %dma_wait3A_68 = tpu.memref_slice %arg11[%dma_wait3A_66, %dma_wait3A_67] : memref<10112x16xf32, #tpu.memory_space<vmem_shared>> -> memref<10112x16xf32, #tpu.memory_space<vmem_shared>>
    tpu.wait_indirect_dma semaphore(%arg16 : memref<!tpu.dma_semaphore, #tpu.memory_space<semaphore_mem>>) src(%arg10 : memref<128x16xf32, #tpu.memory_space<vmem>>) dst(%dma_wait3A_68 : memref<10112x16xf32, #tpu.memory_space<vmem_shared>>)
    %dma_wait3A_69 = arith.constant 1 : i32
    %dma_wait3A_70 = arith.constant 0 : i32
    %dma_wait3A_71 = tpu.memref_slice %arg7[%dma_wait3A_69, %dma_wait3A_70] : memref<2x128xi32, #tpu.memory_space<vmem>> -> memref<1x128xi32, #tpu.memory_space<vmem>>
    %dma_wait3A_72 = tpu.memref_squeeze %dma_wait3A_71 : memref<1x128xi32, #tpu.memory_space<vmem>> -> memref<128xi32, #tpu.memory_space<vmem>>
    %dma_wait3A_73 = arith.constant 0 : i32
    %dma_wait3A_74 = arith.constant 0 : i32
    %dma_wait3A_75 = tpu.memref_slice %arg11[%dma_wait3A_73, %dma_wait3A_74] : memref<10112x16xf32, #tpu.memory_space<vmem_shared>> -> memref<10112x16xf32, #tpu.memory_space<vmem_shared>>
    tpu.wait_indirect_dma semaphore(%arg17 : memref<!tpu.dma_semaphore, #tpu.memory_space<semaphore_mem>>) src(%arg10 : memref<128x16xf32, #tpu.memory_space<vmem>>) dst(%dma_wait3A_75 : memref<10112x16xf32, #tpu.memory_space<vmem_shared>>)
    %dma_wait3A_76 = arith.constant 1 : i32
    %dma_wait3A_77 = arith.constant 0 : i32
    %dma_wait3A_78 = tpu.memref_slice %arg8[%dma_wait3A_76, %dma_wait3A_77] : memref<2x128xi32, #tpu.memory_space<vmem>> -> memref<1x128xi32, #tpu.memory_space<vmem>>
    %dma_wait3A_79 = tpu.memref_squeeze %dma_wait3A_78 : memref<1x128xi32, #tpu.memory_space<vmem>> -> memref<128xi32, #tpu.memory_space<vmem>>
    %dma_wait3A_80 = arith.constant 0 : i32
    %dma_wait3A_81 = arith.constant 0 : i32
    %dma_wait3A_82 = tpu.memref_slice %arg11[%dma_wait3A_80, %dma_wait3A_81] : memref<10112x16xf32, #tpu.memory_space<vmem_shared>> -> memref<10112x16xf32, #tpu.memory_space<vmem_shared>>
    tpu.wait_indirect_dma semaphore(%arg18 : memref<!tpu.dma_semaphore, #tpu.memory_space<semaphore_mem>>) src(%arg10 : memref<128x16xf32, #tpu.memory_space<vmem>>) dst(%dma_wait3A_82 : memref<10112x16xf32, #tpu.memory_space<vmem_shared>>)
    %dma_wait3A_83 = arith.constant 1 : i32
    %dma_wait3A_84 = arith.constant 0 : i32
    %dma_wait3A_85 = tpu.memref_slice %arg9[%dma_wait3A_83, %dma_wait3A_84] : memref<2x128xi32, #tpu.memory_space<vmem>> -> memref<1x128xi32, #tpu.memory_space<vmem>>
    %dma_wait3A_86 = tpu.memref_squeeze %dma_wait3A_85 : memref<1x128xi32, #tpu.memory_space<vmem>> -> memref<128xi32, #tpu.memory_space<vmem>>
    %dma_wait3A_87 = arith.constant 0 : i32
    %dma_wait3A_88 = arith.constant 0 : i32
    %dma_wait3A_89 = tpu.memref_slice %arg11[%dma_wait3A_87, %dma_wait3A_88] : memref<10112x16xf32, #tpu.memory_space<vmem_shared>> -> memref<10112x16xf32, #tpu.memory_space<vmem_shared>>
    tpu.wait_indirect_dma semaphore(%arg19 : memref<!tpu.dma_semaphore, #tpu.memory_space<semaphore_mem>>) src(%arg10 : memref<128x16xf32, #tpu.memory_space<vmem>>) dst(%dma_wait3A_89 : memref<10112x16xf32, #tpu.memory_space<vmem_shared>>)
    %barrier3A_90 = arith.constant 0 : index
    tpu.barrier barrier_id(%barrier3A_90)
    "tpu.region"() ({
      %run_scoped3A = tpu.sem_alloc : memref<!tpu.dma_semaphore, #tpu.memory_space<semaphore_mem>>
      %dma_start3A_91 = arith.constant 0 : i32
      %dma_start3A_92 = tpu.memref_slice %arg5[%arg0, %mul3A_0, %dma_start3A_91] : memref<2x10240x16xf32, #tpu.memory_space<hbm>> -> memref<1x632x16xf32, #tpu.memory_space<hbm>>
      %dma_start3A_93 = tpu.memref_squeeze %dma_start3A_92 : memref<1x632x16xf32, #tpu.memory_space<hbm>> -> memref<632x16xf32, #tpu.memory_space<hbm>>
      %dma_start3A_94 = arith.constant 0 : i32
      %dma_start3A_95 = tpu.memref_slice %arg11[%mul3A_0, %dma_start3A_94] : memref<10112x16xf32, #tpu.memory_space<vmem_shared>> -> memref<632x16xf32, #tpu.memory_space<vmem_shared>>
      tpu.enqueue_dma source(%dma_start3A_95 : memref<632x16xf32, #tpu.memory_space<vmem_shared>>) target(%dma_start3A_93 : memref<632x16xf32, #tpu.memory_space<hbm>>) target_semaphore(%run_scoped3A : memref<!tpu.dma_semaphore, #tpu.memory_space<semaphore_mem>>)
      %dma_wait3A_96 = arith.constant 0 : i32
      %dma_wait3A_97 = tpu.memref_slice %arg5[%arg0, %mul3A_0, %dma_wait3A_96] : memref<2x10240x16xf32, #tpu.memory_space<hbm>> -> memref<1x632x16xf32, #tpu.memory_space<hbm>>
      %dma_wait3A_98 = tpu.memref_squeeze %dma_wait3A_97 : memref<1x632x16xf32, #tpu.memory_space<hbm>> -> memref<632x16xf32, #tpu.memory_space<hbm>>
      %dma_wait3A_99 = arith.constant 0 : i32
      %dma_wait3A_100 = tpu.memref_slice %arg11[%mul3A_0, %dma_wait3A_99] : memref<10112x16xf32, #tpu.memory_space<vmem_shared>> -> memref<632x16xf32, #tpu.memory_space<vmem_shared>>
      tpu.wait_dma2 semaphore(%run_scoped3A : memref<!tpu.dma_semaphore, #tpu.memory_space<semaphore_mem>>) src(%dma_wait3A_100 : memref<632x16xf32, #tpu.memory_space<vmem_shared>>) dst(%dma_wait3A_98 : memref<632x16xf32, #tpu.memory_space<hbm>>)
      tpu.yield
    }) : () -> ()
    return
  }
}

#map = affine_map<(d0, d1) -> (0, 0)>
#map1 = affine_map<(d0, d1) -> (0, 0, 0)>
module attributes {stable_mosaic.version = 14 : i64} {
  func.func @spmm(%arg0: i32, %arg1: i32, %arg2: memref<10240x128xf32, #tpu.memory_space<hbm>>, %arg3: memref<32x160x128xi32, #tpu.memory_space<hbm>>, %arg4: memref<10240x128xf32, #tpu.memory_space<hbm>>, %arg5: memref<2x10240x128xf32, #tpu.memory_space<hbm>>, %arg6: memref<2x128xi32, #tpu.memory_space<vmem>>, %arg7: memref<2x128xi32, #tpu.memory_space<vmem>>, %arg8: memref<128x128xf32, #tpu.memory_space<vmem>>, %arg9: memref<128x128xf32, #tpu.memory_space<vmem>>, %arg10: memref<10112x128xf32, #tpu.memory_space<vmem_shared>>, %arg11: memref<!tpu.dma_semaphore, #tpu.memory_space<semaphore_mem>>, %arg12: memref<!tpu.dma_semaphore, #tpu.memory_space<semaphore_mem>>, %arg13: memref<!tpu.dma_semaphore, #tpu.memory_space<semaphore_mem>>, %arg14: memref<!tpu.dma_semaphore, #tpu.memory_space<semaphore_mem>>) attributes {dimension_semantics = [#tpu.dimension_semantics<core_parallel>, #tpu.dimension_semantics<subcore_parallel>], iteration_bounds = array<i64: 2, 16>, scalar_prefetch = 0 : i64, scratch_operands = 9 : i64, tpu.core_type = #tpu.core_type<sc_vector_subcore>, window_params = [{transform_indices = #map}, {transform_indices = #map1}, {transform_indices = #map}, {transform_indices = #map1}]} {
    %mul3A = arith.constant 632 : i32
    %mul3A_0 = arith.muli %arg1, %mul3A : i32
    %mul3A_1 = arith.constant 16 : i32
    %mul3A_2 = arith.muli %arg0, %mul3A_1 : i32
    %add3A = arith.addi %mul3A_2, %arg1 : i32
    "tpu.region"() ({
      %run_scoped3A = tpu.sem_alloc : memref<!tpu.dma_semaphore, #tpu.memory_space<semaphore_mem>>
      %dma_start3A_56 = arith.constant 0 : i32
      %dma_start3A_57 = tpu.memref_slice %arg10[%mul3A_0, %dma_start3A_56] : memref<10112x128xf32, #tpu.memory_space<vmem_shared>> -> memref<632x128xf32, #tpu.memory_space<vmem_shared>>
      %dma_start3A_58 = arith.constant 0 : i32
      %dma_start3A_59 = tpu.memref_slice %arg4[%mul3A_0, %dma_start3A_58] : memref<10240x128xf32, #tpu.memory_space<hbm>> -> memref<632x128xf32, #tpu.memory_space<hbm>>
      tpu.enqueue_dma source(%dma_start3A_59 : memref<632x128xf32, #tpu.memory_space<hbm>>) target(%dma_start3A_57 : memref<632x128xf32, #tpu.memory_space<vmem_shared>>) target_semaphore(%run_scoped3A : memref<!tpu.dma_semaphore, #tpu.memory_space<semaphore_mem>>)
      %dma_wait3A_60 = arith.constant 0 : i32
      %dma_wait3A_61 = tpu.memref_slice %arg10[%mul3A_0, %dma_wait3A_60] : memref<10112x128xf32, #tpu.memory_space<vmem_shared>> -> memref<632x128xf32, #tpu.memory_space<vmem_shared>>
      %dma_wait3A_62 = arith.constant 0 : i32
      %dma_wait3A_63 = tpu.memref_slice %arg4[%mul3A_0, %dma_wait3A_62] : memref<10240x128xf32, #tpu.memory_space<hbm>> -> memref<632x128xf32, #tpu.memory_space<hbm>>
      tpu.wait_dma2 semaphore(%run_scoped3A : memref<!tpu.dma_semaphore, #tpu.memory_space<semaphore_mem>>) src(%dma_wait3A_63 : memref<632x128xf32, #tpu.memory_space<hbm>>) dst(%dma_wait3A_61 : memref<632x128xf32, #tpu.memory_space<vmem_shared>>)
      tpu.yield
    }) : () -> ()
    %barrier3A = arith.constant 0 : index
    tpu.barrier barrier_id(%barrier3A)
    %dma_start3A = arith.constant 0 : i32
    %dma_start3A_3 = arith.constant 0 : i32
    %dma_start3A_4 = tpu.memref_slice %arg3[%add3A, %dma_start3A, %dma_start3A_3] : memref<32x160x128xi32, #tpu.memory_space<hbm>> -> memref<1x160x128xi32, #tpu.memory_space<hbm>>
    %dma_start3A_5 = tpu.memref_squeeze %dma_start3A_4 : memref<1x160x128xi32, #tpu.memory_space<hbm>> -> memref<160x128xi32, #tpu.memory_space<hbm>>
    %dma_start3A_6 = arith.constant 0 : i32
    %dma_start3A_7 = arith.constant 0 : i32
    %dma_start3A_8 = tpu.memref_slice %dma_start3A_5[%dma_start3A_6, %dma_start3A_7] : memref<160x128xi32, #tpu.memory_space<hbm>> -> memref<2x128xi32, #tpu.memory_space<hbm>>
    %dma_start3A_9 = arith.constant 0 : i32
    %dma_start3A_10 = arith.constant 0 : i32
    %dma_start3A_11 = tpu.memref_slice %arg3[%add3A, %dma_start3A_9, %dma_start3A_10] : memref<32x160x128xi32, #tpu.memory_space<hbm>> -> memref<1x160x128xi32, #tpu.memory_space<hbm>>
    %dma_start3A_12 = tpu.memref_squeeze %dma_start3A_11 : memref<1x160x128xi32, #tpu.memory_space<hbm>> -> memref<160x128xi32, #tpu.memory_space<hbm>>
    %dma_start3A_13 = arith.constant 0 : i32
    %dma_start3A_14 = arith.constant 0 : i32
    %dma_start3A_15 = tpu.memref_slice %dma_start3A_12[%dma_start3A_13, %dma_start3A_14] : memref<160x128xi32, #tpu.memory_space<hbm>> -> memref<2x128xi32, #tpu.memory_space<hbm>>
    tpu.enqueue_dma source(%dma_start3A_15 : memref<2x128xi32, #tpu.memory_space<hbm>>) target(%arg6 : memref<2x128xi32, #tpu.memory_space<vmem>>) target_semaphore(%arg11 : memref<!tpu.dma_semaphore, #tpu.memory_space<semaphore_mem>>)
    %dma_start3A_16 = arith.constant 0 : i32
    %dma_start3A_17 = arith.constant 0 : i32
    %dma_start3A_18 = tpu.memref_slice %arg3[%add3A, %dma_start3A_16, %dma_start3A_17] : memref<32x160x128xi32, #tpu.memory_space<hbm>> -> memref<1x160x128xi32, #tpu.memory_space<hbm>>
    %dma_start3A_19 = tpu.memref_squeeze %dma_start3A_18 : memref<1x160x128xi32, #tpu.memory_space<hbm>> -> memref<160x128xi32, #tpu.memory_space<hbm>>
    %dma_start3A_20 = arith.constant 2 : i32
    %dma_start3A_21 = arith.constant 0 : i32
    %dma_start3A_22 = tpu.memref_slice %dma_start3A_19[%dma_start3A_20, %dma_start3A_21] : memref<160x128xi32, #tpu.memory_space<hbm>> -> memref<2x128xi32, #tpu.memory_space<hbm>>
    %dma_start3A_23 = arith.constant 0 : i32
    %dma_start3A_24 = arith.constant 0 : i32
    %dma_start3A_25 = tpu.memref_slice %arg3[%add3A, %dma_start3A_23, %dma_start3A_24] : memref<32x160x128xi32, #tpu.memory_space<hbm>> -> memref<1x160x128xi32, #tpu.memory_space<hbm>>
    %dma_start3A_26 = tpu.memref_squeeze %dma_start3A_25 : memref<1x160x128xi32, #tpu.memory_space<hbm>> -> memref<160x128xi32, #tpu.memory_space<hbm>>
    %dma_start3A_27 = arith.constant 2 : i32
    %dma_start3A_28 = arith.constant 0 : i32
    %dma_start3A_29 = tpu.memref_slice %dma_start3A_26[%dma_start3A_27, %dma_start3A_28] : memref<160x128xi32, #tpu.memory_space<hbm>> -> memref<2x128xi32, #tpu.memory_space<hbm>>
    tpu.enqueue_dma source(%dma_start3A_29 : memref<2x128xi32, #tpu.memory_space<hbm>>) target(%arg7 : memref<2x128xi32, #tpu.memory_space<vmem>>) target_semaphore(%arg12 : memref<!tpu.dma_semaphore, #tpu.memory_space<semaphore_mem>>)
    %dma_wait3A = arith.constant 0 : i32
    %dma_wait3A_30 = arith.constant 0 : i32
    %dma_wait3A_31 = tpu.memref_slice %arg3[%add3A, %dma_wait3A, %dma_wait3A_30] : memref<32x160x128xi32, #tpu.memory_space<hbm>> -> memref<1x160x128xi32, #tpu.memory_space<hbm>>
    %dma_wait3A_32 = tpu.memref_squeeze %dma_wait3A_31 : memref<1x160x128xi32, #tpu.memory_space<hbm>> -> memref<160x128xi32, #tpu.memory_space<hbm>>
    %dma_wait3A_33 = arith.constant 0 : i32
    %dma_wait3A_34 = arith.constant 0 : i32
    %dma_wait3A_35 = tpu.memref_slice %dma_wait3A_32[%dma_wait3A_33, %dma_wait3A_34] : memref<160x128xi32, #tpu.memory_space<hbm>> -> memref<2x128xi32, #tpu.memory_space<hbm>>
    %dma_wait3A_36 = arith.constant 0 : i32
    %dma_wait3A_37 = arith.constant 0 : i32
    %dma_wait3A_38 = tpu.memref_slice %arg3[%add3A, %dma_wait3A_36, %dma_wait3A_37] : memref<32x160x128xi32, #tpu.memory_space<hbm>> -> memref<1x160x128xi32, #tpu.memory_space<hbm>>
    %dma_wait3A_39 = tpu.memref_squeeze %dma_wait3A_38 : memref<1x160x128xi32, #tpu.memory_space<hbm>> -> memref<160x128xi32, #tpu.memory_space<hbm>>
    %dma_wait3A_40 = arith.constant 0 : i32
    %dma_wait3A_41 = arith.constant 0 : i32
    %dma_wait3A_42 = tpu.memref_slice %dma_wait3A_39[%dma_wait3A_40, %dma_wait3A_41] : memref<160x128xi32, #tpu.memory_space<hbm>> -> memref<2x128xi32, #tpu.memory_space<hbm>>
    tpu.wait_dma2 semaphore(%arg11 : memref<!tpu.dma_semaphore, #tpu.memory_space<semaphore_mem>>) src(%dma_wait3A_42 : memref<2x128xi32, #tpu.memory_space<hbm>>) dst(%arg6 : memref<2x128xi32, #tpu.memory_space<vmem>>)
    %dma_start3A_43 = arith.constant 0 : i32
    %dma_start3A_44 = arith.constant 0 : i32
    %dma_start3A_45 = tpu.memref_slice %arg6[%dma_start3A_43, %dma_start3A_44] : memref<2x128xi32, #tpu.memory_space<vmem>> -> memref<1x128xi32, #tpu.memory_space<vmem>>
    %dma_start3A_46 = tpu.memref_squeeze %dma_start3A_45 : memref<1x128xi32, #tpu.memory_space<vmem>> -> memref<128xi32, #tpu.memory_space<vmem>>
    %dma_start3A_47 = arith.constant 0 : i32
    %dma_start3A_48 = arith.constant 0 : i32
    %dma_start3A_49 = tpu.memref_slice %arg2[%dma_start3A_47, %dma_start3A_48] : memref<10240x128xf32, #tpu.memory_space<hbm>> -> memref<10240x128xf32, #tpu.memory_space<hbm>>
    tpu.enqueue_indirect_dma source(%dma_start3A_49 : memref<10240x128xf32, #tpu.memory_space<hbm>>) target(%arg8 : memref<128x128xf32, #tpu.memory_space<vmem>>) offsets(%dma_start3A_46 : memref<128xi32, #tpu.memory_space<vmem>>) semaphore(%arg13 : memref<!tpu.dma_semaphore, #tpu.memory_space<semaphore_mem>>)
    %scan3A = arith.constant 0 : i32
    %scan3A_50 = arith.constant 0 : i32
    %scan3A_51 = arith.constant 40 : i32
    %scan3A_52 = arith.addi %scan3A_50, %scan3A_51 : i32
    %scan3A_53 = arith.constant 1 : i32
    scf.for %scan3A_56 = %scan3A_50 to %scan3A_52 step %scan3A_53  : i32 {
      %mul3A_57 = arith.constant 2 : i32
      %mul3A_58 = arith.muli %mul3A_57, %scan3A_56 : i32
      %dma_wait3A_59 = arith.constant 0 : i32
      %dma_wait3A_60 = arith.constant 0 : i32
      %dma_wait3A_61 = tpu.memref_slice %arg3[%add3A, %dma_wait3A_59, %dma_wait3A_60] : memref<32x160x128xi32, #tpu.memory_space<hbm>> -> memref<1x160x128xi32, #tpu.memory_space<hbm>>
      %dma_wait3A_62 = tpu.memref_squeeze %dma_wait3A_61 : memref<1x160x128xi32, #tpu.memory_space<hbm>> -> memref<160x128xi32, #tpu.memory_space<hbm>>
      %dma_wait3A_63 = arith.constant 0 : i32
      %dma_wait3A_64 = arith.constant 0 : i32
      %dma_wait3A_65 = tpu.memref_slice %dma_wait3A_62[%dma_wait3A_63, %dma_wait3A_64] : memref<160x128xi32, #tpu.memory_space<hbm>> -> memref<2x128xi32, #tpu.memory_space<hbm>>
      %dma_wait3A_66 = arith.constant 0 : i32
      %dma_wait3A_67 = arith.constant 0 : i32
      %dma_wait3A_68 = tpu.memref_slice %arg3[%add3A, %dma_wait3A_66, %dma_wait3A_67] : memref<32x160x128xi32, #tpu.memory_space<hbm>> -> memref<1x160x128xi32, #tpu.memory_space<hbm>>
      %dma_wait3A_69 = tpu.memref_squeeze %dma_wait3A_68 : memref<1x160x128xi32, #tpu.memory_space<hbm>> -> memref<160x128xi32, #tpu.memory_space<hbm>>
      %dma_wait3A_70 = arith.constant 0 : i32
      %dma_wait3A_71 = arith.constant 0 : i32
      %dma_wait3A_72 = tpu.memref_slice %dma_wait3A_69[%dma_wait3A_70, %dma_wait3A_71] : memref<160x128xi32, #tpu.memory_space<hbm>> -> memref<2x128xi32, #tpu.memory_space<hbm>>
      tpu.wait_dma2 semaphore(%arg12 : memref<!tpu.dma_semaphore, #tpu.memory_space<semaphore_mem>>) src(%dma_wait3A_72 : memref<2x128xi32, #tpu.memory_space<hbm>>) dst(%arg7 : memref<2x128xi32, #tpu.memory_space<vmem>>)
      %dma_start3A_73 = arith.constant 0 : i32
      %dma_start3A_74 = arith.constant 0 : i32
      %dma_start3A_75 = tpu.memref_slice %arg7[%dma_start3A_73, %dma_start3A_74] : memref<2x128xi32, #tpu.memory_space<vmem>> -> memref<1x128xi32, #tpu.memory_space<vmem>>
      %dma_start3A_76 = tpu.memref_squeeze %dma_start3A_75 : memref<1x128xi32, #tpu.memory_space<vmem>> -> memref<128xi32, #tpu.memory_space<vmem>>
      %dma_start3A_77 = arith.constant 0 : i32
      %dma_start3A_78 = arith.constant 0 : i32
      %dma_start3A_79 = tpu.memref_slice %arg2[%dma_start3A_77, %dma_start3A_78] : memref<10240x128xf32, #tpu.memory_space<hbm>> -> memref<10240x128xf32, #tpu.memory_space<hbm>>
      tpu.enqueue_indirect_dma source(%dma_start3A_79 : memref<10240x128xf32, #tpu.memory_space<hbm>>) target(%arg9 : memref<128x128xf32, #tpu.memory_space<vmem>>) offsets(%dma_start3A_76 : memref<128xi32, #tpu.memory_space<vmem>>) semaphore(%arg14 : memref<!tpu.dma_semaphore, #tpu.memory_space<semaphore_mem>>)
      %add3A_80 = arith.constant 2 : i32
      %add3A_81 = arith.addi %mul3A_58, %add3A_80 : i32
      %dma_wait3A_82 = arith.constant 0 : i32
      %dma_wait3A_83 = arith.constant 0 : i32
      %dma_wait3A_84 = tpu.memref_slice %arg6[%dma_wait3A_82, %dma_wait3A_83] : memref<2x128xi32, #tpu.memory_space<vmem>> -> memref<1x128xi32, #tpu.memory_space<vmem>>
      %dma_wait3A_85 = tpu.memref_squeeze %dma_wait3A_84 : memref<1x128xi32, #tpu.memory_space<vmem>> -> memref<128xi32, #tpu.memory_space<vmem>>
      %dma_wait3A_86 = arith.constant 0 : i32
      %dma_wait3A_87 = arith.constant 0 : i32
      %dma_wait3A_88 = tpu.memref_slice %arg2[%dma_wait3A_86, %dma_wait3A_87] : memref<10240x128xf32, #tpu.memory_space<hbm>> -> memref<10240x128xf32, #tpu.memory_space<hbm>>
      tpu.wait_indirect_dma semaphore(%arg13 : memref<!tpu.dma_semaphore, #tpu.memory_space<semaphore_mem>>) src(%dma_wait3A_88 : memref<10240x128xf32, #tpu.memory_space<hbm>>) dst(%arg8 : memref<128x128xf32, #tpu.memory_space<vmem>>)
      %run_scoped3A = arith.constant 1 : i32
      "tpu.region"() ({
        %run_scoped3A_106 = tpu.sem_alloc : memref<!tpu.dma_semaphore, #tpu.memory_space<semaphore_mem>>
        %dma_start3A_107 = arith.constant 0 : i32
        %dma_start3A_108 = tpu.memref_slice %arg6[%run_scoped3A, %dma_start3A_107] : memref<2x128xi32, #tpu.memory_space<vmem>> -> memref<1x128xi32, #tpu.memory_space<vmem>>
        %dma_start3A_109 = tpu.memref_squeeze %dma_start3A_108 : memref<1x128xi32, #tpu.memory_space<vmem>> -> memref<128xi32, #tpu.memory_space<vmem>>
        %dma_start3A_110 = arith.constant 0 : i32
        %dma_start3A_111 = arith.constant 0 : i32
        %dma_start3A_112 = tpu.memref_slice %arg10[%dma_start3A_110, %dma_start3A_111] : memref<10112x128xf32, #tpu.memory_space<vmem_shared>> -> memref<10112x128xf32, #tpu.memory_space<vmem_shared>>
        tpu.enqueue_indirect_dma source(%arg8 : memref<128x128xf32, #tpu.memory_space<vmem>>) target(%dma_start3A_112 : memref<10112x128xf32, #tpu.memory_space<vmem_shared>>) offsets(%dma_start3A_109 : memref<128xi32, #tpu.memory_space<vmem>>) semaphore(%run_scoped3A_106 : memref<!tpu.dma_semaphore, #tpu.memory_space<semaphore_mem>>) {add = true}
        %dma_wait3A_113 = arith.constant 0 : i32
        %dma_wait3A_114 = tpu.memref_slice %arg6[%run_scoped3A, %dma_wait3A_113] : memref<2x128xi32, #tpu.memory_space<vmem>> -> memref<1x128xi32, #tpu.memory_space<vmem>>
        %dma_wait3A_115 = tpu.memref_squeeze %dma_wait3A_114 : memref<1x128xi32, #tpu.memory_space<vmem>> -> memref<128xi32, #tpu.memory_space<vmem>>
        %dma_wait3A_116 = arith.constant 0 : i32
        %dma_wait3A_117 = arith.constant 0 : i32
        %dma_wait3A_118 = tpu.memref_slice %arg10[%dma_wait3A_116, %dma_wait3A_117] : memref<10112x128xf32, #tpu.memory_space<vmem_shared>> -> memref<10112x128xf32, #tpu.memory_space<vmem_shared>>
        tpu.wait_indirect_dma semaphore(%run_scoped3A_106 : memref<!tpu.dma_semaphore, #tpu.memory_space<semaphore_mem>>) src(%arg8 : memref<128x128xf32, #tpu.memory_space<vmem>>) dst(%dma_wait3A_118 : memref<10112x128xf32, #tpu.memory_space<vmem_shared>>)
        tpu.yield
      }) : () -> ()
      %lt3A = arith.constant 80 : i32
      %lt3A_89 = arith.cmpi slt, %add3A_81, %lt3A : i32
      %convert_element_type3A = arith.extui %lt3A_89 : i1 to i32
      %cond3A = arith.constant 0 : i32
      %cond3A_90 = arith.cmpi ne, %convert_element_type3A, %cond3A : i32
      scf.if %cond3A_90 {
        %mul3A_106 = arith.constant 2 : i32
        %mul3A_107 = arith.muli %mul3A_106, %add3A_81 : i32
        %dma_start3A_108 = arith.constant 0 : i32
        %dma_start3A_109 = arith.constant 0 : i32
        %dma_start3A_110 = tpu.memref_slice %arg3[%add3A, %dma_start3A_108, %dma_start3A_109] : memref<32x160x128xi32, #tpu.memory_space<hbm>> -> memref<1x160x128xi32, #tpu.memory_space<hbm>>
        %dma_start3A_111 = tpu.memref_squeeze %dma_start3A_110 : memref<1x160x128xi32, #tpu.memory_space<hbm>> -> memref<160x128xi32, #tpu.memory_space<hbm>>
        %dma_start3A_112 = arith.constant 0 : i32
        %dma_start3A_113 = tpu.memref_slice %dma_start3A_111[%mul3A_107, %dma_start3A_112] : memref<160x128xi32, #tpu.memory_space<hbm>> -> memref<2x128xi32, #tpu.memory_space<hbm>>
        %dma_start3A_114 = arith.constant 0 : i32
        %dma_start3A_115 = arith.constant 0 : i32
        %dma_start3A_116 = tpu.memref_slice %arg3[%add3A, %dma_start3A_114, %dma_start3A_115] : memref<32x160x128xi32, #tpu.memory_space<hbm>> -> memref<1x160x128xi32, #tpu.memory_space<hbm>>
        %dma_start3A_117 = tpu.memref_squeeze %dma_start3A_116 : memref<1x160x128xi32, #tpu.memory_space<hbm>> -> memref<160x128xi32, #tpu.memory_space<hbm>>
        %dma_start3A_118 = arith.constant 0 : i32
        %dma_start3A_119 = tpu.memref_slice %dma_start3A_117[%mul3A_107, %dma_start3A_118] : memref<160x128xi32, #tpu.memory_space<hbm>> -> memref<2x128xi32, #tpu.memory_space<hbm>>
        tpu.enqueue_dma source(%dma_start3A_119 : memref<2x128xi32, #tpu.memory_space<hbm>>) target(%arg6 : memref<2x128xi32, #tpu.memory_space<vmem>>) target_semaphore(%arg11 : memref<!tpu.dma_semaphore, #tpu.memory_space<semaphore_mem>>)
        %dma_wait3A_120 = arith.constant 0 : i32
        %dma_wait3A_121 = arith.constant 0 : i32
        %dma_wait3A_122 = tpu.memref_slice %arg3[%add3A, %dma_wait3A_120, %dma_wait3A_121] : memref<32x160x128xi32, #tpu.memory_space<hbm>> -> memref<1x160x128xi32, #tpu.memory_space<hbm>>
        %dma_wait3A_123 = tpu.memref_squeeze %dma_wait3A_122 : memref<1x160x128xi32, #tpu.memory_space<hbm>> -> memref<160x128xi32, #tpu.memory_space<hbm>>
        %dma_wait3A_124 = arith.constant 0 : i32
        %dma_wait3A_125 = arith.constant 0 : i32
        %dma_wait3A_126 = tpu.memref_slice %dma_wait3A_123[%dma_wait3A_124, %dma_wait3A_125] : memref<160x128xi32, #tpu.memory_space<hbm>> -> memref<2x128xi32, #tpu.memory_space<hbm>>
        %dma_wait3A_127 = arith.constant 0 : i32
        %dma_wait3A_128 = arith.constant 0 : i32
        %dma_wait3A_129 = tpu.memref_slice %arg3[%add3A, %dma_wait3A_127, %dma_wait3A_128] : memref<32x160x128xi32, #tpu.memory_space<hbm>> -> memref<1x160x128xi32, #tpu.memory_space<hbm>>
        %dma_wait3A_130 = tpu.memref_squeeze %dma_wait3A_129 : memref<1x160x128xi32, #tpu.memory_space<hbm>> -> memref<160x128xi32, #tpu.memory_space<hbm>>
        %dma_wait3A_131 = arith.constant 0 : i32
        %dma_wait3A_132 = arith.constant 0 : i32
        %dma_wait3A_133 = tpu.memref_slice %dma_wait3A_130[%dma_wait3A_131, %dma_wait3A_132] : memref<160x128xi32, #tpu.memory_space<hbm>> -> memref<2x128xi32, #tpu.memory_space<hbm>>
        tpu.wait_dma2 semaphore(%arg11 : memref<!tpu.dma_semaphore, #tpu.memory_space<semaphore_mem>>) src(%dma_wait3A_133 : memref<2x128xi32, #tpu.memory_space<hbm>>) dst(%arg6 : memref<2x128xi32, #tpu.memory_space<vmem>>)
        %dma_start3A_134 = arith.constant 0 : i32
        %dma_start3A_135 = arith.constant 0 : i32
        %dma_start3A_136 = tpu.memref_slice %arg6[%dma_start3A_134, %dma_start3A_135] : memref<2x128xi32, #tpu.memory_space<vmem>> -> memref<1x128xi32, #tpu.memory_space<vmem>>
        %dma_start3A_137 = tpu.memref_squeeze %dma_start3A_136 : memref<1x128xi32, #tpu.memory_space<vmem>> -> memref<128xi32, #tpu.memory_space<vmem>>
        %dma_start3A_138 = arith.constant 0 : i32
        %dma_start3A_139 = arith.constant 0 : i32
        %dma_start3A_140 = tpu.memref_slice %arg2[%dma_start3A_138, %dma_start3A_139] : memref<10240x128xf32, #tpu.memory_space<hbm>> -> memref<10240x128xf32, #tpu.memory_space<hbm>>
        tpu.enqueue_indirect_dma source(%dma_start3A_140 : memref<10240x128xf32, #tpu.memory_space<hbm>>) target(%arg8 : memref<128x128xf32, #tpu.memory_space<vmem>>) offsets(%dma_start3A_137 : memref<128xi32, #tpu.memory_space<vmem>>) semaphore(%arg13 : memref<!tpu.dma_semaphore, #tpu.memory_space<semaphore_mem>>)
      } else {
      }
      %dma_wait3A_91 = arith.constant 0 : i32
      %dma_wait3A_92 = arith.constant 0 : i32
      %dma_wait3A_93 = tpu.memref_slice %arg6[%dma_wait3A_91, %dma_wait3A_92] : memref<2x128xi32, #tpu.memory_space<vmem>> -> memref<1x128xi32, #tpu.memory_space<vmem>>
      %dma_wait3A_94 = tpu.memref_squeeze %dma_wait3A_93 : memref<1x128xi32, #tpu.memory_space<vmem>> -> memref<128xi32, #tpu.memory_space<vmem>>
      %dma_wait3A_95 = arith.constant 0 : i32
      %dma_wait3A_96 = arith.constant 0 : i32
      %dma_wait3A_97 = tpu.memref_slice %arg2[%dma_wait3A_95, %dma_wait3A_96] : memref<10240x128xf32, #tpu.memory_space<hbm>> -> memref<10240x128xf32, #tpu.memory_space<hbm>>
      tpu.wait_indirect_dma semaphore(%arg14 : memref<!tpu.dma_semaphore, #tpu.memory_space<semaphore_mem>>) src(%dma_wait3A_97 : memref<10240x128xf32, #tpu.memory_space<hbm>>) dst(%arg9 : memref<128x128xf32, #tpu.memory_space<vmem>>)
      %run_scoped3A_98 = arith.constant 1 : i32
      "tpu.region"() ({
        %run_scoped3A_106 = tpu.sem_alloc : memref<!tpu.dma_semaphore, #tpu.memory_space<semaphore_mem>>
        %dma_start3A_107 = arith.constant 0 : i32
        %dma_start3A_108 = tpu.memref_slice %arg7[%run_scoped3A_98, %dma_start3A_107] : memref<2x128xi32, #tpu.memory_space<vmem>> -> memref<1x128xi32, #tpu.memory_space<vmem>>
        %dma_start3A_109 = tpu.memref_squeeze %dma_start3A_108 : memref<1x128xi32, #tpu.memory_space<vmem>> -> memref<128xi32, #tpu.memory_space<vmem>>
        %dma_start3A_110 = arith.constant 0 : i32
        %dma_start3A_111 = arith.constant 0 : i32
        %dma_start3A_112 = tpu.memref_slice %arg10[%dma_start3A_110, %dma_start3A_111] : memref<10112x128xf32, #tpu.memory_space<vmem_shared>> -> memref<10112x128xf32, #tpu.memory_space<vmem_shared>>
        tpu.enqueue_indirect_dma source(%arg9 : memref<128x128xf32, #tpu.memory_space<vmem>>) target(%dma_start3A_112 : memref<10112x128xf32, #tpu.memory_space<vmem_shared>>) offsets(%dma_start3A_109 : memref<128xi32, #tpu.memory_space<vmem>>) semaphore(%run_scoped3A_106 : memref<!tpu.dma_semaphore, #tpu.memory_space<semaphore_mem>>) {add = true}
        %dma_wait3A_113 = arith.constant 0 : i32
        %dma_wait3A_114 = tpu.memref_slice %arg7[%run_scoped3A_98, %dma_wait3A_113] : memref<2x128xi32, #tpu.memory_space<vmem>> -> memref<1x128xi32, #tpu.memory_space<vmem>>
        %dma_wait3A_115 = tpu.memref_squeeze %dma_wait3A_114 : memref<1x128xi32, #tpu.memory_space<vmem>> -> memref<128xi32, #tpu.memory_space<vmem>>
        %dma_wait3A_116 = arith.constant 0 : i32
        %dma_wait3A_117 = arith.constant 0 : i32
        %dma_wait3A_118 = tpu.memref_slice %arg10[%dma_wait3A_116, %dma_wait3A_117] : memref<10112x128xf32, #tpu.memory_space<vmem_shared>> -> memref<10112x128xf32, #tpu.memory_space<vmem_shared>>
        tpu.wait_indirect_dma semaphore(%run_scoped3A_106 : memref<!tpu.dma_semaphore, #tpu.memory_space<semaphore_mem>>) src(%arg9 : memref<128x128xf32, #tpu.memory_space<vmem>>) dst(%dma_wait3A_118 : memref<10112x128xf32, #tpu.memory_space<vmem_shared>>)
        tpu.yield
      }) : () -> ()
      %add3A_99 = arith.constant 3 : i32
      %add3A_100 = arith.addi %mul3A_58, %add3A_99 : i32
      %lt3A_101 = arith.constant 80 : i32
      %lt3A_102 = arith.cmpi slt, %add3A_100, %lt3A_101 : i32
      %convert_element_type3A_103 = arith.extui %lt3A_102 : i1 to i32
      %cond3A_104 = arith.constant 0 : i32
      %cond3A_105 = arith.cmpi ne, %convert_element_type3A_103, %cond3A_104 : i32
      scf.if %cond3A_105 {
        %add3A_106 = arith.constant 3 : i32
        %add3A_107 = arith.addi %mul3A_58, %add3A_106 : i32
        %mul3A_108 = arith.constant 2 : i32
        %mul3A_109 = arith.muli %mul3A_108, %add3A_107 : i32
        %dma_start3A_110 = arith.constant 0 : i32
        %dma_start3A_111 = arith.constant 0 : i32
        %dma_start3A_112 = tpu.memref_slice %arg3[%add3A, %dma_start3A_110, %dma_start3A_111] : memref<32x160x128xi32, #tpu.memory_space<hbm>> -> memref<1x160x128xi32, #tpu.memory_space<hbm>>
        %dma_start3A_113 = tpu.memref_squeeze %dma_start3A_112 : memref<1x160x128xi32, #tpu.memory_space<hbm>> -> memref<160x128xi32, #tpu.memory_space<hbm>>
        %dma_start3A_114 = arith.constant 0 : i32
        %dma_start3A_115 = tpu.memref_slice %dma_start3A_113[%mul3A_109, %dma_start3A_114] : memref<160x128xi32, #tpu.memory_space<hbm>> -> memref<2x128xi32, #tpu.memory_space<hbm>>
        %dma_start3A_116 = arith.constant 0 : i32
        %dma_start3A_117 = arith.constant 0 : i32
        %dma_start3A_118 = tpu.memref_slice %arg3[%add3A, %dma_start3A_116, %dma_start3A_117] : memref<32x160x128xi32, #tpu.memory_space<hbm>> -> memref<1x160x128xi32, #tpu.memory_space<hbm>>
        %dma_start3A_119 = tpu.memref_squeeze %dma_start3A_118 : memref<1x160x128xi32, #tpu.memory_space<hbm>> -> memref<160x128xi32, #tpu.memory_space<hbm>>
        %dma_start3A_120 = arith.constant 0 : i32
        %dma_start3A_121 = tpu.memref_slice %dma_start3A_119[%mul3A_109, %dma_start3A_120] : memref<160x128xi32, #tpu.memory_space<hbm>> -> memref<2x128xi32, #tpu.memory_space<hbm>>
        tpu.enqueue_dma source(%dma_start3A_121 : memref<2x128xi32, #tpu.memory_space<hbm>>) target(%arg7 : memref<2x128xi32, #tpu.memory_space<vmem>>) target_semaphore(%arg12 : memref<!tpu.dma_semaphore, #tpu.memory_space<semaphore_mem>>)
      } else {
      }
    }
    %scan3A_54 = arith.constant 40 : i32
    %barrier3A_55 = arith.constant 0 : index
    tpu.barrier barrier_id(%barrier3A_55)
    "tpu.region"() ({
      %run_scoped3A = tpu.sem_alloc : memref<!tpu.dma_semaphore, #tpu.memory_space<semaphore_mem>>
      %dma_start3A_56 = arith.constant 0 : i32
      %dma_start3A_57 = tpu.memref_slice %arg5[%arg0, %mul3A_0, %dma_start3A_56] : memref<2x10240x128xf32, #tpu.memory_space<hbm>> -> memref<1x632x128xf32, #tpu.memory_space<hbm>>
      %dma_start3A_58 = tpu.memref_squeeze %dma_start3A_57 : memref<1x632x128xf32, #tpu.memory_space<hbm>> -> memref<632x128xf32, #tpu.memory_space<hbm>>
      %dma_start3A_59 = arith.constant 0 : i32
      %dma_start3A_60 = tpu.memref_slice %arg10[%mul3A_0, %dma_start3A_59] : memref<10112x128xf32, #tpu.memory_space<vmem_shared>> -> memref<632x128xf32, #tpu.memory_space<vmem_shared>>
      tpu.enqueue_dma source(%dma_start3A_60 : memref<632x128xf32, #tpu.memory_space<vmem_shared>>) target(%dma_start3A_58 : memref<632x128xf32, #tpu.memory_space<hbm>>) target_semaphore(%run_scoped3A : memref<!tpu.dma_semaphore, #tpu.memory_space<semaphore_mem>>)
      %dma_wait3A_61 = arith.constant 0 : i32
      %dma_wait3A_62 = tpu.memref_slice %arg5[%arg0, %mul3A_0, %dma_wait3A_61] : memref<2x10240x128xf32, #tpu.memory_space<hbm>> -> memref<1x632x128xf32, #tpu.memory_space<hbm>>
      %dma_wait3A_63 = tpu.memref_squeeze %dma_wait3A_62 : memref<1x632x128xf32, #tpu.memory_space<hbm>> -> memref<632x128xf32, #tpu.memory_space<hbm>>
      %dma_wait3A_64 = arith.constant 0 : i32
      %dma_wait3A_65 = tpu.memref_slice %arg10[%mul3A_0, %dma_wait3A_64] : memref<10112x128xf32, #tpu.memory_space<vmem_shared>> -> memref<632x128xf32, #tpu.memory_space<vmem_shared>>
      tpu.wait_dma2 semaphore(%run_scoped3A : memref<!tpu.dma_semaphore, #tpu.memory_space<semaphore_mem>>) src(%dma_wait3A_65 : memref<632x128xf32, #tpu.memory_space<vmem_shared>>) dst(%dma_wait3A_63 : memref<632x128xf32, #tpu.memory_space<hbm>>)
      tpu.yield
    }) : () -> ()
    return
  }
}

#map = affine_map<(d0, d1) -> (0, 0)>
#map1 = affine_map<(d0, d1) -> (0, 0, 0, 0)>
#map2 = affine_map<(d0, d1) -> (0, 0, 0)>
module attributes {stable_mosaic.version = 14 : i64} {
  func.func @spmm(%arg0: i32, %arg1: i32, %arg2: memref<20480x128xf32, #tpu.memory_space<hbm>>, %arg3: memref<2x16x320x128xi32, #tpu.memory_space<hbm>>, %arg4: memref<10240x128xf32, #tpu.memory_space<hbm>>, %arg5: memref<2x10240x128xf32, #tpu.memory_space<hbm>>, %arg6: memref<2x128xi32, #tpu.memory_space<vmem>>, %arg7: memref<2x128xi32, #tpu.memory_space<vmem>>, %arg8: memref<128x128xf32, #tpu.memory_space<vmem>>, %arg9: memref<128x128xf32, #tpu.memory_space<vmem>>, %arg10: memref<10112x128xf32, #tpu.memory_space<vmem_shared>>, %arg11: memref<!tpu.dma_semaphore, #tpu.memory_space<semaphore_mem>>, %arg12: memref<!tpu.dma_semaphore, #tpu.memory_space<semaphore_mem>>, %arg13: memref<!tpu.dma_semaphore, #tpu.memory_space<semaphore_mem>>, %arg14: memref<!tpu.dma_semaphore, #tpu.memory_space<semaphore_mem>>) attributes {dimension_semantics = [#tpu.dimension_semantics<core_parallel>, #tpu.dimension_semantics<subcore_parallel>], iteration_bounds = array<i64: 2, 16>, scalar_prefetch = 0 : i64, scratch_operands = 9 : i64, tpu.core_type = #tpu.core_type<sc_vector_subcore>, window_params = [{transform_indices = #map}, {transform_indices = #map1}, {transform_indices = #map}, {transform_indices = #map2}]} {
    %mul3A = arith.constant 632 : i32
    %mul3A_0 = arith.muli %arg1, %mul3A : i32
    "tpu.region"() ({
      %run_scoped3A = tpu.sem_alloc : memref<!tpu.dma_semaphore, #tpu.memory_space<semaphore_mem>>
      %dma_start3A_54 = arith.constant 0 : i32
      %dma_start3A_55 = tpu.memref_slice %arg10[%mul3A_0, %dma_start3A_54] : memref<10112x128xf32, #tpu.memory_space<vmem_shared>> -> memref<632x128xf32, #tpu.memory_space<vmem_shared>>
      %dma_start3A_56 = arith.constant 0 : i32
      %dma_start3A_57 = tpu.memref_slice %arg4[%mul3A_0, %dma_start3A_56] : memref<10240x128xf32, #tpu.memory_space<hbm>> -> memref<632x128xf32, #tpu.memory_space<hbm>>
      tpu.enqueue_dma source(%dma_start3A_57 : memref<632x128xf32, #tpu.memory_space<hbm>>) target(%dma_start3A_55 : memref<632x128xf32, #tpu.memory_space<vmem_shared>>) target_semaphore(%run_scoped3A : memref<!tpu.dma_semaphore, #tpu.memory_space<semaphore_mem>>)
      %dma_wait3A_58 = arith.constant 0 : i32
      %dma_wait3A_59 = tpu.memref_slice %arg10[%mul3A_0, %dma_wait3A_58] : memref<10112x128xf32, #tpu.memory_space<vmem_shared>> -> memref<632x128xf32, #tpu.memory_space<vmem_shared>>
      %dma_wait3A_60 = arith.constant 0 : i32
      %dma_wait3A_61 = tpu.memref_slice %arg4[%mul3A_0, %dma_wait3A_60] : memref<10240x128xf32, #tpu.memory_space<hbm>> -> memref<632x128xf32, #tpu.memory_space<hbm>>
      tpu.wait_dma2 semaphore(%run_scoped3A : memref<!tpu.dma_semaphore, #tpu.memory_space<semaphore_mem>>) src(%dma_wait3A_61 : memref<632x128xf32, #tpu.memory_space<hbm>>) dst(%dma_wait3A_59 : memref<632x128xf32, #tpu.memory_space<vmem_shared>>)
      tpu.yield
    }) : () -> ()
    %barrier3A = arith.constant 0 : index
    tpu.barrier barrier_id(%barrier3A)
    %dma_start3A = arith.constant 0 : i32
    %dma_start3A_1 = arith.constant 0 : i32
    %dma_start3A_2 = tpu.memref_slice %arg3[%arg0, %arg1, %dma_start3A, %dma_start3A_1] : memref<2x16x320x128xi32, #tpu.memory_space<hbm>> -> memref<1x1x320x128xi32, #tpu.memory_space<hbm>>
    %dma_start3A_3 = tpu.memref_squeeze %dma_start3A_2 : memref<1x1x320x128xi32, #tpu.memory_space<hbm>> -> memref<320x128xi32, #tpu.memory_space<hbm>>
    %dma_start3A_4 = arith.constant 0 : i32
    %dma_start3A_5 = arith.constant 0 : i32
    %dma_start3A_6 = tpu.memref_slice %dma_start3A_3[%dma_start3A_4, %dma_start3A_5] : memref<320x128xi32, #tpu.memory_space<hbm>> -> memref<2x128xi32, #tpu.memory_space<hbm>>
    %dma_start3A_7 = arith.constant 0 : i32
    %dma_start3A_8 = arith.constant 0 : i32
    %dma_start3A_9 = tpu.memref_slice %arg3[%arg0, %arg1, %dma_start3A_7, %dma_start3A_8] : memref<2x16x320x128xi32, #tpu.memory_space<hbm>> -> memref<1x1x320x128xi32, #tpu.memory_space<hbm>>
    %dma_start3A_10 = tpu.memref_squeeze %dma_start3A_9 : memref<1x1x320x128xi32, #tpu.memory_space<hbm>> -> memref<320x128xi32, #tpu.memory_space<hbm>>
    %dma_start3A_11 = arith.constant 0 : i32
    %dma_start3A_12 = arith.constant 0 : i32
    %dma_start3A_13 = tpu.memref_slice %dma_start3A_10[%dma_start3A_11, %dma_start3A_12] : memref<320x128xi32, #tpu.memory_space<hbm>> -> memref<2x128xi32, #tpu.memory_space<hbm>>
    tpu.enqueue_dma source(%dma_start3A_13 : memref<2x128xi32, #tpu.memory_space<hbm>>) target(%arg6 : memref<2x128xi32, #tpu.memory_space<vmem>>) target_semaphore(%arg11 : memref<!tpu.dma_semaphore, #tpu.memory_space<semaphore_mem>>)
    %dma_start3A_14 = arith.constant 0 : i32
    %dma_start3A_15 = arith.constant 0 : i32
    %dma_start3A_16 = tpu.memref_slice %arg3[%arg0, %arg1, %dma_start3A_14, %dma_start3A_15] : memref<2x16x320x128xi32, #tpu.memory_space<hbm>> -> memref<1x1x320x128xi32, #tpu.memory_space<hbm>>
    %dma_start3A_17 = tpu.memref_squeeze %dma_start3A_16 : memref<1x1x320x128xi32, #tpu.memory_space<hbm>> -> memref<320x128xi32, #tpu.memory_space<hbm>>
    %dma_start3A_18 = arith.constant 2 : i32
    %dma_start3A_19 = arith.constant 0 : i32
    %dma_start3A_20 = tpu.memref_slice %dma_start3A_17[%dma_start3A_18, %dma_start3A_19] : memref<320x128xi32, #tpu.memory_space<hbm>> -> memref<2x128xi32, #tpu.memory_space<hbm>>
    %dma_start3A_21 = arith.constant 0 : i32
    %dma_start3A_22 = arith.constant 0 : i32
    %dma_start3A_23 = tpu.memref_slice %arg3[%arg0, %arg1, %dma_start3A_21, %dma_start3A_22] : memref<2x16x320x128xi32, #tpu.memory_space<hbm>> -> memref<1x1x320x128xi32, #tpu.memory_space<hbm>>
    %dma_start3A_24 = tpu.memref_squeeze %dma_start3A_23 : memref<1x1x320x128xi32, #tpu.memory_space<hbm>> -> memref<320x128xi32, #tpu.memory_space<hbm>>
    %dma_start3A_25 = arith.constant 2 : i32
    %dma_start3A_26 = arith.constant 0 : i32
    %dma_start3A_27 = tpu.memref_slice %dma_start3A_24[%dma_start3A_25, %dma_start3A_26] : memref<320x128xi32, #tpu.memory_space<hbm>> -> memref<2x128xi32, #tpu.memory_space<hbm>>
    tpu.enqueue_dma source(%dma_start3A_27 : memref<2x128xi32, #tpu.memory_space<hbm>>) target(%arg7 : memref<2x128xi32, #tpu.memory_space<vmem>>) target_semaphore(%arg12 : memref<!tpu.dma_semaphore, #tpu.memory_space<semaphore_mem>>)
    %dma_wait3A = arith.constant 0 : i32
    %dma_wait3A_28 = arith.constant 0 : i32
    %dma_wait3A_29 = tpu.memref_slice %arg3[%arg0, %arg1, %dma_wait3A, %dma_wait3A_28] : memref<2x16x320x128xi32, #tpu.memory_space<hbm>> -> memref<1x1x320x128xi32, #tpu.memory_space<hbm>>
    %dma_wait3A_30 = tpu.memref_squeeze %dma_wait3A_29 : memref<1x1x320x128xi32, #tpu.memory_space<hbm>> -> memref<320x128xi32, #tpu.memory_space<hbm>>
    %dma_wait3A_31 = arith.constant 0 : i32
    %dma_wait3A_32 = arith.constant 0 : i32
    %dma_wait3A_33 = tpu.memref_slice %dma_wait3A_30[%dma_wait3A_31, %dma_wait3A_32] : memref<320x128xi32, #tpu.memory_space<hbm>> -> memref<2x128xi32, #tpu.memory_space<hbm>>
    %dma_wait3A_34 = arith.constant 0 : i32
    %dma_wait3A_35 = arith.constant 0 : i32
    %dma_wait3A_36 = tpu.memref_slice %arg3[%arg0, %arg1, %dma_wait3A_34, %dma_wait3A_35] : memref<2x16x320x128xi32, #tpu.memory_space<hbm>> -> memref<1x1x320x128xi32, #tpu.memory_space<hbm>>
    %dma_wait3A_37 = tpu.memref_squeeze %dma_wait3A_36 : memref<1x1x320x128xi32, #tpu.memory_space<hbm>> -> memref<320x128xi32, #tpu.memory_space<hbm>>
    %dma_wait3A_38 = arith.constant 0 : i32
    %dma_wait3A_39 = arith.constant 0 : i32
    %dma_wait3A_40 = tpu.memref_slice %dma_wait3A_37[%dma_wait3A_38, %dma_wait3A_39] : memref<320x128xi32, #tpu.memory_space<hbm>> -> memref<2x128xi32, #tpu.memory_space<hbm>>
    tpu.wait_dma2 semaphore(%arg11 : memref<!tpu.dma_semaphore, #tpu.memory_space<semaphore_mem>>) src(%dma_wait3A_40 : memref<2x128xi32, #tpu.memory_space<hbm>>) dst(%arg6 : memref<2x128xi32, #tpu.memory_space<vmem>>)
    %dma_start3A_41 = arith.constant 0 : i32
    %dma_start3A_42 = arith.constant 0 : i32
    %dma_start3A_43 = tpu.memref_slice %arg6[%dma_start3A_41, %dma_start3A_42] : memref<2x128xi32, #tpu.memory_space<vmem>> -> memref<1x128xi32, #tpu.memory_space<vmem>>
    %dma_start3A_44 = tpu.memref_squeeze %dma_start3A_43 : memref<1x128xi32, #tpu.memory_space<vmem>> -> memref<128xi32, #tpu.memory_space<vmem>>
    %dma_start3A_45 = arith.constant 0 : i32
    %dma_start3A_46 = arith.constant 0 : i32
    %dma_start3A_47 = tpu.memref_slice %arg2[%dma_start3A_45, %dma_start3A_46] : memref<20480x128xf32, #tpu.memory_space<hbm>> -> memref<20480x128xf32, #tpu.memory_space<hbm>>
    tpu.enqueue_indirect_dma source(%dma_start3A_47 : memref<20480x128xf32, #tpu.memory_space<hbm>>) target(%arg8 : memref<128x128xf32, #tpu.memory_space<vmem>>) offsets(%dma_start3A_44 : memref<128xi32, #tpu.memory_space<vmem>>) semaphore(%arg13 : memref<!tpu.dma_semaphore, #tpu.memory_space<semaphore_mem>>)
    %scan3A = arith.constant 0 : i32
    %scan3A_48 = arith.constant 0 : i32
    %scan3A_49 = arith.constant 80 : i32
    %scan3A_50 = arith.addi %scan3A_48, %scan3A_49 : i32
    %scan3A_51 = arith.constant 1 : i32
    scf.for %scan3A_54 = %scan3A_48 to %scan3A_50 step %scan3A_51  : i32 {
      %mul3A_55 = arith.constant 2 : i32
      %mul3A_56 = arith.muli %mul3A_55, %scan3A_54 : i32
      %dma_wait3A_57 = arith.constant 0 : i32
      %dma_wait3A_58 = arith.constant 0 : i32
      %dma_wait3A_59 = tpu.memref_slice %arg3[%arg0, %arg1, %dma_wait3A_57, %dma_wait3A_58] : memref<2x16x320x128xi32, #tpu.memory_space<hbm>> -> memref<1x1x320x128xi32, #tpu.memory_space<hbm>>
      %dma_wait3A_60 = tpu.memref_squeeze %dma_wait3A_59 : memref<1x1x320x128xi32, #tpu.memory_space<hbm>> -> memref<320x128xi32, #tpu.memory_space<hbm>>
      %dma_wait3A_61 = arith.constant 0 : i32
      %dma_wait3A_62 = arith.constant 0 : i32
      %dma_wait3A_63 = tpu.memref_slice %dma_wait3A_60[%dma_wait3A_61, %dma_wait3A_62] : memref<320x128xi32, #tpu.memory_space<hbm>> -> memref<2x128xi32, #tpu.memory_space<hbm>>
      %dma_wait3A_64 = arith.constant 0 : i32
      %dma_wait3A_65 = arith.constant 0 : i32
      %dma_wait3A_66 = tpu.memref_slice %arg3[%arg0, %arg1, %dma_wait3A_64, %dma_wait3A_65] : memref<2x16x320x128xi32, #tpu.memory_space<hbm>> -> memref<1x1x320x128xi32, #tpu.memory_space<hbm>>
      %dma_wait3A_67 = tpu.memref_squeeze %dma_wait3A_66 : memref<1x1x320x128xi32, #tpu.memory_space<hbm>> -> memref<320x128xi32, #tpu.memory_space<hbm>>
      %dma_wait3A_68 = arith.constant 0 : i32
      %dma_wait3A_69 = arith.constant 0 : i32
      %dma_wait3A_70 = tpu.memref_slice %dma_wait3A_67[%dma_wait3A_68, %dma_wait3A_69] : memref<320x128xi32, #tpu.memory_space<hbm>> -> memref<2x128xi32, #tpu.memory_space<hbm>>
      tpu.wait_dma2 semaphore(%arg12 : memref<!tpu.dma_semaphore, #tpu.memory_space<semaphore_mem>>) src(%dma_wait3A_70 : memref<2x128xi32, #tpu.memory_space<hbm>>) dst(%arg7 : memref<2x128xi32, #tpu.memory_space<vmem>>)
      %dma_start3A_71 = arith.constant 0 : i32
      %dma_start3A_72 = arith.constant 0 : i32
      %dma_start3A_73 = tpu.memref_slice %arg7[%dma_start3A_71, %dma_start3A_72] : memref<2x128xi32, #tpu.memory_space<vmem>> -> memref<1x128xi32, #tpu.memory_space<vmem>>
      %dma_start3A_74 = tpu.memref_squeeze %dma_start3A_73 : memref<1x128xi32, #tpu.memory_space<vmem>> -> memref<128xi32, #tpu.memory_space<vmem>>
      %dma_start3A_75 = arith.constant 0 : i32
      %dma_start3A_76 = arith.constant 0 : i32
      %dma_start3A_77 = tpu.memref_slice %arg2[%dma_start3A_75, %dma_start3A_76] : memref<20480x128xf32, #tpu.memory_space<hbm>> -> memref<20480x128xf32, #tpu.memory_space<hbm>>
      tpu.enqueue_indirect_dma source(%dma_start3A_77 : memref<20480x128xf32, #tpu.memory_space<hbm>>) target(%arg9 : memref<128x128xf32, #tpu.memory_space<vmem>>) offsets(%dma_start3A_74 : memref<128xi32, #tpu.memory_space<vmem>>) semaphore(%arg14 : memref<!tpu.dma_semaphore, #tpu.memory_space<semaphore_mem>>)
      %add3A = arith.constant 2 : i32
      %add3A_78 = arith.addi %mul3A_56, %add3A : i32
      %dma_wait3A_79 = arith.constant 0 : i32
      %dma_wait3A_80 = arith.constant 0 : i32
      %dma_wait3A_81 = tpu.memref_slice %arg6[%dma_wait3A_79, %dma_wait3A_80] : memref<2x128xi32, #tpu.memory_space<vmem>> -> memref<1x128xi32, #tpu.memory_space<vmem>>
      %dma_wait3A_82 = tpu.memref_squeeze %dma_wait3A_81 : memref<1x128xi32, #tpu.memory_space<vmem>> -> memref<128xi32, #tpu.memory_space<vmem>>
      %dma_wait3A_83 = arith.constant 0 : i32
      %dma_wait3A_84 = arith.constant 0 : i32
      %dma_wait3A_85 = tpu.memref_slice %arg2[%dma_wait3A_83, %dma_wait3A_84] : memref<20480x128xf32, #tpu.memory_space<hbm>> -> memref<20480x128xf32, #tpu.memory_space<hbm>>
      tpu.wait_indirect_dma semaphore(%arg13 : memref<!tpu.dma_semaphore, #tpu.memory_space<semaphore_mem>>) src(%dma_wait3A_85 : memref<20480x128xf32, #tpu.memory_space<hbm>>) dst(%arg8 : memref<128x128xf32, #tpu.memory_space<vmem>>)
      %run_scoped3A = arith.constant 1 : i32
      "tpu.region"() ({
        %run_scoped3A_103 = tpu.sem_alloc : memref<!tpu.dma_semaphore, #tpu.memory_space<semaphore_mem>>
        %dma_start3A_104 = arith.constant 0 : i32
        %dma_start3A_105 = tpu.memref_slice %arg6[%run_scoped3A, %dma_start3A_104] : memref<2x128xi32, #tpu.memory_space<vmem>> -> memref<1x128xi32, #tpu.memory_space<vmem>>
        %dma_start3A_106 = tpu.memref_squeeze %dma_start3A_105 : memref<1x128xi32, #tpu.memory_space<vmem>> -> memref<128xi32, #tpu.memory_space<vmem>>
        %dma_start3A_107 = arith.constant 0 : i32
        %dma_start3A_108 = arith.constant 0 : i32
        %dma_start3A_109 = tpu.memref_slice %arg10[%dma_start3A_107, %dma_start3A_108] : memref<10112x128xf32, #tpu.memory_space<vmem_shared>> -> memref<10112x128xf32, #tpu.memory_space<vmem_shared>>
        tpu.enqueue_indirect_dma source(%arg8 : memref<128x128xf32, #tpu.memory_space<vmem>>) target(%dma_start3A_109 : memref<10112x128xf32, #tpu.memory_space<vmem_shared>>) offsets(%dma_start3A_106 : memref<128xi32, #tpu.memory_space<vmem>>) semaphore(%run_scoped3A_103 : memref<!tpu.dma_semaphore, #tpu.memory_space<semaphore_mem>>) {add = true}
        %dma_wait3A_110 = arith.constant 0 : i32
        %dma_wait3A_111 = tpu.memref_slice %arg6[%run_scoped3A, %dma_wait3A_110] : memref<2x128xi32, #tpu.memory_space<vmem>> -> memref<1x128xi32, #tpu.memory_space<vmem>>
        %dma_wait3A_112 = tpu.memref_squeeze %dma_wait3A_111 : memref<1x128xi32, #tpu.memory_space<vmem>> -> memref<128xi32, #tpu.memory_space<vmem>>
        %dma_wait3A_113 = arith.constant 0 : i32
        %dma_wait3A_114 = arith.constant 0 : i32
        %dma_wait3A_115 = tpu.memref_slice %arg10[%dma_wait3A_113, %dma_wait3A_114] : memref<10112x128xf32, #tpu.memory_space<vmem_shared>> -> memref<10112x128xf32, #tpu.memory_space<vmem_shared>>
        tpu.wait_indirect_dma semaphore(%run_scoped3A_103 : memref<!tpu.dma_semaphore, #tpu.memory_space<semaphore_mem>>) src(%arg8 : memref<128x128xf32, #tpu.memory_space<vmem>>) dst(%dma_wait3A_115 : memref<10112x128xf32, #tpu.memory_space<vmem_shared>>)
        tpu.yield
      }) : () -> ()
      %lt3A = arith.constant 160 : i32
      %lt3A_86 = arith.cmpi slt, %add3A_78, %lt3A : i32
      %convert_element_type3A = arith.extui %lt3A_86 : i1 to i32
      %cond3A = arith.constant 0 : i32
      %cond3A_87 = arith.cmpi ne, %convert_element_type3A, %cond3A : i32
      scf.if %cond3A_87 {
        %mul3A_103 = arith.constant 2 : i32
        %mul3A_104 = arith.muli %mul3A_103, %add3A_78 : i32
        %dma_start3A_105 = arith.constant 0 : i32
        %dma_start3A_106 = arith.constant 0 : i32
        %dma_start3A_107 = tpu.memref_slice %arg3[%arg0, %arg1, %dma_start3A_105, %dma_start3A_106] : memref<2x16x320x128xi32, #tpu.memory_space<hbm>> -> memref<1x1x320x128xi32, #tpu.memory_space<hbm>>
        %dma_start3A_108 = tpu.memref_squeeze %dma_start3A_107 : memref<1x1x320x128xi32, #tpu.memory_space<hbm>> -> memref<320x128xi32, #tpu.memory_space<hbm>>
        %dma_start3A_109 = arith.constant 0 : i32
        %dma_start3A_110 = tpu.memref_slice %dma_start3A_108[%mul3A_104, %dma_start3A_109] : memref<320x128xi32, #tpu.memory_space<hbm>> -> memref<2x128xi32, #tpu.memory_space<hbm>>
        %dma_start3A_111 = arith.constant 0 : i32
        %dma_start3A_112 = arith.constant 0 : i32
        %dma_start3A_113 = tpu.memref_slice %arg3[%arg0, %arg1, %dma_start3A_111, %dma_start3A_112] : memref<2x16x320x128xi32, #tpu.memory_space<hbm>> -> memref<1x1x320x128xi32, #tpu.memory_space<hbm>>
        %dma_start3A_114 = tpu.memref_squeeze %dma_start3A_113 : memref<1x1x320x128xi32, #tpu.memory_space<hbm>> -> memref<320x128xi32, #tpu.memory_space<hbm>>
        %dma_start3A_115 = arith.constant 0 : i32
        %dma_start3A_116 = tpu.memref_slice %dma_start3A_114[%mul3A_104, %dma_start3A_115] : memref<320x128xi32, #tpu.memory_space<hbm>> -> memref<2x128xi32, #tpu.memory_space<hbm>>
        tpu.enqueue_dma source(%dma_start3A_116 : memref<2x128xi32, #tpu.memory_space<hbm>>) target(%arg6 : memref<2x128xi32, #tpu.memory_space<vmem>>) target_semaphore(%arg11 : memref<!tpu.dma_semaphore, #tpu.memory_space<semaphore_mem>>)
        %dma_wait3A_117 = arith.constant 0 : i32
        %dma_wait3A_118 = arith.constant 0 : i32
        %dma_wait3A_119 = tpu.memref_slice %arg3[%arg0, %arg1, %dma_wait3A_117, %dma_wait3A_118] : memref<2x16x320x128xi32, #tpu.memory_space<hbm>> -> memref<1x1x320x128xi32, #tpu.memory_space<hbm>>
        %dma_wait3A_120 = tpu.memref_squeeze %dma_wait3A_119 : memref<1x1x320x128xi32, #tpu.memory_space<hbm>> -> memref<320x128xi32, #tpu.memory_space<hbm>>
        %dma_wait3A_121 = arith.constant 0 : i32
        %dma_wait3A_122 = arith.constant 0 : i32
        %dma_wait3A_123 = tpu.memref_slice %dma_wait3A_120[%dma_wait3A_121, %dma_wait3A_122] : memref<320x128xi32, #tpu.memory_space<hbm>> -> memref<2x128xi32, #tpu.memory_space<hbm>>
        %dma_wait3A_124 = arith.constant 0 : i32
        %dma_wait3A_125 = arith.constant 0 : i32
        %dma_wait3A_126 = tpu.memref_slice %arg3[%arg0, %arg1, %dma_wait3A_124, %dma_wait3A_125] : memref<2x16x320x128xi32, #tpu.memory_space<hbm>> -> memref<1x1x320x128xi32, #tpu.memory_space<hbm>>
        %dma_wait3A_127 = tpu.memref_squeeze %dma_wait3A_126 : memref<1x1x320x128xi32, #tpu.memory_space<hbm>> -> memref<320x128xi32, #tpu.memory_space<hbm>>
        %dma_wait3A_128 = arith.constant 0 : i32
        %dma_wait3A_129 = arith.constant 0 : i32
        %dma_wait3A_130 = tpu.memref_slice %dma_wait3A_127[%dma_wait3A_128, %dma_wait3A_129] : memref<320x128xi32, #tpu.memory_space<hbm>> -> memref<2x128xi32, #tpu.memory_space<hbm>>
        tpu.wait_dma2 semaphore(%arg11 : memref<!tpu.dma_semaphore, #tpu.memory_space<semaphore_mem>>) src(%dma_wait3A_130 : memref<2x128xi32, #tpu.memory_space<hbm>>) dst(%arg6 : memref<2x128xi32, #tpu.memory_space<vmem>>)
        %dma_start3A_131 = arith.constant 0 : i32
        %dma_start3A_132 = arith.constant 0 : i32
        %dma_start3A_133 = tpu.memref_slice %arg6[%dma_start3A_131, %dma_start3A_132] : memref<2x128xi32, #tpu.memory_space<vmem>> -> memref<1x128xi32, #tpu.memory_space<vmem>>
        %dma_start3A_134 = tpu.memref_squeeze %dma_start3A_133 : memref<1x128xi32, #tpu.memory_space<vmem>> -> memref<128xi32, #tpu.memory_space<vmem>>
        %dma_start3A_135 = arith.constant 0 : i32
        %dma_start3A_136 = arith.constant 0 : i32
        %dma_start3A_137 = tpu.memref_slice %arg2[%dma_start3A_135, %dma_start3A_136] : memref<20480x128xf32, #tpu.memory_space<hbm>> -> memref<20480x128xf32, #tpu.memory_space<hbm>>
        tpu.enqueue_indirect_dma source(%dma_start3A_137 : memref<20480x128xf32, #tpu.memory_space<hbm>>) target(%arg8 : memref<128x128xf32, #tpu.memory_space<vmem>>) offsets(%dma_start3A_134 : memref<128xi32, #tpu.memory_space<vmem>>) semaphore(%arg13 : memref<!tpu.dma_semaphore, #tpu.memory_space<semaphore_mem>>)
      } else {
      }
      %dma_wait3A_88 = arith.constant 0 : i32
      %dma_wait3A_89 = arith.constant 0 : i32
      %dma_wait3A_90 = tpu.memref_slice %arg6[%dma_wait3A_88, %dma_wait3A_89] : memref<2x128xi32, #tpu.memory_space<vmem>> -> memref<1x128xi32, #tpu.memory_space<vmem>>
      %dma_wait3A_91 = tpu.memref_squeeze %dma_wait3A_90 : memref<1x128xi32, #tpu.memory_space<vmem>> -> memref<128xi32, #tpu.memory_space<vmem>>
      %dma_wait3A_92 = arith.constant 0 : i32
      %dma_wait3A_93 = arith.constant 0 : i32
      %dma_wait3A_94 = tpu.memref_slice %arg2[%dma_wait3A_92, %dma_wait3A_93] : memref<20480x128xf32, #tpu.memory_space<hbm>> -> memref<20480x128xf32, #tpu.memory_space<hbm>>
      tpu.wait_indirect_dma semaphore(%arg14 : memref<!tpu.dma_semaphore, #tpu.memory_space<semaphore_mem>>) src(%dma_wait3A_94 : memref<20480x128xf32, #tpu.memory_space<hbm>>) dst(%arg9 : memref<128x128xf32, #tpu.memory_space<vmem>>)
      %run_scoped3A_95 = arith.constant 1 : i32
      "tpu.region"() ({
        %run_scoped3A_103 = tpu.sem_alloc : memref<!tpu.dma_semaphore, #tpu.memory_space<semaphore_mem>>
        %dma_start3A_104 = arith.constant 0 : i32
        %dma_start3A_105 = tpu.memref_slice %arg7[%run_scoped3A_95, %dma_start3A_104] : memref<2x128xi32, #tpu.memory_space<vmem>> -> memref<1x128xi32, #tpu.memory_space<vmem>>
        %dma_start3A_106 = tpu.memref_squeeze %dma_start3A_105 : memref<1x128xi32, #tpu.memory_space<vmem>> -> memref<128xi32, #tpu.memory_space<vmem>>
        %dma_start3A_107 = arith.constant 0 : i32
        %dma_start3A_108 = arith.constant 0 : i32
        %dma_start3A_109 = tpu.memref_slice %arg10[%dma_start3A_107, %dma_start3A_108] : memref<10112x128xf32, #tpu.memory_space<vmem_shared>> -> memref<10112x128xf32, #tpu.memory_space<vmem_shared>>
        tpu.enqueue_indirect_dma source(%arg9 : memref<128x128xf32, #tpu.memory_space<vmem>>) target(%dma_start3A_109 : memref<10112x128xf32, #tpu.memory_space<vmem_shared>>) offsets(%dma_start3A_106 : memref<128xi32, #tpu.memory_space<vmem>>) semaphore(%run_scoped3A_103 : memref<!tpu.dma_semaphore, #tpu.memory_space<semaphore_mem>>) {add = true}
        %dma_wait3A_110 = arith.constant 0 : i32
        %dma_wait3A_111 = tpu.memref_slice %arg7[%run_scoped3A_95, %dma_wait3A_110] : memref<2x128xi32, #tpu.memory_space<vmem>> -> memref<1x128xi32, #tpu.memory_space<vmem>>
        %dma_wait3A_112 = tpu.memref_squeeze %dma_wait3A_111 : memref<1x128xi32, #tpu.memory_space<vmem>> -> memref<128xi32, #tpu.memory_space<vmem>>
        %dma_wait3A_113 = arith.constant 0 : i32
        %dma_wait3A_114 = arith.constant 0 : i32
        %dma_wait3A_115 = tpu.memref_slice %arg10[%dma_wait3A_113, %dma_wait3A_114] : memref<10112x128xf32, #tpu.memory_space<vmem_shared>> -> memref<10112x128xf32, #tpu.memory_space<vmem_shared>>
        tpu.wait_indirect_dma semaphore(%run_scoped3A_103 : memref<!tpu.dma_semaphore, #tpu.memory_space<semaphore_mem>>) src(%arg9 : memref<128x128xf32, #tpu.memory_space<vmem>>) dst(%dma_wait3A_115 : memref<10112x128xf32, #tpu.memory_space<vmem_shared>>)
        tpu.yield
      }) : () -> ()
      %add3A_96 = arith.constant 3 : i32
      %add3A_97 = arith.addi %mul3A_56, %add3A_96 : i32
      %lt3A_98 = arith.constant 160 : i32
      %lt3A_99 = arith.cmpi slt, %add3A_97, %lt3A_98 : i32
      %convert_element_type3A_100 = arith.extui %lt3A_99 : i1 to i32
      %cond3A_101 = arith.constant 0 : i32
      %cond3A_102 = arith.cmpi ne, %convert_element_type3A_100, %cond3A_101 : i32
      scf.if %cond3A_102 {
        %add3A_103 = arith.constant 3 : i32
        %add3A_104 = arith.addi %mul3A_56, %add3A_103 : i32
        %mul3A_105 = arith.constant 2 : i32
        %mul3A_106 = arith.muli %mul3A_105, %add3A_104 : i32
        %dma_start3A_107 = arith.constant 0 : i32
        %dma_start3A_108 = arith.constant 0 : i32
        %dma_start3A_109 = tpu.memref_slice %arg3[%arg0, %arg1, %dma_start3A_107, %dma_start3A_108] : memref<2x16x320x128xi32, #tpu.memory_space<hbm>> -> memref<1x1x320x128xi32, #tpu.memory_space<hbm>>
        %dma_start3A_110 = tpu.memref_squeeze %dma_start3A_109 : memref<1x1x320x128xi32, #tpu.memory_space<hbm>> -> memref<320x128xi32, #tpu.memory_space<hbm>>
        %dma_start3A_111 = arith.constant 0 : i32
        %dma_start3A_112 = tpu.memref_slice %dma_start3A_110[%mul3A_106, %dma_start3A_111] : memref<320x128xi32, #tpu.memory_space<hbm>> -> memref<2x128xi32, #tpu.memory_space<hbm>>
        %dma_start3A_113 = arith.constant 0 : i32
        %dma_start3A_114 = arith.constant 0 : i32
        %dma_start3A_115 = tpu.memref_slice %arg3[%arg0, %arg1, %dma_start3A_113, %dma_start3A_114] : memref<2x16x320x128xi32, #tpu.memory_space<hbm>> -> memref<1x1x320x128xi32, #tpu.memory_space<hbm>>
        %dma_start3A_116 = tpu.memref_squeeze %dma_start3A_115 : memref<1x1x320x128xi32, #tpu.memory_space<hbm>> -> memref<320x128xi32, #tpu.memory_space<hbm>>
        %dma_start3A_117 = arith.constant 0 : i32
        %dma_start3A_118 = tpu.memref_slice %dma_start3A_116[%mul3A_106, %dma_start3A_117] : memref<320x128xi32, #tpu.memory_space<hbm>> -> memref<2x128xi32, #tpu.memory_space<hbm>>
        tpu.enqueue_dma source(%dma_start3A_118 : memref<2x128xi32, #tpu.memory_space<hbm>>) target(%arg7 : memref<2x128xi32, #tpu.memory_space<vmem>>) target_semaphore(%arg12 : memref<!tpu.dma_semaphore, #tpu.memory_space<semaphore_mem>>)
      } else {
      }
    }
    %scan3A_52 = arith.constant 80 : i32
    %barrier3A_53 = arith.constant 0 : index
    tpu.barrier barrier_id(%barrier3A_53)
    "tpu.region"() ({
      %run_scoped3A = tpu.sem_alloc : memref<!tpu.dma_semaphore, #tpu.memory_space<semaphore_mem>>
      %dma_start3A_54 = arith.constant 0 : i32
      %dma_start3A_55 = tpu.memref_slice %arg5[%arg0, %mul3A_0, %dma_start3A_54] : memref<2x10240x128xf32, #tpu.memory_space<hbm>> -> memref<1x632x128xf32, #tpu.memory_space<hbm>>
      %dma_start3A_56 = tpu.memref_squeeze %dma_start3A_55 : memref<1x632x128xf32, #tpu.memory_space<hbm>> -> memref<632x128xf32, #tpu.memory_space<hbm>>
      %dma_start3A_57 = arith.constant 0 : i32
      %dma_start3A_58 = tpu.memref_slice %arg10[%mul3A_0, %dma_start3A_57] : memref<10112x128xf32, #tpu.memory_space<vmem_shared>> -> memref<632x128xf32, #tpu.memory_space<vmem_shared>>
      tpu.enqueue_dma source(%dma_start3A_58 : memref<632x128xf32, #tpu.memory_space<vmem_shared>>) target(%dma_start3A_56 : memref<632x128xf32, #tpu.memory_space<hbm>>) target_semaphore(%run_scoped3A : memref<!tpu.dma_semaphore, #tpu.memory_space<semaphore_mem>>)
      %dma_wait3A_59 = arith.constant 0 : i32
      %dma_wait3A_60 = tpu.memref_slice %arg5[%arg0, %mul3A_0, %dma_wait3A_59] : memref<2x10240x128xf32, #tpu.memory_space<hbm>> -> memref<1x632x128xf32, #tpu.memory_space<hbm>>
      %dma_wait3A_61 = tpu.memref_squeeze %dma_wait3A_60 : memref<1x632x128xf32, #tpu.memory_space<hbm>> -> memref<632x128xf32, #tpu.memory_space<hbm>>
      %dma_wait3A_62 = arith.constant 0 : i32
      %dma_wait3A_63 = tpu.memref_slice %arg10[%mul3A_0, %dma_wait3A_62] : memref<10112x128xf32, #tpu.memory_space<vmem_shared>> -> memref<632x128xf32, #tpu.memory_space<vmem_shared>>
      tpu.wait_dma2 semaphore(%run_scoped3A : memref<!tpu.dma_semaphore, #tpu.memory_space<semaphore_mem>>) src(%dma_wait3A_63 : memref<632x128xf32, #tpu.memory_space<vmem_shared>>) dst(%dma_wait3A_61 : memref<632x128xf32, #tpu.memory_space<hbm>>)
      tpu.yield
    }) : () -> ()
    return
  }
}

module attributes {stable_mosaic.version = 14 : i64} {
  func.func @_t0_body(%arg0: i32, %arg1: memref<2x512x16xf32, #tpu.memory_space<vmem>>, %arg2: memref<512x128xf32, #tpu.memory_space<vmem>>, %arg3: memref<512x128xf32, #tpu.memory_space<vmem>>, %arg4: memref<1x128xf32, #tpu.memory_space<vmem>>, %arg5: memref<512x128xf32, #tpu.memory_space<vmem>>, %arg6: memref<512x128xf32, #tpu.memory_space<vmem>>) attributes {dimension_semantics = [#tpu.dimension_semantics<arbitrary>], iteration_bounds = array<i64: 20>, scalar_prefetch = 0 : i64, scratch_operands = 0 : i64, tpu.core_type = #tpu.core_type<tc>, window_params = [{transform_indices = @transform_0, window_bounds = array<i64: 2, 512, 16>}, {transform_indices = @transform_1, window_bounds = array<i64: 512, 128>}, {transform_indices = @transform_2, window_bounds = array<i64: 512, 128>}, {pipeline_mode = #tpu.pipeline_mode<synchronous>, transform_indices = @transform_3, window_bounds = array<i64: 1, 128>}, {transform_indices = @transform_4, window_bounds = array<i64: 512, 128>}, {transform_indices = @transform_5, window_bounds = array<i64: 512, 128>}]} {
    %get3A = arith.constant 0 : index
    %get3A_0 = arith.constant 0 : index
    %get3A_1 = arith.constant 0 : index
    %get3A_2 = vector.load %arg1[%get3A, %get3A_0, %get3A_1] : memref<2x512x16xf32, #tpu.memory_space<vmem>>, vector<1x512x1xf32>
    %get3A_3 = vector.shape_cast %get3A_2 : vector<1x512x1xf32> to vector<512x1xf32>
    %get3A_4 = arith.constant 1 : index
    %get3A_5 = arith.constant 0 : index
    %get3A_6 = arith.constant 0 : index
    %get3A_7 = vector.load %arg1[%get3A_4, %get3A_5, %get3A_6] : memref<2x512x16xf32, #tpu.memory_space<vmem>>, vector<1x512x1xf32>
    %get3A_8 = vector.shape_cast %get3A_7 : vector<1x512x1xf32> to vector<512x1xf32>
    %add3A = arith.addf %get3A_3, %get3A_8 : vector<512x1xf32>
    %add3A_9 = arith.constant 1.000000e+00 : f32
    %add3A_10 = vector.broadcast %add3A_9 : f32 to vector<512x1xf32>
    %add3A_11 = arith.addf %add3A, %add3A_10 : vector<512x1xf32>
    %rsqrt3A = math.rsqrt %add3A_11 : vector<512x1xf32>
    %broadcast_in_dim3A = vector.shape_cast %rsqrt3A : vector<512x1xf32> to vector<512x1xf32>
    %broadcast_in_dim3A_12 = vector.broadcast %broadcast_in_dim3A : vector<512x1xf32> to vector<512x128xf32>
    %get3A_13 = arith.constant 0 : index
    %get3A_14 = arith.constant 0 : index
    %get3A_15 = vector.load %arg3[%get3A_13, %get3A_14] : memref<512x128xf32, #tpu.memory_space<vmem>>, vector<512x128xf32>
    %get3A_16 = arith.constant 0 : index
    %get3A_17 = arith.constant 0 : index
    %get3A_18 = vector.load %arg4[%get3A_16, %get3A_17] : memref<1x128xf32, #tpu.memory_space<vmem>>, vector<1x128xf32>
    %mul3A = vector.broadcast %get3A_18 : vector<1x128xf32> to vector<512x128xf32>
    %mul3A_19 = arith.mulf %get3A_15, %mul3A : vector<512x128xf32>
    %sub3A = arith.constant 1.000000e+00 : f32
    %sub3A_20 = vector.broadcast %sub3A : f32 to vector<512x128xf32>
    %sub3A_21 = arith.subf %sub3A_20, %get3A_15 : vector<512x128xf32>
    %get3A_22 = arith.constant 0 : index
    %get3A_23 = arith.constant 0 : index
    %get3A_24 = vector.load %arg2[%get3A_22, %get3A_23] : memref<512x128xf32, #tpu.memory_space<vmem>>, vector<512x128xf32>
    %mul3A_25 = arith.mulf %sub3A_21, %get3A_24 : vector<512x128xf32>
    %add3A_26 = arith.addf %mul3A_19, %mul3A_25 : vector<512x128xf32>
    %swap3A = arith.constant 0 : index
    %swap3A_27 = arith.constant 0 : index
    %swap3A_28 = vector.load %arg5[%swap3A, %swap3A_27] : memref<512x128xf32, #tpu.memory_space<vmem>>, vector<512x128xf32>
    tpu.vector_store %arg5[%swap3A, %swap3A_27], %broadcast_in_dim3A_12 {strides = array<i32>} : memref<512x128xf32, #tpu.memory_space<vmem>>, vector<512x128xf32>,
    %mul3A_29 = arith.constant 512 : i32
    %mul3A_30 = arith.muli %arg0, %mul3A_29 : i32
    %iota3A = tpu.iota {dimensions = array<i32: 0>} : vector<512x128xi32>
    %add3A_31 = vector.broadcast %mul3A_30 : i32 to vector<512x128xi32>
    %add3A_32 = arith.addi %add3A_31, %iota3A : vector<512x128xi32>
    %lt3A = arith.constant 10000 : i32
    %lt3A_33 = vector.broadcast %lt3A : i32 to vector<512x128xi32>
    %lt3A_34 = arith.cmpi slt, %add3A_32, %lt3A_33 : vector<512x128xi32>
    %mul3A_35 = arith.mulf %broadcast_in_dim3A_12, %add3A_26 : vector<512x128xf32>
    %jit3A = arith.constant 0.000000e+00 : f32
    %broadcast_in_dim3A_36 = vector.broadcast %jit3A : f32 to vector<512x128xf32>
    %select_n3A = arith.select %lt3A_34, %mul3A_35, %broadcast_in_dim3A_36 : vector<512x128xi1>, vector<512x128xf32>
    %swap3A_37 = arith.constant 0 : index
    %swap3A_38 = arith.constant 0 : index
    %swap3A_39 = vector.load %arg6[%swap3A_37, %swap3A_38] : memref<512x128xf32, #tpu.memory_space<vmem>>, vector<512x128xf32>
    tpu.vector_store %arg6[%swap3A_37, %swap3A_38], %select_n3A {strides = array<i32>} : memref<512x128xf32, #tpu.memory_space<vmem>>, vector<512x128xf32>,
    return
  }
  func.func @transform_0(%arg0: i32) -> (i32, i32, i32) {
    %c0_i32 = arith.constant 0 : i32
    %c0_i32_0 = arith.constant 0 : i32
    %c0_i32_1 = arith.constant 0 : i32
    return %c0_i32, %arg0, %c0_i32_0 : i32, i32, i32
  }
  func.func @transform_1(%arg0: i32) -> (i32, i32) {
    %c0_i32 = arith.constant 0 : i32
    %c0_i32_0 = arith.constant 0 : i32
    return %arg0, %c0_i32 : i32, i32
  }
  func.func @transform_2(%arg0: i32) -> (i32, i32) {
    %c0_i32 = arith.constant 0 : i32
    %c0_i32_0 = arith.constant 0 : i32
    return %arg0, %c0_i32 : i32, i32
  }
  func.func @transform_3(%arg0: i32) -> (i32, i32) {
    %c0_i32 = arith.constant 0 : i32
    %c0_i32_0 = arith.constant 0 : i32
    %c0_i32_1 = arith.constant 0 : i32
    return %c0_i32, %c0_i32_0 : i32, i32
  }
  func.func @transform_4(%arg0: i32) -> (i32, i32) {
    %c0_i32 = arith.constant 0 : i32
    %c0_i32_0 = arith.constant 0 : i32
    return %arg0, %c0_i32 : i32, i32
  }
  func.func @transform_5(%arg0: i32) -> (i32, i32) {
    %c0_i32 = arith.constant 0 : i32
    %c0_i32_0 = arith.constant 0 : i32
    return %arg0, %c0_i32 : i32, i32
  }
}

module attributes {stable_mosaic.version = 14 : i64} {
  func.func @_t1_body(%arg0: i32, %arg1: memref<2x512x128xf32, #tpu.memory_space<vmem>>, %arg2: memref<512x128xf32, #tpu.memory_space<vmem>>, %arg3: memref<512x128xf32, #tpu.memory_space<vmem>>, %arg4: memref<128x256xf32, #tpu.memory_space<vmem>>, %arg5: memref<1x256xf32, #tpu.memory_space<vmem>>, %arg6: memref<1x256xf32, #tpu.memory_space<vmem>>, %arg7: memref<2x512x128xf32, #tpu.memory_space<vmem>>) attributes {dimension_semantics = [#tpu.dimension_semantics<arbitrary>], iteration_bounds = array<i64: 20>, scalar_prefetch = 0 : i64, scratch_operands = 0 : i64, tpu.core_type = #tpu.core_type<tc>, window_params = [{transform_indices = @transform_0, window_bounds = array<i64: 2, 512, 128>}, {transform_indices = @transform_1, window_bounds = array<i64: 512, 128>}, {transform_indices = @transform_2, window_bounds = array<i64: 512, 128>}, {pipeline_mode = #tpu.pipeline_mode<synchronous>, transform_indices = @transform_3, window_bounds = array<i64: 128, 256>}, {pipeline_mode = #tpu.pipeline_mode<synchronous>, transform_indices = @transform_4, window_bounds = array<i64: 1, 256>}, {pipeline_mode = #tpu.pipeline_mode<synchronous>, transform_indices = @transform_5, window_bounds = array<i64: 1, 256>}, {transform_indices = @transform_6, window_bounds = array<i64: 2, 512, 128>}]} {
    %get3A = arith.constant 0 : index
    %get3A_0 = arith.constant 0 : index
    %get3A_1 = vector.load %arg3[%get3A, %get3A_0] : memref<512x128xf32, #tpu.memory_space<vmem>>, vector<512x128xf32>
    %get3A_2 = arith.constant 0 : index
    %get3A_3 = arith.constant 0 : index
    %get3A_4 = arith.constant 0 : index
    %get3A_5 = vector.load %arg1[%get3A_2, %get3A_3, %get3A_4] : memref<2x512x128xf32, #tpu.memory_space<vmem>>, vector<1x512x128xf32>
    %get3A_6 = vector.shape_cast %get3A_5 : vector<1x512x128xf32> to vector<512x128xf32>
    %get3A_7 = arith.constant 1 : index
    %get3A_8 = arith.constant 0 : index
    %get3A_9 = arith.constant 0 : index
    %get3A_10 = vector.load %arg1[%get3A_7, %get3A_8, %get3A_9] : memref<2x512x128xf32, #tpu.memory_space<vmem>>, vector<1x512x128xf32>
    %get3A_11 = vector.shape_cast %get3A_10 : vector<1x512x128xf32> to vector<512x128xf32>
    %add3A = arith.addf %get3A_6, %get3A_11 : vector<512x128xf32>
    %get3A_12 = arith.constant 0 : index
    %get3A_13 = arith.constant 0 : index
    %get3A_14 = vector.load %arg2[%get3A_12, %get3A_13] : memref<512x128xf32, #tpu.memory_space<vmem>>, vector<512x128xf32>
    %add3A_15 = arith.addf %add3A, %get3A_14 : vector<512x128xf32>
    %mul3A = arith.mulf %get3A_1, %add3A_15 : vector<512x128xf32>
    %get3A_16 = arith.constant 0 : index
    %get3A_17 = arith.constant 0 : index
    %get3A_18 = vector.load %arg4[%get3A_16, %get3A_17] : memref<128x256xf32, #tpu.memory_space<vmem>>, vector<128x256xf32>
    %dot_general3A = arith.constant dense<0.000000e+00> : vector<512x256xf32>
    %dot_general3A_19 = tpu.matmul %mul3A, %get3A_18, %dot_general3A {dimension_numbers = #tpu.dot_dimension_numbers<[1], [0], [0], [1], [0, 0, 1, 1], [], []>, transpose_lhs_hint = false} : vector<512x128xf32>, vector<128x256xf32>, vector<512x256xf32> -> vector<512x256xf32>
    %get3A_20 = arith.constant 0 : index
    %get3A_21 = arith.constant 0 : index
    %get3A_22 = vector.load %arg5[%get3A_20, %get3A_21] : memref<1x256xf32, #tpu.memory_space<vmem>>, vector<1x256xf32>
    %add3A_23 = vector.broadcast %get3A_22 : vector<1x256xf32> to vector<512x256xf32>
    %add3A_24 = arith.addf %dot_general3A_19, %add3A_23 : vector<512x256xf32>
    %ge3A = arith.constant 0.000000e+00 : f32
    %ge3A_25 = vector.broadcast %ge3A : f32 to vector<512x256xf32>
    %ge3A_26 = arith.cmpf oge, %add3A_24, %ge3A_25 : vector<512x256xf32>
    %get3A_27 = arith.constant 0 : index
    %get3A_28 = arith.constant 0 : index
    %get3A_29 = vector.load %arg6[%get3A_27, %get3A_28] : memref<1x256xf32, #tpu.memory_space<vmem>>, vector<1x256xf32>
    %mul3A_30 = vector.broadcast %get3A_29 : vector<1x256xf32> to vector<512x256xf32>
    %mul3A_31 = arith.mulf %mul3A_30, %add3A_24 : vector<512x256xf32>
    %select_n3A = arith.select %ge3A_26, %add3A_24, %mul3A_31 : vector<512x256xi1>, vector<512x256xf32>
    %get3A_32 = arith.constant 0 : index
    %get3A_33 = arith.constant 0 : index
    %get3A_34 = vector.load %arg3[%get3A_32, %get3A_33] : memref<512x128xf32, #tpu.memory_space<vmem>>, vector<512x128xf32>
    %get3A_35 = arith.constant 0 : index
    %get3A_36 = arith.constant 0 : index
    %get3A_37 = vector.load %arg3[%get3A_35, %get3A_36] : memref<512x128xf32, #tpu.memory_space<vmem>>, vector<512x128xf32>
    %concatenate3A = tpu.concatenate %get3A_34, %get3A_37 in 1 : vector<512x128xf32>, vector<512x128xf32> -> vector<512x256xf32>
    %mul3A_38 = arith.constant 512 : i32
    %mul3A_39 = arith.muli %arg0, %mul3A_38 : i32
    %iota3A = tpu.iota {dimensions = array<i32: 0>} : vector<512x128xi32>
    %add3A_40 = vector.broadcast %mul3A_39 : i32 to vector<512x128xi32>
    %add3A_41 = arith.addi %add3A_40, %iota3A : vector<512x128xi32>
    %lt3A = arith.constant 10000 : i32
    %lt3A_42 = vector.broadcast %lt3A : i32 to vector<512x128xi32>
    %lt3A_43 = arith.cmpi slt, %add3A_41, %lt3A_42 : vector<512x128xi32>
    %concatenate3A_44 = tpu.concatenate %lt3A_43, %lt3A_43 in 1 : vector<512x128xi1>, vector<512x128xi1> -> vector<512x256xi1>
    %mul3A_45 = arith.mulf %concatenate3A, %select_n3A : vector<512x256xf32>
    %jit3A = arith.constant 0.000000e+00 : f32
    %broadcast_in_dim3A = vector.broadcast %jit3A : f32 to vector<512x256xf32>
    %select_n3A_46 = arith.select %concatenate3A_44, %mul3A_45, %broadcast_in_dim3A : vector<512x256xi1>, vector<512x256xf32>
    %slice3A = vector.extract_strided_slice %select_n3A_46 {offsets = [0, 0], sizes = [512, 128], strides = [1, 1]} : vector<512x256xf32> to vector<512x128xf32>
    %swap3A = arith.constant 0 : index
    %swap3A_47 = arith.constant 0 : index
    %swap3A_48 = arith.constant 0 : index
    %swap3A_49 = vector.load %arg7[%swap3A, %swap3A_47, %swap3A_48] : memref<2x512x128xf32, #tpu.memory_space<vmem>>, vector<1x512x128xf32>
    %swap3A_50 = vector.shape_cast %swap3A_49 : vector<1x512x128xf32> to vector<512x128xf32>
    %swap3A_51 = vector.shape_cast %slice3A : vector<512x128xf32> to vector<1x512x128xf32>
    tpu.vector_store %arg7[%swap3A, %swap3A_47, %swap3A_48], %swap3A_51 {strides = array<i32>} : memref<2x512x128xf32, #tpu.memory_space<vmem>>, vector<1x512x128xf32>,
    %slice3A_52 = vector.extract_strided_slice %select_n3A_46 {offsets = [0, 128], sizes = [512, 128], strides = [1, 1]} : vector<512x256xf32> to vector<512x128xf32>
    %swap3A_53 = arith.constant 1 : index
    %swap3A_54 = arith.constant 0 : index
    %swap3A_55 = arith.constant 0 : index
    %swap3A_56 = vector.load %arg7[%swap3A_53, %swap3A_54, %swap3A_55] : memref<2x512x128xf32, #tpu.memory_space<vmem>>, vector<1x512x128xf32>
    %swap3A_57 = vector.shape_cast %swap3A_56 : vector<1x512x128xf32> to vector<512x128xf32>
    %swap3A_58 = vector.shape_cast %slice3A_52 : vector<512x128xf32> to vector<1x512x128xf32>
    tpu.vector_store %arg7[%swap3A_53, %swap3A_54, %swap3A_55], %swap3A_58 {strides = array<i32>} : memref<2x512x128xf32, #tpu.memory_space<vmem>>, vector<1x512x128xf32>,
    return
  }
  func.func @transform_0(%arg0: i32) -> (i32, i32, i32) {
    %c0_i32 = arith.constant 0 : i32
    %c0_i32_0 = arith.constant 0 : i32
    %c0_i32_1 = arith.constant 0 : i32
    return %c0_i32, %arg0, %c0_i32_0 : i32, i32, i32
  }
  func.func @transform_1(%arg0: i32) -> (i32, i32) {
    %c0_i32 = arith.constant 0 : i32
    %c0_i32_0 = arith.constant 0 : i32
    return %arg0, %c0_i32 : i32, i32
  }
  func.func @transform_2(%arg0: i32) -> (i32, i32) {
    %c0_i32 = arith.constant 0 : i32
    %c0_i32_0 = arith.constant 0 : i32
    return %arg0, %c0_i32 : i32, i32
  }
  func.func @transform_3(%arg0: i32) -> (i32, i32) {
    %c0_i32 = arith.constant 0 : i32
    %c0_i32_0 = arith.constant 0 : i32
    %c0_i32_1 = arith.constant 0 : i32
    return %c0_i32, %c0_i32_0 : i32, i32
  }
  func.func @transform_4(%arg0: i32) -> (i32, i32) {
    %c0_i32 = arith.constant 0 : i32
    %c0_i32_0 = arith.constant 0 : i32
    %c0_i32_1 = arith.constant 0 : i32
    return %c0_i32, %c0_i32_0 : i32, i32
  }
  func.func @transform_5(%arg0: i32) -> (i32, i32) {
    %c0_i32 = arith.constant 0 : i32
    %c0_i32_0 = arith.constant 0 : i32
    %c0_i32_1 = arith.constant 0 : i32
    return %c0_i32, %c0_i32_0 : i32, i32
  }
  func.func @transform_6(%arg0: i32) -> (i32, i32, i32) {
    %c0_i32 = arith.constant 0 : i32
    %c0_i32_0 = arith.constant 0 : i32
    %c0_i32_1 = arith.constant 0 : i32
    return %c0_i32, %arg0, %c0_i32_0 : i32, i32, i32
  }
}

module attributes {stable_mosaic.version = 14 : i64} {
  func.func @_wf_body(%arg0: memref<256x256xf32, #tpu.memory_space<vmem>>, %arg1: memref<256x128xf32, #tpu.memory_space<vmem>>, %arg2: memref<256x128xf32, #tpu.memory_space<vmem>>) attributes {dimension_semantics = [], scalar_prefetch = 0 : i64, scratch_operands = 0 : i64, tpu.core_type = #tpu.core_type<tc>} {
    %get3A = arith.constant 0 : index
    %get3A_0 = arith.constant 0 : index
    %get3A_1 = vector.load %arg0[%get3A, %get3A_0] : memref<256x256xf32, #tpu.memory_space<vmem>>, vector<256x256xf32>
    %get3A_2 = arith.constant 0 : index
    %get3A_3 = arith.constant 0 : index
    %get3A_4 = vector.load %arg1[%get3A_2, %get3A_3] : memref<256x128xf32, #tpu.memory_space<vmem>>, vector<256x128xf32>
    %dot_general3A = arith.constant dense<0.000000e+00> : vector<256x128xf32>
    %dot_general3A_5 = tpu.matmul %get3A_1, %get3A_4, %dot_general3A {dimension_numbers = #tpu.dot_dimension_numbers<[1], [0], [0], [1], [0, 0, 1, 1], [], []>, transpose_lhs_hint = false} : vector<256x256xf32>, vector<256x128xf32>, vector<256x128xf32> -> vector<256x128xf32>
    %swap3A = arith.constant 0 : index
    %swap3A_6 = arith.constant 0 : index
    %swap3A_7 = vector.load %arg2[%swap3A, %swap3A_6] : memref<256x128xf32, #tpu.memory_space<vmem>>, vector<256x128xf32>
    tpu.vector_store %arg2[%swap3A, %swap3A_6], %dot_general3A_5 {strides = array<i32>} : memref<256x128xf32, #tpu.memory_space<vmem>>, vector<256x128xf32>,
    return
  }
}

module attributes {stable_mosaic.version = 14 : i64} {
  func.func @_t2_body(%arg0: i32, %arg1: memref<2x512x128xf32, #tpu.memory_space<vmem>>, %arg2: memref<2x512x128xf32, #tpu.memory_space<vmem>>, %arg3: memref<512x128xf32, #tpu.memory_space<vmem>>, %arg4: memref<256x256xf32, #tpu.memory_space<vmem>>, %arg5: memref<1x256xf32, #tpu.memory_space<vmem>>, %arg6: memref<1x256xf32, #tpu.memory_space<vmem>>, %arg7: memref<256x128xf32, #tpu.memory_space<vmem>>, %arg8: memref<512x128xf32, #tpu.memory_space<vmem>>, %arg9: memref<512x128xf32, #tpu.memory_space<vmem>>) attributes {dimension_semantics = [#tpu.dimension_semantics<arbitrary>], iteration_bounds = array<i64: 20>, scalar_prefetch = 0 : i64, scratch_operands = 0 : i64, tpu.core_type = #tpu.core_type<tc>, window_params = [{transform_indices = @transform_0, window_bounds = array<i64: 2, 512, 128>}, {transform_indices = @transform_1, window_bounds = array<i64: 2, 512, 128>}, {transform_indices = @transform_2, window_bounds = array<i64: 512, 128>}, {pipeline_mode = #tpu.pipeline_mode<synchronous>, transform_indices = @transform_3, window_bounds = array<i64: 256, 256>}, {pipeline_mode = #tpu.pipeline_mode<synchronous>, transform_indices = @transform_4, window_bounds = array<i64: 1, 256>}, {pipeline_mode = #tpu.pipeline_mode<synchronous>, transform_indices = @transform_5, window_bounds = array<i64: 1, 256>}, {pipeline_mode = #tpu.pipeline_mode<synchronous>, transform_indices = @transform_6, window_bounds = array<i64: 256, 128>}, {transform_indices = @transform_7, window_bounds = array<i64: 512, 128>}, {transform_indices = @transform_8, window_bounds = array<i64: 512, 128>}]} {
    %get3A = arith.constant 0 : index
    %get3A_0 = arith.constant 0 : index
    %get3A_1 = arith.constant 0 : index
    %get3A_2 = vector.load %arg1[%get3A, %get3A_0, %get3A_1] : memref<2x512x128xf32, #tpu.memory_space<vmem>>, vector<1x512x128xf32>
    %get3A_3 = vector.shape_cast %get3A_2 : vector<1x512x128xf32> to vector<512x128xf32>
    %get3A_4 = arith.constant 1 : index
    %get3A_5 = arith.constant 0 : index
    %get3A_6 = arith.constant 0 : index
    %get3A_7 = vector.load %arg1[%get3A_4, %get3A_5, %get3A_6] : memref<2x512x128xf32, #tpu.memory_space<vmem>>, vector<1x512x128xf32>
    %get3A_8 = vector.shape_cast %get3A_7 : vector<1x512x128xf32> to vector<512x128xf32>
    %concatenate3A = tpu.concatenate %get3A_3, %get3A_8 in 1 : vector<512x128xf32>, vector<512x128xf32> -> vector<512x256xf32>
    %get3A_9 = arith.constant 0 : index
    %get3A_10 = arith.constant 0 : index
    %get3A_11 = arith.constant 0 : index
    %get3A_12 = vector.load %arg2[%get3A_9, %get3A_10, %get3A_11] : memref<2x512x128xf32, #tpu.memory_space<vmem>>, vector<1x512x128xf32>
    %get3A_13 = vector.shape_cast %get3A_12 : vector<1x512x128xf32> to vector<512x128xf32>
    %get3A_14 = arith.constant 1 : index
    %get3A_15 = arith.constant 0 : index
    %get3A_16 = arith.constant 0 : index
    %get3A_17 = vector.load %arg2[%get3A_14, %get3A_15, %get3A_16] : memref<2x512x128xf32, #tpu.memory_space<vmem>>, vector<1x512x128xf32>
    %get3A_18 = vector.shape_cast %get3A_17 : vector<1x512x128xf32> to vector<512x128xf32>
    %concatenate3A_19 = tpu.concatenate %get3A_13, %get3A_18 in 1 : vector<512x128xf32>, vector<512x128xf32> -> vector<512x256xf32>
    %get3A_20 = arith.constant 0 : index
    %get3A_21 = arith.constant 0 : index
    %get3A_22 = vector.load %arg3[%get3A_20, %get3A_21] : memref<512x128xf32, #tpu.memory_space<vmem>>, vector<512x128xf32>
    %get3A_23 = arith.constant 0 : index
    %get3A_24 = arith.constant 0 : index
    %get3A_25 = vector.load %arg3[%get3A_23, %get3A_24] : memref<512x128xf32, #tpu.memory_space<vmem>>, vector<512x128xf32>
    %concatenate3A_26 = tpu.concatenate %get3A_22, %get3A_25 in 1 : vector<512x128xf32>, vector<512x128xf32> -> vector<512x256xf32>
    %add3A = arith.addf %concatenate3A, %concatenate3A_19 : vector<512x256xf32>
    %mul3A = arith.mulf %concatenate3A_26, %add3A : vector<512x256xf32>
    %get3A_27 = arith.constant 0 : index
    %get3A_28 = arith.constant 0 : index
    %get3A_29 = vector.load %arg4[%get3A_27, %get3A_28] : memref<256x256xf32, #tpu.memory_space<vmem>>, vector<256x256xf32>
    %dot_general3A = arith.constant dense<0.000000e+00> : vector<512x256xf32>
    %dot_general3A_30 = tpu.matmul %mul3A, %get3A_29, %dot_general3A {dimension_numbers = #tpu.dot_dimension_numbers<[1], [0], [0], [1], [0, 0, 1, 1], [], []>, transpose_lhs_hint = false} : vector<512x256xf32>, vector<256x256xf32>, vector<512x256xf32> -> vector<512x256xf32>
    %get3A_31 = arith.constant 0 : index
    %get3A_32 = arith.constant 0 : index
    %get3A_33 = vector.load %arg5[%get3A_31, %get3A_32] : memref<1x256xf32, #tpu.memory_space<vmem>>, vector<1x256xf32>
    %add3A_34 = vector.broadcast %get3A_33 : vector<1x256xf32> to vector<512x256xf32>
    %add3A_35 = arith.addf %dot_general3A_30, %add3A_34 : vector<512x256xf32>
    %ge3A = arith.constant 0.000000e+00 : f32
    %ge3A_36 = vector.broadcast %ge3A : f32 to vector<512x256xf32>
    %ge3A_37 = arith.cmpf oge, %add3A_35, %ge3A_36 : vector<512x256xf32>
    %get3A_38 = arith.constant 0 : index
    %get3A_39 = arith.constant 0 : index
    %get3A_40 = vector.load %arg6[%get3A_38, %get3A_39] : memref<1x256xf32, #tpu.memory_space<vmem>>, vector<1x256xf32>
    %mul3A_41 = vector.broadcast %get3A_40 : vector<1x256xf32> to vector<512x256xf32>
    %mul3A_42 = arith.mulf %mul3A_41, %add3A_35 : vector<512x256xf32>
    %select_n3A = arith.select %ge3A_37, %add3A_35, %mul3A_42 : vector<512x256xi1>, vector<512x256xf32>
    %get3A_43 = arith.constant 0 : index
    %get3A_44 = arith.constant 0 : index
    %get3A_45 = vector.load %arg7[%get3A_43, %get3A_44] : memref<256x128xf32, #tpu.memory_space<vmem>>, vector<256x128xf32>
    %dot_general3A_46 = arith.constant dense<0.000000e+00> : vector<512x128xf32>
    %dot_general3A_47 = tpu.matmul %select_n3A, %get3A_45, %dot_general3A_46 {dimension_numbers = #tpu.dot_dimension_numbers<[1], [0], [0], [1], [0, 0, 1, 1], [], []>, transpose_lhs_hint = false} : vector<512x256xf32>, vector<256x128xf32>, vector<512x128xf32> -> vector<512x128xf32>
    %get3A_48 = arith.constant 0 : index
    %get3A_49 = arith.constant 0 : index
    %get3A_50 = vector.load %arg8[%get3A_48, %get3A_49] : memref<512x128xf32, #tpu.memory_space<vmem>>, vector<512x128xf32>
    %sub3A = arith.constant 1.000000e+00 : f32
    %sub3A_51 = vector.broadcast %sub3A : f32 to vector<512x128xf32>
    %sub3A_52 = arith.subf %sub3A_51, %get3A_50 : vector<512x128xf32>
    %mul3A_53 = arith.mulf %sub3A_52, %dot_general3A_47 : vector<512x128xf32>
    %mul3A_54 = arith.constant 512 : i32
    %mul3A_55 = arith.muli %arg0, %mul3A_54 : i32
    %iota3A = tpu.iota {dimensions = array<i32: 0>} : vector<512x128xi32>
    %add3A_56 = vector.broadcast %mul3A_55 : i32 to vector<512x128xi32>
    %add3A_57 = arith.addi %add3A_56, %iota3A : vector<512x128xi32>
    %lt3A = arith.constant 10000 : i32
    %lt3A_58 = vector.broadcast %lt3A : i32 to vector<512x128xi32>
    %lt3A_59 = arith.cmpi slt, %add3A_57, %lt3A_58 : vector<512x128xi32>
    %get3A_60 = arith.constant 0 : index
    %get3A_61 = arith.constant 0 : index
    %get3A_62 = vector.load %arg3[%get3A_60, %get3A_61] : memref<512x128xf32, #tpu.memory_space<vmem>>, vector<512x128xf32>
    %mul3A_63 = arith.mulf %get3A_62, %mul3A_53 : vector<512x128xf32>
    %jit3A = arith.constant 0.000000e+00 : f32
    %broadcast_in_dim3A = vector.broadcast %jit3A : f32 to vector<512x128xf32>
    %select_n3A_64 = arith.select %lt3A_59, %mul3A_63, %broadcast_in_dim3A : vector<512x128xi1>, vector<512x128xf32>
    %swap3A = arith.constant 0 : index
    %swap3A_65 = arith.constant 0 : index
    %swap3A_66 = vector.load %arg9[%swap3A, %swap3A_65] : memref<512x128xf32, #tpu.memory_space<vmem>>, vector<512x128xf32>
    tpu.vector_store %arg9[%swap3A, %swap3A_65], %select_n3A_64 {strides = array<i32>} : memref<512x128xf32, #tpu.memory_space<vmem>>, vector<512x128xf32>,
    return
  }
  func.func @transform_0(%arg0: i32) -> (i32, i32, i32) {
    %c0_i32 = arith.constant 0 : i32
    %c0_i32_0 = arith.constant 0 : i32
    %c0_i32_1 = arith.constant 0 : i32
    return %c0_i32, %arg0, %c0_i32_0 : i32, i32, i32
  }
  func.func @transform_1(%arg0: i32) -> (i32, i32, i32) {
    %c0_i32 = arith.constant 0 : i32
    %c0_i32_0 = arith.constant 0 : i32
    %c0_i32_1 = arith.constant 0 : i32
    return %c0_i32, %arg0, %c0_i32_0 : i32, i32, i32
  }
  func.func @transform_2(%arg0: i32) -> (i32, i32) {
    %c0_i32 = arith.constant 0 : i32
    %c0_i32_0 = arith.constant 0 : i32
    return %arg0, %c0_i32 : i32, i32
  }
  func.func @transform_3(%arg0: i32) -> (i32, i32) {
    %c0_i32 = arith.constant 0 : i32
    %c0_i32_0 = arith.constant 0 : i32
    %c0_i32_1 = arith.constant 0 : i32
    return %c0_i32, %c0_i32_0 : i32, i32
  }
  func.func @transform_4(%arg0: i32) -> (i32, i32) {
    %c0_i32 = arith.constant 0 : i32
    %c0_i32_0 = arith.constant 0 : i32
    %c0_i32_1 = arith.constant 0 : i32
    return %c0_i32, %c0_i32_0 : i32, i32
  }
  func.func @transform_5(%arg0: i32) -> (i32, i32) {
    %c0_i32 = arith.constant 0 : i32
    %c0_i32_0 = arith.constant 0 : i32
    %c0_i32_1 = arith.constant 0 : i32
    return %c0_i32, %c0_i32_0 : i32, i32
  }
  func.func @transform_6(%arg0: i32) -> (i32, i32) {
    %c0_i32 = arith.constant 0 : i32
    %c0_i32_0 = arith.constant 0 : i32
    %c0_i32_1 = arith.constant 0 : i32
    return %c0_i32, %c0_i32_0 : i32, i32
  }
  func.func @transform_7(%arg0: i32) -> (i32, i32) {
    %c0_i32 = arith.constant 0 : i32
    %c0_i32_0 = arith.constant 0 : i32
    return %arg0, %c0_i32 : i32, i32
  }
  func.func @transform_8(%arg0: i32) -> (i32, i32) {
    %c0_i32 = arith.constant 0 : i32
    %c0_i32_0 = arith.constant 0 : i32
    return %arg0, %c0_i32 : i32, i32
  }
}

module attributes {stable_mosaic.version = 14 : i64} {
  func.func @_t3_body(%arg0: i32, %arg1: memref<2x512x128xf32, #tpu.memory_space<vmem>>, %arg2: memref<512x128xf32, #tpu.memory_space<vmem>>, %arg3: memref<512x128xf32, #tpu.memory_space<vmem>>, %arg4: memref<1x128xf32, #tpu.memory_space<vmem>>, %arg5: memref<512x128xf32, #tpu.memory_space<vmem>>, %arg6: memref<512x128xf32, #tpu.memory_space<vmem>>, %arg7: memref<8x128xf32, #tpu.memory_space<vmem>>) attributes {dimension_semantics = [#tpu.dimension_semantics<arbitrary>], iteration_bounds = array<i64: 20>, scalar_prefetch = 0 : i64, scratch_operands = 0 : i64, tpu.core_type = #tpu.core_type<tc>, window_params = [{transform_indices = @transform_0, window_bounds = array<i64: 2, 512, 128>}, {transform_indices = @transform_1, window_bounds = array<i64: 512, 128>}, {transform_indices = @transform_2, window_bounds = array<i64: 512, 128>}, {pipeline_mode = #tpu.pipeline_mode<synchronous>, transform_indices = @transform_3, window_bounds = array<i64: 1, 128>}, {transform_indices = @transform_4, window_bounds = array<i64: 512, 128>}, {transform_indices = @transform_5, window_bounds = array<i64: 512, 128>}, {pipeline_mode = #tpu.pipeline_mode<synchronous>, transform_indices = @transform_6, window_bounds = array<i64: 8, 128>}]} {
    %eq3A = arith.constant 0 : i32
    %eq3A_0 = arith.cmpi eq, %arg0, %eq3A : i32
    %convert_element_type3A = arith.extui %eq3A_0 : i1 to i32
    %cond3A = arith.constant 0 : i32
    %cond3A_1 = arith.cmpi ne, %convert_element_type3A, %cond3A : i32
    scf.if %cond3A_1 {
      %broadcast_in_dim3A_67 = arith.constant 0.000000e+00 : f32
      %broadcast_in_dim3A_68 = vector.broadcast %broadcast_in_dim3A_67 : f32 to vector<8x128xf32>
      %swap3A_69 = arith.constant 0 : index
      %swap3A_70 = arith.constant 0 : index
      %swap3A_71 = vector.load %arg7[%swap3A_69, %swap3A_70] : memref<8x128xf32, #tpu.memory_space<vmem>>, vector<8x128xf32>
      tpu.vector_store %arg7[%swap3A_69, %swap3A_70], %broadcast_in_dim3A_68 {strides = array<i32>} : memref<8x128xf32, #tpu.memory_space<vmem>>, vector<8x128xf32>,
    } else {
    }
    %get3A = arith.constant 0 : index
    %get3A_2 = arith.constant 0 : index
    %get3A_3 = vector.load %arg3[%get3A, %get3A_2] : memref<512x128xf32, #tpu.memory_space<vmem>>, vector<512x128xf32>
    %get3A_4 = arith.constant 0 : index
    %get3A_5 = arith.constant 0 : index
    %get3A_6 = arith.constant 0 : index
    %get3A_7 = vector.load %arg1[%get3A_4, %get3A_5, %get3A_6] : memref<2x512x128xf32, #tpu.memory_space<vmem>>, vector<1x512x128xf32>
    %get3A_8 = vector.shape_cast %get3A_7 : vector<1x512x128xf32> to vector<512x128xf32>
    %get3A_9 = arith.constant 1 : index
    %get3A_10 = arith.constant 0 : index
    %get3A_11 = arith.constant 0 : index
    %get3A_12 = vector.load %arg1[%get3A_9, %get3A_10, %get3A_11] : memref<2x512x128xf32, #tpu.memory_space<vmem>>, vector<1x512x128xf32>
    %get3A_13 = vector.shape_cast %get3A_12 : vector<1x512x128xf32> to vector<512x128xf32>
    %add3A = arith.addf %get3A_8, %get3A_13 : vector<512x128xf32>
    %get3A_14 = arith.constant 0 : index
    %get3A_15 = arith.constant 0 : index
    %get3A_16 = vector.load %arg2[%get3A_14, %get3A_15] : memref<512x128xf32, #tpu.memory_space<vmem>>, vector<512x128xf32>
    %add3A_17 = arith.addf %add3A, %get3A_16 : vector<512x128xf32>
    %mul3A = arith.mulf %get3A_3, %add3A_17 : vector<512x128xf32>
    %get3A_18 = arith.constant 0 : index
    %get3A_19 = arith.constant 0 : index
    %get3A_20 = vector.load %arg4[%get3A_18, %get3A_19] : memref<1x128xf32, #tpu.memory_space<vmem>>, vector<1x128xf32>
    %add3A_21 = vector.broadcast %get3A_20 : vector<1x128xf32> to vector<512x128xf32>
    %add3A_22 = arith.addf %mul3A, %add3A_21 : vector<512x128xf32>
    %get3A_23 = arith.constant 0 : index
    %get3A_24 = arith.constant 0 : index
    %get3A_25 = vector.load %arg5[%get3A_23, %get3A_24] : memref<512x128xf32, #tpu.memory_space<vmem>>, vector<512x128xf32>
    %mul3A_26 = arith.mulf %add3A_22, %get3A_25 : vector<512x128xf32>
    %reduce_sum3A = arith.constant dense<0.000000e+00> : vector<512xf32>
    %reduce_sum3A_27 = vector.multi_reduction <add>, %mul3A_26, %reduce_sum3A [1] : vector<512x128xf32> to vector<512xf32>
    %mul3A_28 = arith.mulf %add3A_22, %add3A_22 : vector<512x128xf32>
    %reduce_sum3A_29 = arith.constant dense<0.000000e+00> : vector<512xf32>
    %reduce_sum3A_30 = vector.multi_reduction <add>, %mul3A_28, %reduce_sum3A_29 [1] : vector<512x128xf32> to vector<512xf32>
    %sqrt3A = math.sqrt %reduce_sum3A_30 : vector<512xf32>
    %max3A = arith.constant 9.99999993E-9 : f32
    %max3A_31 = vector.broadcast %max3A : f32 to vector<512xf32>
    %max3A_32 = arith.maximumf %sqrt3A, %max3A_31 : vector<512xf32>
    %mul3A_33 = arith.mulf %get3A_25, %get3A_25 : vector<512x128xf32>
    %reduce_sum3A_34 = arith.constant dense<0.000000e+00> : vector<512xf32>
    %reduce_sum3A_35 = vector.multi_reduction <add>, %mul3A_33, %reduce_sum3A_34 [1] : vector<512x128xf32> to vector<512xf32>
    %sqrt3A_36 = math.sqrt %reduce_sum3A_35 : vector<512xf32>
    %max3A_37 = arith.constant 9.99999993E-9 : f32
    %max3A_38 = vector.broadcast %max3A_37 : f32 to vector<512xf32>
    %max3A_39 = arith.maximumf %sqrt3A_36, %max3A_38 : vector<512xf32>
    %mul3A_40 = arith.mulf %max3A_32, %max3A_39 : vector<512xf32>
    %div3A = arith.divf %reduce_sum3A_27, %mul3A_40 : vector<512xf32>
    %get3A_41 = arith.constant 0 : index
    %get3A_42 = arith.constant 0 : index
    %get3A_43 = vector.load %arg6[%get3A_41, %get3A_42] : memref<512x128xf32, #tpu.memory_space<vmem>>, vector<512x1xf32>
    %get3A_44 = vector.shape_cast %get3A_43 : vector<512x1xf32> to vector<512xf32>
    %gt3A = arith.constant 0.000000e+00 : f32
    %gt3A_45 = vector.broadcast %gt3A : f32 to vector<512xf32>
    %gt3A_46 = arith.cmpf ogt, %get3A_44, %gt3A_45 : vector<512xf32>
    %sub3A = arith.constant 1.000000e+00 : f32
    %sub3A_47 = vector.broadcast %sub3A : f32 to vector<512xf32>
    %sub3A_48 = arith.subf %sub3A_47, %div3A : vector<512xf32>
    %sub3A_49 = arith.constant 1.000000e+00 : f32
    %sub3A_50 = vector.broadcast %sub3A_49 : f32 to vector<512xf32>
    %sub3A_51 = arith.subf %sub3A_50, %div3A : vector<512xf32>
    %mul3A_52 = arith.mulf %sub3A_48, %sub3A_51 : vector<512xf32>
    %jit3A = arith.constant 0.000000e+00 : f32
    %broadcast_in_dim3A = vector.broadcast %jit3A : f32 to vector<512xf32>
    %select_n3A = arith.select %gt3A_46, %mul3A_52, %broadcast_in_dim3A : vector<512xi1>, vector<512xf32>
    %reduce_sum3A_53 = vector.shape_cast %select_n3A : vector<512xf32> to vector<1x512xf32>
    %reduce_sum3A_54 = arith.constant dense<0.000000e+00> : vector<1xf32>
    %reduce_sum3A_55 = vector.multi_reduction <add>, %reduce_sum3A_53, %reduce_sum3A_54 [1] : vector<1x512xf32> to vector<1xf32>
    %reduce_sum3A_56 = vector.shape_cast %reduce_sum3A_55 : vector<1xf32> to vector<1x1xf32>
    %reduce_sum3A_57 = vector.extract %reduce_sum3A_56[0, 0] : f32 from vector<1x1xf32>
    %mul3A_58 = arith.constant 3.3333333E-4 : f32
    %mul3A_59 = arith.mulf %reduce_sum3A_57, %mul3A_58 : f32
    %get3A_60 = arith.constant 0 : index
    %get3A_61 = arith.constant 0 : index
    %get3A_62 = vector.load %arg7[%get3A_60, %get3A_61] : memref<8x128xf32, #tpu.memory_space<vmem>>, vector<8x128xf32>
    %broadcast_in_dim3A_63 = vector.broadcast %mul3A_59 : f32 to vector<8x128xf32>
    %add3A_64 = arith.addf %get3A_62, %broadcast_in_dim3A_63 : vector<8x128xf32>
    %swap3A = arith.constant 0 : index
    %swap3A_65 = arith.constant 0 : index
    %swap3A_66 = vector.load %arg7[%swap3A, %swap3A_65] : memref<8x128xf32, #tpu.memory_space<vmem>>, vector<8x128xf32>
    tpu.vector_store %arg7[%swap3A, %swap3A_65], %add3A_64 {strides = array<i32>} : memref<8x128xf32, #tpu.memory_space<vmem>>, vector<8x128xf32>,
    return
  }
  func.func @transform_0(%arg0: i32) -> (i32, i32, i32) {
    %c0_i32 = arith.constant 0 : i32
    %c0_i32_0 = arith.constant 0 : i32
    %c0_i32_1 = arith.constant 0 : i32
    return %c0_i32, %arg0, %c0_i32_0 : i32, i32, i32
  }
  func.func @transform_1(%arg0: i32) -> (i32, i32) {
    %c0_i32 = arith.constant 0 : i32
    %c0_i32_0 = arith.constant 0 : i32
    return %arg0, %c0_i32 : i32, i32
  }
  func.func @transform_2(%arg0: i32) -> (i32, i32) {
    %c0_i32 = arith.constant 0 : i32
    %c0_i32_0 = arith.constant 0 : i32
    return %arg0, %c0_i32 : i32, i32
  }
  func.func @transform_3(%arg0: i32) -> (i32, i32) {
    %c0_i32 = arith.constant 0 : i32
    %c0_i32_0 = arith.constant 0 : i32
    %c0_i32_1 = arith.constant 0 : i32
    return %c0_i32, %c0_i32_0 : i32, i32
  }
  func.func @transform_4(%arg0: i32) -> (i32, i32) {
    %c0_i32 = arith.constant 0 : i32
    %c0_i32_0 = arith.constant 0 : i32
    return %arg0, %c0_i32 : i32, i32
  }
  func.func @transform_5(%arg0: i32) -> (i32, i32) {
    %c0_i32 = arith.constant 0 : i32
    %c0_i32_0 = arith.constant 0 : i32
    return %arg0, %c0_i32 : i32, i32
  }
  func.func @transform_6(%arg0: i32) -> (i32, i32) {
    %c0_i32 = arith.constant 0 : i32
    %c0_i32_0 = arith.constant 0 : i32
    %c0_i32_1 = arith.constant 0 : i32
    return %c0_i32, %c0_i32_0 : i32, i32
  }
}

</mosaic_0001>

<sc_bundles>
// kernel: kernel.11.cloned.1.call-start
scs
__scs_entry_jumppad:
0x0: {  	(pc) =	sbr.rel $0x88, $3  }
0x1: {  	(tag) =	ssettag $0x0;
	lr =	simm.s32 $0x1  }
0x2: {  	[smem:$0x3F95] =	sst lr;
	_ =	strace $0xD0000000  }
0x3: {  	_ = 	snop  }
0x4: {  	_ = 	snop  }
0x5: {  	_ = 	snop  }
0x6: {  	_ = 	snop  }
0x7: {  	_ = 	snop  }
__scs_overlays_trampoline_lowered:
0x8: {  	[smem:$0x3FA4] =	sst s0  }
0x9: {  	[smem:$0x3FA5] =	sst s1  }
0xa: {  	[smem:$0x3FA6] =	sst s2  }
0xb: {  	[smem:$0x3FA7] =	sst s3  }
0xc: {  	[smem:$0x3FA8] =	sst s4  }
0xd: {  	[smem:$0x3FA9] =	sst s5  }
0xe: {  	[smem:$0x3FAA] =	sst s6  }
0xf: {  	[smem:$0x3FAB] =	sst s7  }
0x10: {  	[smem:$0x3FAC] =	sst s8  }
0x11: {  	[smem:$0x3FAD] =	sst s9;
	s0 =	simm.s32 @!p0 $0x0  }
0x12: {  	s1 =	sld [smem:$0x3F93];
	s0 =	simm.s32 @p0 $0x1  }
0x13: {  	[smem:$0x3FAE] =	sst s0;
	s0 =	simm.s32 @!p1 $0x0  }
0x14: {  	s2 =	sld [smem:$0x3F92];
	s0 =	simm.s32 @p1 $0x1  }
0x15: {  	[smem:$0x3FAF] =	sst s0;
	s0 =	simm.s32 @!p2 $0x0  }
0x16: {  	s3 =	sld [smem:$0x3FDB];
	s0 =	simm.s32 @p2 $0x1  }
0x17: {  	s4 =	simm.s32 $0x1BF5;
	[smem:$0x3FB1] =	sst s0  }
0x18: {  	s0 =	sld [smem:$0x3F94];
	_ =	swait.ge [sflag:s4], $0x0  }
0x19: {  	s7 =	sld [smem:$0x3F95]  }
0x1a: {  	s8 =	sadd.s32 $0xFFFFE003, lr  }
0x1b: {  	s9 =	sadd.s32 $0xFFFFFEF7, lr;
	s5 =	simm.s32 $0xFFFFFFFF;
	p2 =	slt.u32 s8, $0xFFFFF086  }
0x1c: {  	p1 =	slt.u32 s9, $0xF7A;
	s5 =	simm.s32 @!p2 $0x0  }
0x1d: {  	s5 =	simm.s32 @p1 $0x1;
	p0 =	seq.s32 s7, s2  }
0x1e: {  	s7 =	smul.u32 @!p0 $0xF7A, s2;
	p2 =	seq.s32 @!p0 s5, $0x0  }
0x1f: {  	s9 =	smul.u32 $0xF7A, s1;
	s8 =	simm.s32 @!p0 $0x1BF5;
	p2 =	por !p2, p0  }
0x20: {  	[sflag:s8] =	ssyncset.s32 @!p0 $0xFFFFF086;
	s6 =	sadd.s32 @!p0 s3, s7;
	s7 =	simm.s32 @!p0 $0x108  }
0x21: {  	s3 =	sadd.s32 s3, s9;
	s6 =	sadd.s32 @!p0 $0x88, s6;
	s7 =	simm.s32 @p2 $0x1082  }
0x22: {  	[simem:s7], [sflag:s8] =	dma.local @!p0 [hbm:s6], $0xF7A  }
0x23: {  	s9 =	sor.u32 $0xD0000000, s2;
	s6 =	simm.s32 $0x108;
	_ =	swait.ge @!p0 [sflag:s8], $0x0  }
0x24: {  	s3 =	sadd.s32 $0x88, s3;
	s6 =	simm.s32 @!p1 $0x1082;
	[sflag:s4] =	ssyncset.s32 $0xFFFFF086  }
0x25: {  	[simem:s6], [sflag:s4] =	dma.local [hbm:s3], $0xF7A  }
0x26: {  	[smem:$0x3F95] =	sst s1;
	(tag) =	ssettag s2;
	_ =	strace s9  }
0x27: {  	s1 =	sld [smem:$0x3FA5]  }
0x28: {  	s2 =	sld [smem:$0x3FA6]  }
0x29: {  	s4 =	sld [smem:$0x3FA8]  }
0x2a: {  	p0 =	seq.s32 s5, $0x0;
	s5 =	sld [smem:$0x3FA9]  }
0x2b: {  	s6 =	sld [smem:$0x3FAA]  }
0x2c: {  	s7 =	sld [smem:$0x3FAB]  }
0x2d: {  	s3 =	simm.s32 $0x108;
	s8 =	sld [smem:$0x3FAC]  }
0x2e: {  	s3 =	simm.s32 @!p0 $0x1082;
	s9 =	sld [smem:$0x3FAD]  }
0x2f: {  	lr =	sadd.s32 s0, s3;
	s0 =	sld [smem:$0x3FA4]  }
0x30: {  	s3 =	sld [smem:$0x3FA7]  }
0x31: {  	[smem:$0x3FB0] =	sst s10  }
0x32: {  	s10 =	sld [smem:$0x3FAE];
	_ =	sdelay $0x3  }
0x33: {  	p0 =	seq.s32 s10, $0x1;
	s10 =	sld [smem:$0x3FB0];
	_ =	sdelay $0x3  }
0x34: {  	[smem:$0x3FB0] =	sst s10  }
0x35: {  	s10 =	sld [smem:$0x3FAF];
	_ =	sdelay $0x3  }
0x36: {  	p1 =	seq.s32 s10, $0x1;
	s10 =	sld [smem:$0x3FB0];
	_ =	sdelay $0x3  }
0x37: {  	[smem:$0x3FB0] =	sst s10  }
0x38: {  	s10 =	sld [smem:$0x3FB1]  }
0x39: {  	_ = 	snop;
	(pc) =	sbr.ind lr, $3  }
0x3a: {  	_ = 	snop  }
0x3b: {  	_ = 	snop  }
0x3c: {  	p2 =	seq.s32 s10, $0x1;
	s10 =	sld [smem:$0x3FB0]  }
0x3d: {  	_ =	shalt  }
0x3e: {  	_ =	shalt  }
0x3f: {  	_ =	shalt  }
0x40: {  	_ =	shalt  }
0x41: {  	_ =	shalt  }
0x42: {  	_ =	shalt  }
0x43: {  	_ =	shalt  }
0x44: {  	_ =	shalt  }
0x45: {  	_ =	shalt  }
0x46: {  	_ =	shalt  }
0x47: {  	_ =	shalt  }
0x48: {  	_ =	shalt  }
0x49: {  	_ =	shalt  }
0x4a: {  	_ =	shalt  }
0x4b: {  	_ =	shalt  }
0x4c: {  	_ =	shalt  }
0x4d: {  	_ =	shalt  }
0x4e: {  	_ =	shalt  }
0x4f: {  	_ =	shalt  }
0x50: {  	_ =	shalt  }
0x51: {  	_ =	shalt  }
0x52: {  	_ =	shalt  }
0x53: {  	_ =	shalt  }
0x54: {  	_ =	shalt  }
0x55: {  	_ =	shalt  }
0x56: {  	_ =	shalt  }
0x57: {  	_ =	shalt  }
0x58: {  	_ =	shalt  }
0x59: {  	_ =	shalt  }
0x5a: {  	_ =	shalt  }
0x5b: {  	_ =	shalt  }
0x5c: {  	_ =	shalt  }
0x5d: {  	_ =	shalt  }
0x5e: {  	_ =	shalt  }
0x5f: {  	_ =	shalt  }
0x60: {  	_ =	shalt  }
0x61: {  	_ =	shalt  }
0x62: {  	_ =	shalt  }
0x63: {  	_ =	shalt  }
0x64: {  	_ =	shalt  }
0x65: {  	_ =	shalt  }
0x66: {  	_ =	shalt  }
0x67: {  	_ =	shalt  }
0x68: {  	_ =	shalt  }
0x69: {  	_ =	shalt  }
0x6a: {  	_ =	shalt  }
0x6b: {  	_ =	shalt  }
0x6c: {  	_ =	shalt  }
0x6d: {  	_ =	shalt  }
0x6e: {  	_ =	shalt  }
0x6f: {  	_ =	shalt  }
0x70: {  	_ =	shalt  }
0x71: {  	_ =	shalt  }
0x72: {  	_ =	shalt  }
0x73: {  	_ =	shalt  }
0x74: {  	_ =	shalt  }
0x75: {  	_ =	shalt  }
0x76: {  	_ =	shalt  }
0x77: {  	_ =	shalt  }
0x78: {  	_ =	shalt  }
0x79: {  	_ =	shalt  }
0x7a: {  	_ =	shalt  }
0x7b: {  	_ =	shalt  }
0x7c: {  	_ =	shalt  }
0x7d: {  	_ =	shalt  }
0x7e: {  	_ =	shalt  }
0x7f: {  	_ =	shalt  }
0x80: {  	_ =	shalt  }
0x81: {  	_ =	shalt  }
0x82: {  	_ =	shalt  }
0x83: {  	_ =	shalt  }
0x84: {  	_ =	shalt  }
0x85: {  	_ =	shalt  }
0x86: {  	_ =	shalt  }
0x87: {  	_ =	shalt  }
.Lfunc_end0:
.L_simem_size_0:
called_computation_lowered:
.L_overlay_start_0:
0x88: {  	s2 =	sld [smem:$0x3FD9]  }
0x89: {  	s3 =	sld [smem:$0x3FFE];
	_ =	sdelay $0x1  }
0x8a: {  	s1 =	srdreg.scid  }
0x8b: {  	s0 =	sand.u32 $0x1, s1  }
0x8c: {  	s16 =	sshll.u32 s0, $0xA;
	s2 =	sadd.s32 s3, s2  }
0x8d: {  	s2 =	sadd.s32 s2, s16  }
0x8e: {  	[smem:$0x3FBC] =	sst s2  }
0x8f: {  	_ = 	snop  }
0x90: {  	(tm) =	ssettm $0x1  }
0x91: {  	s17 =	sld [smem:$0x3FFB];
	_ =	sdelay $0x3  }
0x92: {  	_ =	strace s17  }
0x93: {  	s2 =	sld [smem:$0x3FFC];
	_ =	sdelay $0x3  }
0x94: {  	_ =	strace s2  }
0x95: {  	s2 =	sld [smem:$0x3FFD];
	_ =	sdelay $0x3  }
0x96: {  	_ =	strace s2  }
0x97: {  	_ =	strace $0x8FFFFFFF  }
0x98: {  	s18 =	sld [smem:$0x3FDB];
	_ =	sdelay $0x1  }
0x99: {  	s19 =	simm.s32 $_scs_section_size  }
0x9a: {  	s4 =	simm.s32 $_size__tile_overlayer_lowered;
	s5 =	simm.s32 $_tile_overlayer_lowered  }
0x9b: {  	s22 =	simm.s32 $0x1BFF;
	s21 =	sshll.u32 s5, $0x1;
	s2 =	sadd.s32 s19, s18  }
0x9c: {  	s6 =	simm.s32 $0x0;
	s20 =	sshll.u32 s4, $0x1;
	s4 =	sadd.s32 s21, s2  }
0x9d: {  	[timem:s6], [sflag:s22] =	dma.local [hbm:s4], s20  }
0x9e: {  	_ =	swait.ge [sflag:s22], s20  }
0x9f: {  	s3 =	ssub.s32 $0x0, s20;
	[sflag:s22] =	ssyncset.done $0x0  }
0xa0: {  	[sflag:s22] =	ssyncadd.s32 s3;
	_ =	sdelay $0x1  }
0xa1: {  	s23 =	simm.s32 $0x1B8B  }
0xa2: {  	_ =	swait.ge [sflag:s23], $0x1  }
0xa3: {  	[sflag:s23] =	ssyncset.done $0x0  }
0xa4: {  	s25 =	simm.s32 $0x1B8E;
	s24 =	sld [smem:$0x3FFE];
	[sflag:s23] =	ssyncadd.s32 $0xFFFFFFFF  }
0xa5: {  	s26 =	simm.s32 $execute0_lowered;
	[smem:$0x3FD2] =	sst s25  }
0xa6: {  	s4 =	sshll.u32 s26, $0x1;
	_ =	strace $0x80000046;
	[dreg:$0x1] =	wrdreg $0xFFFFFFFF  }
0xa7: {  	s28 =	simm.s32 $_size_execute0_lowered;
	s2 =	sadd.s32 s2, s4;
	[dreg:$0x0] =	wrdreg $0x0  }
0xa8: {  	s4 =	sshll.u32 s28, $0x1;
	[dreg:$0x2] =	wrdreg s2  }
0xa9: {  	[dreg:$0x3] =	wrdreg s4  }
0xaa: {  	[dreg:$0x4] =	wrdreg $0xC0  }
0xab: {  	_ =	task [dreg:s6], $0x5FFFF  }
0xac: {  	[dreg:$0x1] =	wrdreg $0xFFFFFFFF  }
0xad: {  	[dreg:$0x0] =	wrdreg $0x60  }
0xae: {  	[dreg:$0x2] =	wrdreg s24  }
0xaf: {  	[dreg:$0x3] =	wrdreg $0x44000  }
0xb0: {  	[dreg:$0x4] =	wrdreg $0x9  }
0xb1: {  	_ =	task.clear_ibuf [dreg:s6], $0x5FFFF;
	_ =	strace $0x90000046  }
0xb2: {  	s29 =	simm.s32 $0x9;
	_ =	strace $0x80000048  }
0xb3: {  	_ =	swait.ge [sflag:s29], $0x1  }
0xb4: {  	[sflag:s29] =	ssyncadd.s32 $0xFFFFFFFF  }
0xb5: {  	_ =	strace $0x90000048  }
0xb6: {  	_ =	sfence  }
0xb7: {  	s30 =	sld [smem:$0x0];
	_ =	sdelay $0x2  }
0xb8: {  	s31 =	sshll.u32 s1, $0xD;
	s1 =	sshrl.u32 s1, $0x2  }
0xb9: {  	s3 =	sand.u32 $0x4000, s31;
	s1 =	sadd.s32 s1, s30  }
0xba: {  	s0 =	sor.u32 s3, s0;
	s1 =	sshll.u32 s1, $0x11  }
0xbb: {  	s0 =	sor.u32 s1, s0  }
0xbc: {  	s0 =	sadd.s32 $0x8F2B, s0  }
0xbd: {  	[sflag:s0] =	ssyncadd.remote.s32 $0x1  }
0xbe: {  	_ =	sfence.sel $0xFFFF  }
0xbf: {  	[dreg:$0x0] =	wrdreg $0xFFFFFFFF;
	(pc) =	sbr.abs _section_cstart, $3  }
0xc0: {  	[dreg:$0x1] =	wrdreg $0xFFFFFFFF  }
0xc1: {  	_ =	task.clear_ibuf [dreg:s6], $0x2FFFF;
	_ =	strace $0x9FFFFFFF  }
0xc2: {  	(tm) =	ssettm $0x7FFFFFFF  }
0xc3: {  	_ =	shalt  }
tec
execute0_lowered:
.L_overlay_start_1:
0x0: {  	(tag) =	ssettag $0x1  }
0x1: {  	s0 =	srdreg.scid;
	s4 =	rddreg [dreg:$0x0]  }
0x2: {  	s17 =	stileid.u32;
	s2 =	rddreg [dreg:$0x1];
	s3 =	simm.s32 $0x0  }
0x3: {  	s12 =	simm.s32 $0x100;
	s13 =	simm.s32 $0x200;
	s14 =	simm.s32 $0x300  }
0x4: {  	s15 =	simm.s32 $0x400;
	s16 =	simm.s32 $0x9;
	s19 =	simm.s32 $0x1  }
0x5: {  	s20 =	simm.s32 $0x80;
	s21 =	simm.s32 $0x2;
	s28 =	simm.s32 $0x5  }
0x6: {  	s29 =	simm.s32 $0x6;
	s30 =	simm.s32 $0x7;
	s31 =	simm.s32 $0x8  }
0x7: {  	s0 =	sand.u32 $0x1, s0;
	s5 =	smul.u32 $0x13C00, s17;
	[smem:$0x7FF] =	sst s3  }
0x8: {  	s7 =	sadd.s32 $0x40400, s4;
	s8 =	smul.u32 $0x4F000, s17;
	s26 =	sshll.u32 s17, $0x6  }
0x9: {  	s1 =	sshll.u32 s0, $0x4;
	s6 =	smul.u32 $0x140000, s0;
	_ =	strace $0x80000047  }
0xa: {  	[dreg:$0x3] =	wrdreg s7;
	s0 =	ssub.s32 $0x2, s0;
	s1 =	sor.u32 s17, s1  }
0xb: {  	s22 =	sshrl.u32 s5, $0x3;
	s23 =	sshrl.u32 s0, $0x1;
	s10 =	sshrl.u32 s8, $0x2  }
0xc: {  	s17 =	sor.u32 $0x1C09, s26;
	s26 =	simm.s32 $0x380;
	s1 =	smul.u32 $0xA00, s1  }
0xd: {  	s5 =	sadd.s32 s5, s6;
	s9 =	sadd.s32 s22, s4;
	s0 =	ssub.s32 s0, s23  }
0xe: {  	s25 =	sadd.s32 s10, s2;
	s22 =	simm.s32 $0x180;
	s23 =	simm.s32 $0x3  }
0xf: {  	s5 =	sshrl.u32 s5, $0x3;
	s9 =	sadd.s32 $0x18400, s9;
	s11 =	smax.u32 s0, $0x1  }
0x10: {  	s18 =	sshrl.u32 s25, $0x3;
	s25 =	simm.s32 $0x4;
	s1 =	sadd.s32 s1, s4  }
0x11: {  	s4 =	sadd.s32 s5, s4;
	s5 =	sadd.s32 $0x4400, s1;
	s24 =	sadd.s32 $0x4420, s1  }
0x12: {  	s7 =	sadd.s32 $0x4440, s1;
	s8 =	sadd.s32 $0x4460, s1;
	s10 =	sadd.s32 $0x40C00, s4  }
0x13: {  	s1 =	simm.s32 $0x0;
	[dreg:$0x4] =	wrdreg s24;
	s24 =	simm.s32 $0x280  }
.LBB2_1:
0x14: {  	[tilespmem:s3], [sflag:$0x1] =	stream.linear.gather [hbm4b:s5+s3], $0x100, $0x38;
	[tilespmem:$0x6B80] =	vst v63  }
0x15: {  	s0 =	rddreg [dreg:$0x4]  }
0x16: {  	[tilespmem:s12], [sflag:$0x2] =	stream.linear.gather [hbm4b:s0+s3], $0x100, $0x38;
	[tilespmem:$0x6B80] =	vst v63  }
0x17: {  	_ = 	snop  }
0x18: {  	[tilespmem:s13], [sflag:$0x3] =	stream.linear.gather [hbm4b:s7+s3], $0x100, $0x38;
	[tilespmem:$0x6B80] =	vst v63  }
0x19: {  	_ = 	snop  }
0x1a: {  	[tilespmem:s14], [sflag:$0x4] =	stream.linear.gather [hbm4b:s8+s3], $0x100, $0x38;
	[tilespmem:$0x6B80] =	vst v63  }
0x1b: {  	s4 =	rddreg [dreg:$0x3]  }
0x1c: {  	[tilespmem:s15], [sflag:$0x9] =	stream.linear.gather [hbm4b:s4+s3], $0x4000, $0x38;
	[tilespmem:$0x6B80] =	vst v63  }
0x1d: {  	_ =	swait.ge [sflag:s16], $0x4000  }
0x1e: {  	[sflag:s16] =	ssyncset.done $0x0  }
0x1f: {  	[sflag:s16] =	ssyncadd.s32 $0xFFFFC000  }
0x20: {  	[spmem:s18], [sflag:s17] =	dma.local [hbm:s9], $0x2780  }
0x21: {  	_ =	swait.ge [sflag:s16], $0x2780  }
0x22: {  	[sflag:s16] =	ssyncset.done $0x0  }
0x23: {  	[sflag:s16] =	ssyncadd.s32 $0xFFFFD880  }
0x24: {  	[bflag:$0x0] =	sbarrier.arrive $0xFFFF  }
0x25: {  	_ =	swait.ge [sflag:s19], $0x100  }
0x26: {  	[sflag:s19] =	ssyncset.done $0x0  }
0x27: {  	[sflag:s19] =	ssyncadd.s32 $0xFFFFFF00  }
0x28: {  	[spmem:s2] =	stream.indirect.scatter.add.f32 [tilespmem:s15], [sflag:$0x5], $0x10, s20, s20, $0xb8;
	[tilespmem:$0x6B80] =	vst v63  }
0x29: {  	_ =	swait.ge [sflag:s21], $0x100  }
0x2a: {  	[sflag:s21] =	ssyncset.done $0x0  }
0x2b: {  	[sflag:s21] =	ssyncadd.s32 $0xFFFFFF00  }
0x2c: {  	[spmem:s2] =	stream.indirect.scatter.add.f32 [tilespmem:s15], [sflag:$0x6], $0x10, s22, s20, $0xb8;
	[tilespmem:$0x6B80] =	vst v63  }
0x2d: {  	_ =	swait.ge [sflag:s23], $0x100  }
0x2e: {  	[sflag:s23] =	ssyncset.done $0x0  }
0x2f: {  	[sflag:s23] =	ssyncadd.s32 $0xFFFFFF00  }
0x30: {  	[spmem:s2] =	stream.indirect.scatter.add.f32 [tilespmem:s15], [sflag:$0x7], $0x10, s24, s20, $0xb8;
	[tilespmem:$0x6B80] =	vst v63  }
0x31: {  	_ =	swait.ge [sflag:s25], $0x100  }
0x32: {  	[sflag:s25] =	ssyncset.done $0x0  }
0x33: {  	[sflag:s25] =	ssyncadd.s32 $0xFFFFFF00  }
0x34: {  	[spmem:s2] =	stream.indirect.scatter.add.f32 [tilespmem:s15], [sflag:$0x8], $0x10, s26, s20, $0xb8;
	[tilespmem:$0x6B80] =	vst v63  }
0x35: {  	_ =	swait.ge [sflag:s28], $0x800  }
0x36: {  	s4 =	sadd.s32 $0xFFFFF680, s5;
	[sflag:s28] =	ssyncset.done $0x0  }
0x37: {  	s6 =	sadd.s32 $0xA00, s4;
	[sflag:s28] =	ssyncadd.s32 $0xFFFFF800  }
0x38: {  	[tilespmem:s3], [sflag:$0x1] =	stream.linear.gather [hbm4b:s6+s3], $0x100, $0x38;
	[tilespmem:$0x6B80] =	vst v63  }
0x39: {  	_ =	swait.ge [sflag:s29], $0x800  }
0x3a: {  	[sflag:s29] =	ssyncset.done $0x0  }
0x3b: {  	s6 =	sadd.s32 $0xA20, s4;
	[sflag:s29] =	ssyncadd.s32 $0xFFFFF800  }
0x3c: {  	[tilespmem:s12], [sflag:$0x2] =	stream.linear.gather [hbm4b:s6+s3], $0x100, $0x38;
	[tilespmem:$0x6B80] =	vst v63  }
0x3d: {  	_ =	swait.ge [sflag:s30], $0x800  }
0x3e: {  	[sflag:s30] =	ssyncset.done $0x0  }
0x3f: {  	s6 =	sadd.s32 $0xA40, s4;
	[sflag:s30] =	ssyncadd.s32 $0xFFFFF800  }
0x40: {  	[tilespmem:s13], [sflag:$0x3] =	stream.linear.gather [hbm4b:s6+s3], $0x100, $0x38;
	[tilespmem:$0x6B80] =	vst v63  }
0x41: {  	_ =	swait.ge [sflag:s31], $0x800  }
0x42: {  	[sflag:s31] =	ssyncset.done $0x0  }
0x43: {  	s0 =	simm.s32 $0xFFFFF700;
	s4 =	sadd.s32 $0xA60, s4;
	[sflag:s31] =	ssyncadd.s32 $0xFFFFF800  }
.LBB2_2:
0x44: {  	[tilespmem:s14], [sflag:$0x4] =	stream.linear.gather [hbm4b:s4+s3], $0x100, $0x38;
	[tilespmem:$0x6B80] =	vst v63  }
0x45: {  	s4 =	smov.u32 s0  }
0x46: {  	p0 =	sne.s32 s0, $0xFFFFFF80;
	s0 =	sadd.s32 $0x80, s0;
	_ =	swait.ge [sflag:s19], $0x100  }
0x47: {  	[sflag:s19] =	ssyncset.done $0x0  }
0x48: {  	[sflag:s19] =	ssyncadd.s32 $0xFFFFFF00  }
0x49: {  	[spmem:s2] =	stream.indirect.scatter.add.f32 [tilespmem:s15], [sflag:$0x5], $0x10, s20, s20, $0xb8;
	[tilespmem:$0x6B80] =	vst v63  }
0x4a: {  	_ =	swait.ge [sflag:s21], $0x100  }
0x4b: {  	[sflag:s21] =	ssyncset.done $0x0  }
0x4c: {  	[sflag:s21] =	ssyncadd.s32 $0xFFFFFF00  }
0x4d: {  	[spmem:s2] =	stream.indirect.scatter.add.f32 [tilespmem:s15], [sflag:$0x6], $0x10, s22, s20, $0xb8;
	[tilespmem:$0x6B80] =	vst v63  }
0x4e: {  	_ =	swait.ge [sflag:s23], $0x100  }
0x4f: {  	[sflag:s23] =	ssyncset.done $0x0  }
0x50: {  	[sflag:s23] =	ssyncadd.s32 $0xFFFFFF00  }
0x51: {  	[spmem:s2] =	stream.indirect.scatter.add.f32 [tilespmem:s15], [sflag:$0x7], $0x10, s24, s20, $0xb8;
	[tilespmem:$0x6B80] =	vst v63  }
0x52: {  	_ =	swait.ge [sflag:s25], $0x100  }
0x53: {  	[sflag:s25] =	ssyncset.done $0x0  }
0x54: {  	[sflag:s25] =	ssyncadd.s32 $0xFFFFFF00  }
0x55: {  	[spmem:s2] =	stream.indirect.scatter.add.f32 [tilespmem:s15], [sflag:$0x8], $0x10, s26, s20, $0xb8;
	[tilespmem:$0x6B80] =	vst v63  }
0x56: {  	_ =	swait.ge [sflag:s28], $0x800  }
0x57: {  	s4 =	sadd.s32 s4, s5;
	[sflag:s28] =	ssyncset.done $0x0  }
0x58: {  	s6 =	sadd.s32 $0xA00, s4;
	[sflag:s28] =	ssyncadd.s32 $0xFFFFF800  }
0x59: {  	[tilespmem:s3], [sflag:$0x1] =	stream.linear.gather [hbm4b:s6+s3], $0x100, $0x38;
	[tilespmem:$0x6B80] =	vst v63  }
0x5a: {  	_ =	swait.ge [sflag:s29], $0x800  }
0x5b: {  	[sflag:s29] =	ssyncset.done $0x0  }
0x5c: {  	s6 =	sadd.s32 $0xA20, s4;
	[sflag:s29] =	ssyncadd.s32 $0xFFFFF800  }
0x5d: {  	[tilespmem:s12], [sflag:$0x2] =	stream.linear.gather [hbm4b:s6+s3], $0x100, $0x38;
	[tilespmem:$0x6B80] =	vst v63  }
0x5e: {  	_ =	swait.ge [sflag:s30], $0x800  }
0x5f: {  	[sflag:s30] =	ssyncset.done $0x0  }
.Ltmp0:
0x60: {  	s6 =	sadd.s32 $0xA40, s4;
	[sflag:s30] =	ssyncadd.s32 $0xFFFFF800;
	(pc) =	sbr.rel @p0 .LBB2_2-.Ltmp0, $4  }
0x61: {  	[tilespmem:s13], [sflag:$0x3] =	stream.linear.gather [hbm4b:s6+s3], $0x100, $0x38;
	[tilespmem:$0x6B80] =	vst v63  }
0x62: {  	_ =	swait.ge [sflag:s31], $0x800  }
0x63: {  	[sflag:s31] =	ssyncset.done $0x0  }
0x64: {  	s4 =	sadd.s32 $0xA60, s4;
	[sflag:s31] =	ssyncadd.s32 $0xFFFFF800  }
0x65: {  	[tilespmem:s14], [sflag:$0x4] =	stream.linear.gather [hbm4b:s4+s3], $0x100, $0x38;
	[tilespmem:$0x6B80] =	vst v63  }
0x66: {  	_ =	swait.ge [sflag:s19], $0x100  }
0x67: {  	[sflag:s19] =	ssyncset.done $0x0  }
0x68: {  	[sflag:s19] =	ssyncadd.s32 $0xFFFFFF00  }
0x69: {  	[spmem:s2] =	stream.indirect.scatter.add.f32 [tilespmem:s15], [sflag:$0x5], $0x10, s20, s20, $0xb8;
	[tilespmem:$0x6B80] =	vst v63  }
0x6a: {  	_ =	swait.ge [sflag:s21], $0x100  }
0x6b: {  	[sflag:s21] =	ssyncset.done $0x0  }
0x6c: {  	[sflag:s21] =	ssyncadd.s32 $0xFFFFFF00  }
0x6d: {  	[spmem:s2] =	stream.indirect.scatter.add.f32 [tilespmem:s15], [sflag:$0x6], $0x10, s22, s20, $0xb8;
	[tilespmem:$0x6B80] =	vst v63  }
0x6e: {  	_ =	swait.ge [sflag:s23], $0x100  }
0x6f: {  	[sflag:s23] =	ssyncset.done $0x0  }
0x70: {  	[sflag:s23] =	ssyncadd.s32 $0xFFFFFF00  }
0x71: {  	[spmem:s2] =	stream.indirect.scatter.add.f32 [tilespmem:s15], [sflag:$0x7], $0x10, s24, s20, $0xb8;
	[tilespmem:$0x6B80] =	vst v63  }
0x72: {  	_ =	swait.ge [sflag:s25], $0x100  }
0x73: {  	[sflag:s25] =	ssyncset.done $0x0  }
0x74: {  	[sflag:s25] =	ssyncadd.s32 $0xFFFFFF00  }
0x75: {  	[spmem:s2] =	stream.indirect.scatter.add.f32 [tilespmem:s15], [sflag:$0x8], $0x10, s26, s20, $0xb8;
	[tilespmem:$0x6B80] =	vst v63  }
0x76: {  	_ =	swait.ge [sflag:s28], $0x800  }
0x77: {  	[sflag:s28] =	ssyncset.done $0x0  }
0x78: {  	[sflag:s28] =	ssyncadd.s32 $0xFFFFF800  }
0x79: {  	_ =	swait.ge [sflag:s29], $0x800  }
0x7a: {  	[sflag:s29] =	ssyncset.done $0x0  }
0x7b: {  	[sflag:s29] =	ssyncadd.s32 $0xFFFFF800  }
0x7c: {  	_ =	swait.ge [sflag:s30], $0x800  }
0x7d: {  	[sflag:s30] =	ssyncset.done $0x0  }
0x7e: {  	[sflag:s30] =	ssyncadd.s32 $0xFFFFF800  }
0x7f: {  	_ =	swait.ge [sflag:s31], $0x800  }
0x80: {  	s1 =	sadd.s32 $0x1, s1;
	[sflag:s31] =	ssyncset.done $0x0  }
0x81: {  	p0 =	sne.s32 s1, s11;
	[sflag:s31] =	ssyncadd.s32 $0xFFFFF800  }
.Ltmp1:
0x82: {  	[bflag:$0x0] =	sbarrier.arrive $0xFFFF;
	(pc) =	sbr.rel @p0 .LBB2_1-.Ltmp1, $4  }
0x83: {  	[hbm:s10], [sflag:s17] =	dma.local [spmem:s18], $0x2780  }
0x84: {  	_ =	swait.ge [sflag:s16], $0x2780  }
0x85: {  	[sflag:s16] =	ssyncset.done $0x0  }
0x86: {  	[sflag:s16] =	ssyncadd.s32 $0xFFFFD880  }
0x87: {  	_ =	sfence.sel $0x180000  }
0x88: {  	[bflag:$0x0] =	sbarrier.arrive $0xFFFF  }
0x89: {  	_ =	strace $0x90000047  }
0x8a: {  	s0 =	stileid.u32;
	[bflag:$0x2] =	sbarrier.arrive $0xFFFF  }
0x8b: {  	p0 =	sne.s32 s0, $0x0;
	s0 =	rddreg [dreg:$0x2]  }
0x8c: {  	s0 =	sadd.s32 @!p0 $0x100000, s0  }
0x8d: {  	[sflag:s0] =	ssyncadd.tile.s32 @!p0 $0x1;
	_ =	shalt  }
.Lfunc_end2:
_tile_overlayer_lowered:
.L_overlay_start_2:
0x8e: {  	(tag) =	ssettag $0x2  }
0x8f: {  	s0 =	rddreg [dreg:$0x0];
	s2 =	stileid.u32  }
0x90: {  	s1 =	rddreg [dreg:$0x1];
	p0 =	sne.s32 s2, $0x0  }
0x91: {  	s3 =	rddreg [dreg:$0x2];
	[bflag:$0x3] =	sbarrier.arrive $0xFFFF;
	s2 =	simm.s32 @!p0 $0x1C09  }
0x92: {  	[timem:s3], [sflag:s2] =	dma.local @!p0 [hbm:s0], s1  }
0x93: {  	s0 =	simm.s32 @!p0 $0x9  }
0x94: {  	_ =	swait.ge @!p0 [sflag:s0], s1  }
0x95: {  	s1 =	ssub.s32 @!p0 $0x0, s1;
	[sflag:s0] =	ssyncset.done @!p0 $0x0  }
0x96: {  	[sflag:s0] =	ssyncadd.s32 @!p0 s1  }
0x97: {  	[bflag:$0x3] =	sbarrier.arrive $0xFFFF  }
0x98: {  	_ =	shalt  }

// kernel: kernel.14.cloned.1.call-start
scs
__scs_entry_jumppad:
0x0: {  	(pc) =	sbr.rel $0x88, $3  }
0x1: {  	(tag) =	ssettag $0x0;
	lr =	simm.s32 $0x1  }
0x2: {  	[smem:$0x3F95] =	sst lr;
	_ =	strace $0xD0000000  }
0x3: {  	_ = 	snop  }
0x4: {  	_ = 	snop  }
0x5: {  	_ = 	snop  }
0x6: {  	_ = 	snop  }
0x7: {  	_ = 	snop  }
__scs_overlays_trampoline_lowered:
0x8: {  	[smem:$0x3FA4] =	sst s0  }
0x9: {  	[smem:$0x3FA5] =	sst s1  }
0xa: {  	[smem:$0x3FA6] =	sst s2  }
0xb: {  	[smem:$0x3FA7] =	sst s3  }
0xc: {  	[smem:$0x3FA8] =	sst s4  }
0xd: {  	[smem:$0x3FA9] =	sst s5  }
0xe: {  	[smem:$0x3FAA] =	sst s6  }
0xf: {  	[smem:$0x3FAB] =	sst s7  }
0x10: {  	[smem:$0x3FAC] =	sst s8  }
0x11: {  	[smem:$0x3FAD] =	sst s9;
	s0 =	simm.s32 @!p0 $0x0  }
0x12: {  	s1 =	sld [smem:$0x3F93];
	s0 =	simm.s32 @p0 $0x1  }
0x13: {  	[smem:$0x3FAE] =	sst s0;
	s0 =	simm.s32 @!p1 $0x0  }
0x14: {  	s2 =	sld [smem:$0x3F92];
	s0 =	simm.s32 @p1 $0x1  }
0x15: {  	[smem:$0x3FAF] =	sst s0;
	s0 =	simm.s32 @!p2 $0x0  }
0x16: {  	s3 =	sld [smem:$0x3FDB];
	s0 =	simm.s32 @p2 $0x1  }
0x17: {  	s4 =	simm.s32 $0x1BF5;
	[smem:$0x3FB1] =	sst s0  }
0x18: {  	s0 =	sld [smem:$0x3F94];
	_ =	swait.ge [sflag:s4], $0x0  }
0x19: {  	s7 =	sld [smem:$0x3F95]  }
0x1a: {  	s8 =	sadd.s32 $0xFFFFE003, lr  }
0x1b: {  	s9 =	sadd.s32 $0xFFFFFEF7, lr;
	s5 =	simm.s32 $0xFFFFFFFF;
	p2 =	slt.u32 s8, $0xFFFFF086  }
0x1c: {  	p1 =	slt.u32 s9, $0xF7A;
	s5 =	simm.s32 @!p2 $0x0  }
0x1d: {  	s5 =	simm.s32 @p1 $0x1;
	p0 =	seq.s32 s7, s2  }
0x1e: {  	s7 =	smul.u32 @!p0 $0xF7A, s2;
	p2 =	seq.s32 @!p0 s5, $0x0  }
0x1f: {  	s9 =	smul.u32 $0xF7A, s1;
	s8 =	simm.s32 @!p0 $0x1BF5;
	p2 =	por !p2, p0  }
0x20: {  	[sflag:s8] =	ssyncset.s32 @!p0 $0xFFFFF086;
	s6 =	sadd.s32 @!p0 s3, s7;
	s7 =	simm.s32 @!p0 $0x108  }
0x21: {  	s3 =	sadd.s32 s3, s9;
	s6 =	sadd.s32 @!p0 $0x88, s6;
	s7 =	simm.s32 @p2 $0x1082  }
0x22: {  	[simem:s7], [sflag:s8] =	dma.local @!p0 [hbm:s6], $0xF7A  }
0x23: {  	s9 =	sor.u32 $0xD0000000, s2;
	s6 =	simm.s32 $0x108;
	_ =	swait.ge @!p0 [sflag:s8], $0x0  }
0x24: {  	s3 =	sadd.s32 $0x88, s3;
	s6 =	simm.s32 @!p1 $0x1082;
	[sflag:s4] =	ssyncset.s32 $0xFFFFF086  }
0x25: {  	[simem:s6], [sflag:s4] =	dma.local [hbm:s3], $0xF7A  }
0x26: {  	[smem:$0x3F95] =	sst s1;
	(tag) =	ssettag s2;
	_ =	strace s9  }
0x27: {  	s1 =	sld [smem:$0x3FA5]  }
0x28: {  	s2 =	sld [smem:$0x3FA6]  }
0x29: {  	s4 =	sld [smem:$0x3FA8]  }
0x2a: {  	p0 =	seq.s32 s5, $0x0;
	s5 =	sld [smem:$0x3FA9]  }
0x2b: {  	s6 =	sld [smem:$0x3FAA]  }
0x2c: {  	s7 =	sld [smem:$0x3FAB]  }
0x2d: {  	s3 =	simm.s32 $0x108;
	s8 =	sld [smem:$0x3FAC]  }
0x2e: {  	s3 =	simm.s32 @!p0 $0x1082;
	s9 =	sld [smem:$0x3FAD]  }
0x2f: {  	lr =	sadd.s32 s0, s3;
	s0 =	sld [smem:$0x3FA4]  }
0x30: {  	s3 =	sld [smem:$0x3FA7]  }
0x31: {  	[smem:$0x3FB0] =	sst s10  }
0x32: {  	s10 =	sld [smem:$0x3FAE];
	_ =	sdelay $0x3  }
0x33: {  	p0 =	seq.s32 s10, $0x1;
	s10 =	sld [smem:$0x3FB0];
	_ =	sdelay $0x3  }
0x34: {  	[smem:$0x3FB0] =	sst s10  }
0x35: {  	s10 =	sld [smem:$0x3FAF];
	_ =	sdelay $0x3  }
0x36: {  	p1 =	seq.s32 s10, $0x1;
	s10 =	sld [smem:$0x3FB0];
	_ =	sdelay $0x3  }
0x37: {  	[smem:$0x3FB0] =	sst s10  }
0x38: {  	s10 =	sld [smem:$0x3FB1]  }
0x39: {  	_ = 	snop;
	(pc) =	sbr.ind lr, $3  }
0x3a: {  	_ = 	snop  }
0x3b: {  	_ = 	snop  }
0x3c: {  	p2 =	seq.s32 s10, $0x1;
	s10 =	sld [smem:$0x3FB0]  }
0x3d: {  	_ =	shalt  }
0x3e: {  	_ =	shalt  }
0x3f: {  	_ =	shalt  }
0x40: {  	_ =	shalt  }
0x41: {  	_ =	shalt  }
0x42: {  	_ =	shalt  }
0x43: {  	_ =	shalt  }
0x44: {  	_ =	shalt  }
0x45: {  	_ =	shalt  }
0x46: {  	_ =	shalt  }
0x47: {  	_ =	shalt  }
0x48: {  	_ =	shalt  }
0x49: {  	_ =	shalt  }
0x4a: {  	_ =	shalt  }
0x4b: {  	_ =	shalt  }
0x4c: {  	_ =	shalt  }
0x4d: {  	_ =	shalt  }
0x4e: {  	_ =	shalt  }
0x4f: {  	_ =	shalt  }
0x50: {  	_ =	shalt  }
0x51: {  	_ =	shalt  }
0x52: {  	_ =	shalt  }
0x53: {  	_ =	shalt  }
0x54: {  	_ =	shalt  }
0x55: {  	_ =	shalt  }
0x56: {  	_ =	shalt  }
0x57: {  	_ =	shalt  }
0x58: {  	_ =	shalt  }
0x59: {  	_ =	shalt  }
0x5a: {  	_ =	shalt  }
0x5b: {  	_ =	shalt  }
0x5c: {  	_ =	shalt  }
0x5d: {  	_ =	shalt  }
0x5e: {  	_ =	shalt  }
0x5f: {  	_ =	shalt  }
0x60: {  	_ =	shalt  }
0x61: {  	_ =	shalt  }
0x62: {  	_ =	shalt  }
0x63: {  	_ =	shalt  }
0x64: {  	_ =	shalt  }
0x65: {  	_ =	shalt  }
0x66: {  	_ =	shalt  }
0x67: {  	_ =	shalt  }
0x68: {  	_ =	shalt  }
0x69: {  	_ =	shalt  }
0x6a: {  	_ =	shalt  }
0x6b: {  	_ =	shalt  }
0x6c: {  	_ =	shalt  }
0x6d: {  	_ =	shalt  }
0x6e: {  	_ =	shalt  }
0x6f: {  	_ =	shalt  }
0x70: {  	_ =	shalt  }
0x71: {  	_ =	shalt  }
0x72: {  	_ =	shalt  }
0x73: {  	_ =	shalt  }
0x74: {  	_ =	shalt  }
0x75: {  	_ =	shalt  }
0x76: {  	_ =	shalt  }
0x77: {  	_ =	shalt  }
0x78: {  	_ =	shalt  }
0x79: {  	_ =	shalt  }
0x7a: {  	_ =	shalt  }
0x7b: {  	_ =	shalt  }
0x7c: {  	_ =	shalt  }
0x7d: {  	_ =	shalt  }
0x7e: {  	_ =	shalt  }
0x7f: {  	_ =	shalt  }
0x80: {  	_ =	shalt  }
0x81: {  	_ =	shalt  }
0x82: {  	_ =	shalt  }
0x83: {  	_ =	shalt  }
0x84: {  	_ =	shalt  }
0x85: {  	_ =	shalt  }
0x86: {  	_ =	shalt  }
0x87: {  	_ =	shalt  }
.Lfunc_end0:
.L_simem_size_0:
called_computation.1_lowered:
.L_overlay_start_0:
0x88: {  	s2 =	sld [smem:$0x3FD9]  }
0x89: {  	s3 =	sld [smem:$0x3FFE];
	_ =	sdelay $0x1  }
0x8a: {  	s1 =	srdreg.scid  }
0x8b: {  	s0 =	sand.u32 $0x1, s1  }
0x8c: {  	s16 =	sshll.u32 s0, $0xA;
	s2 =	sadd.s32 s3, s2  }
0x8d: {  	s2 =	sadd.s32 s2, s16  }
0x8e: {  	[smem:$0x3FBC] =	sst s2  }
0x8f: {  	_ = 	snop  }
0x90: {  	(tm) =	ssettm $0x1  }
0x91: {  	s17 =	sld [smem:$0x3FFB];
	_ =	sdelay $0x3  }
0x92: {  	_ =	strace s17  }
0x93: {  	s2 =	sld [smem:$0x3FFC];
	_ =	sdelay $0x3  }
0x94: {  	_ =	strace s2  }
0x95: {  	s2 =	sld [smem:$0x3FFD];
	_ =	sdelay $0x3  }
0x96: {  	_ =	strace s2  }
0x97: {  	_ =	strace $0x8FFFFFFF  }
0x98: {  	s18 =	sld [smem:$0x3FDB];
	_ =	sdelay $0x1  }
0x99: {  	s19 =	simm.s32 $_scs_section_size  }
0x9a: {  	s4 =	simm.s32 $_size__tile_overlayer_lowered;
	s5 =	simm.s32 $_tile_overlayer_lowered  }
0x9b: {  	s22 =	simm.s32 $0x1BFF;
	s21 =	sshll.u32 s5, $0x1;
	s2 =	sadd.s32 s19, s18  }
0x9c: {  	s6 =	simm.s32 $0x0;
	s20 =	sshll.u32 s4, $0x1;
	s4 =	sadd.s32 s21, s2  }
0x9d: {  	[timem:s6], [sflag:s22] =	dma.local [hbm:s4], s20  }
0x9e: {  	_ =	swait.ge [sflag:s22], s20  }
0x9f: {  	s3 =	ssub.s32 $0x0, s20;
	[sflag:s22] =	ssyncset.done $0x0  }
0xa0: {  	[sflag:s22] =	ssyncadd.s32 s3;
	_ =	sdelay $0x1  }
0xa1: {  	s23 =	simm.s32 $0x1B8B  }
0xa2: {  	_ =	swait.ge [sflag:s23], $0x1  }
0xa3: {  	[sflag:s23] =	ssyncset.done $0x0  }
0xa4: {  	s25 =	simm.s32 $0x1B8E;
	s24 =	sld [smem:$0x3FFE];
	[sflag:s23] =	ssyncadd.s32 $0xFFFFFFFF  }
0xa5: {  	s26 =	simm.s32 $execute0_lowered;
	[smem:$0x3FD2] =	sst s25  }
0xa6: {  	s4 =	sshll.u32 s26, $0x1;
	_ =	strace $0x80000049;
	[dreg:$0x1] =	wrdreg $0xFFFFFFFF  }
0xa7: {  	s28 =	simm.s32 $_size_execute0_lowered;
	s2 =	sadd.s32 s2, s4;
	[dreg:$0x0] =	wrdreg $0x0  }
0xa8: {  	s4 =	sshll.u32 s28, $0x1;
	[dreg:$0x2] =	wrdreg s2  }
0xa9: {  	[dreg:$0x3] =	wrdreg s4  }
0xaa: {  	[dreg:$0x4] =	wrdreg $0xC0  }
0xab: {  	_ =	task [dreg:s6], $0x5FFFF  }
0xac: {  	[dreg:$0x1] =	wrdreg $0xFFFFFFFF  }
0xad: {  	[dreg:$0x0] =	wrdreg $0x60  }
0xae: {  	[dreg:$0x2] =	wrdreg s24  }
0xaf: {  	[dreg:$0x3] =	wrdreg $0x82000  }
0xb0: {  	[dreg:$0x4] =	wrdreg $0x9  }
0xb1: {  	_ =	task.clear_ibuf [dreg:s6], $0x5FFFF;
	_ =	strace $0x90000049  }
0xb2: {  	s29 =	simm.s32 $0x9;
	_ =	strace $0x8000004B  }
0xb3: {  	_ =	swait.ge [sflag:s29], $0x1  }
0xb4: {  	[sflag:s29] =	ssyncadd.s32 $0xFFFFFFFF  }
0xb5: {  	_ =	strace $0x9000004B  }
0xb6: {  	_ =	sfence  }
0xb7: {  	s30 =	sld [smem:$0x0];
	_ =	sdelay $0x2  }
0xb8: {  	s31 =	sshll.u32 s1, $0xD;
	s1 =	sshrl.u32 s1, $0x2  }
0xb9: {  	s3 =	sand.u32 $0x4000, s31;
	s1 =	sadd.s32 s1, s30  }
0xba: {  	s0 =	sor.u32 s3, s0;
	s1 =	sshll.u32 s1, $0x11  }
0xbb: {  	s0 =	sor.u32 s1, s0  }
0xbc: {  	s0 =	sadd.s32 $0x8F2B, s0  }
0xbd: {  	[sflag:s0] =	ssyncadd.remote.s32 $0x1  }
0xbe: {  	_ =	sfence.sel $0xFFFF  }
0xbf: {  	[dreg:$0x0] =	wrdreg $0xFFFFFFFF;
	(pc) =	sbr.abs _section_cstart, $3  }
0xc0: {  	[dreg:$0x1] =	wrdreg $0xFFFFFFFF  }
0xc1: {  	_ =	task.clear_ibuf [dreg:s6], $0x2FFFF;
	_ =	strace $0x9FFFFFFF  }
0xc2: {  	(tm) =	ssettm $0x7FFFFFFF  }
0xc3: {  	_ =	shalt  }
tec
execute0_lowered:
.L_overlay_start_1:
0x0: {  	(tag) =	ssettag $0x1  }
0x1: {  	s6 =	rddreg [dreg:$0x0]  }
0x2: {  	s0 =	srdreg.scid;
	s2 =	rddreg [dreg:$0x1];
	s3 =	simm.s32 $0x0  }
0x3: {  	s13 =	simm.s32 $0x100;
	s14 =	simm.s32 $0x1;
	s15 =	simm.s32 $0x80  }
0x4: {  	s16 =	simm.s32 $0x200;
	s17 =	simm.s32 $0x2;
	s18 =	simm.s32 $0x4200  }
0x5: {  	s19 =	simm.s32 $0x3;
	s5 =	sand.u32 $0x1, s0;
	s0 =	stileid.u32  }
0x6: {  	s20 =	simm.s32 $0x4;
	s21 =	simm.s32 $0x180;
	s8 =	smul.u32 $0x13C00, s0  }
0x7: {  	s22 =	simm.s32 $0x0;
	[smem:$0x7FF] =	sst s3;
	s9 =	smul.u32 $0x140000, s5  }
0x8: {  	s4 =	sadd.s32 $0x18400, s6;
	s1 =	sshll.u32 s5, $0x4;
	s29 =	smul.u32 $0x4F000, s0  }
0x9: {  	s5 =	ssub.s32 $0x2, s5;
	s31 =	sshll.u32 s0, $0x6;
	s1 =	sor.u32 s0, s1  }
0xa: {  	s30 =	sshrl.u32 s5, $0x1;
	s7 =	smul.u32 $0xA00, s1;
	s1 =	rddreg [dreg:$0x2]  }
0xb: {  	_ =	strace $0x8000004A;
	s10 =	sshrl.u32 s8, $0x3;
	s8 =	sadd.s32 s8, s9  }
0xc: {  	s9 =	sshrl.u32 s29, $0x2;
	s11 =	ssub.s32 s5, s30;
	s10 =	sadd.s32 s10, s6  }
0xd: {  	s8 =	sshrl.u32 s8, $0x3;
	s12 =	sadd.s32 s9, s2;
	s9 =	smax.u32 s11, $0x1  }
0xe: {  	s11 =	simm.s32 $0x5;
	s7 =	sadd.s32 s7, s6;
	s8 =	sadd.s32 s8, s6  }
0xf: {  	s5 =	sadd.s32 $0x40400, s10;
	s6 =	sor.u32 $0x1C05, s31;
	s7 =	sadd.s32 $0x4400, s7  }
0x10: {  	s10 =	sshrl.u32 s12, $0x3;
	s8 =	sadd.s32 $0x68400, s8;
	s12 =	sadd.s32 $0x20, s7  }
.LBB2_1:
0x11: {  	[spmem:s10], [sflag:s6] =	dma.local [hbm:s5], $0x2780  }
0x12: {  	_ =	swait.ge [sflag:s11], $0x2780  }
0x13: {  	[sflag:s11] =	ssyncset.done $0x0  }
0x14: {  	[sflag:s11] =	ssyncadd.s32 $0xFFFFD880  }
0x15: {  	[bflag:$0x0] =	sbarrier.arrive $0xFFFF  }
0x16: {  	[tilespmem:s3], [sflag:$0x1] =	stream.linear.gather [hbm4b:s7+s3], $0x100, $0x38;
	[tilespmem:$0x1BE00] =	vst v63  }
0x17: {  	_ = 	snop  }
0x18: {  	[tilespmem:s13], [sflag:$0x2] =	stream.linear.gather [hbm4b:s12+s3], $0x100, $0x38;
	[tilespmem:$0x1BE00] =	vst v63  }
0x19: {  	_ =	swait.ge [sflag:s14], $0x100  }
0x1a: {  	[sflag:s14] =	ssyncset.done $0x0  }
0x1b: {  	[sflag:s14] =	ssyncadd.s32 $0xFFFFFF00  }
0x1c: {  	[tilespmem:s16], [sflag:$0x3] =	stream.indirect.gather [hbm4b:s4+s15], $0x80, s3, s15, $0xb8;
	[tilespmem:$0x1BE00] =	vst v63  }
0x1d: {  	_ =	swait.ge [sflag:s17], $0x100  }
0x1e: {  	[sflag:s17] =	ssyncset.done $0x0  }
0x1f: {  	[sflag:s17] =	ssyncadd.s32 $0xFFFFFF00  }
0x20: {  	[tilespmem:s18], [sflag:$0x4] =	stream.indirect.gather [hbm4b:s4+s15], $0x80, s13, s15, $0xb8;
	[tilespmem:$0x1BE00] =	vst v63  }
0x21: {  	_ =	swait.ge [sflag:s19], $0x4000  }
0x22: {  	[sflag:s19] =	ssyncset.done $0x0  }
0x23: {  	[sflag:s19] =	ssyncadd.s32 $0xFFFFC000  }
0x24: {  	[spmem:s2] =	stream.indirect.scatter.add.f32 [tilespmem:s16], [sflag:$0x5], $0x80, s15, s15, $0xb8;
	[tilespmem:$0x1BE00] =	vst v63  }
0x25: {  	_ =	swait.ge [sflag:s11], $0x4000  }
0x26: {  	s24 =	sadd.s32 $0xFFFFF640, s7;
	[sflag:s11] =	ssyncset.done $0x0  }
0x27: {  	s23 =	sadd.s32 $0xA00, s24;
	[sflag:s11] =	ssyncadd.s32 $0xFFFFC000  }
0x28: {  	[tilespmem:s3], [sflag:$0x1] =	stream.linear.gather [hbm4b:s23+s3], $0x100, $0x38;
	[tilespmem:$0x1BE00] =	vst v63  }
0x29: {  	_ =	swait.ge [sflag:s14], $0x100  }
0x2a: {  	[sflag:s14] =	ssyncset.done $0x0  }
0x2b: {  	[sflag:s14] =	ssyncadd.s32 $0xFFFFFF00  }
0x2c: {  	[tilespmem:s16], [sflag:$0x3] =	stream.indirect.gather [hbm4b:s4+s15], $0x80, s3, s15, $0xb8;
	[tilespmem:$0x1BE00] =	vst v63  }
0x2d: {  	_ =	swait.ge [sflag:s20], $0x4000  }
0x2e: {  	[sflag:s20] =	ssyncset.done $0x0  }
0x2f: {  	[sflag:s20] =	ssyncadd.s32 $0xFFFFC000  }
0x30: {  	[spmem:s2] =	stream.indirect.scatter.add.f32 [tilespmem:s18], [sflag:$0x5], $0x80, s21, s15, $0xb8;
	[tilespmem:$0x1BE00] =	vst v63  }
0x31: {  	_ =	swait.ge [sflag:s11], $0x4000  }
0x32: {  	[sflag:s11] =	ssyncset.done $0x0  }
0x33: {  	s24 =	sadd.s32 $0xA20, s24;
	s23 =	simm.s32 $0xFFFFF680;
	[sflag:s11] =	ssyncadd.s32 $0xFFFFC000  }
.LBB2_2:
0x34: {  	[tilespmem:s13], [sflag:$0x2] =	stream.linear.gather [hbm4b:s24+s3], $0x100, $0x38;
	[tilespmem:$0x1BE00] =	vst v63  }
0x35: {  	s24 =	smov.u32 s23  }
0x36: {  	p0 =	sne.s32 s23, $0xFFFFFFC0;
	s23 =	sadd.s32 $0x40, s23;
	_ =	swait.ge [sflag:s17], $0x100  }
0x37: {  	[sflag:s17] =	ssyncset.done $0x0  }
0x38: {  	[sflag:s17] =	ssyncadd.s32 $0xFFFFFF00  }
0x39: {  	[tilespmem:s18], [sflag:$0x4] =	stream.indirect.gather [hbm4b:s4+s15], $0x80, s13, s15, $0xb8;
	[tilespmem:$0x1BE00] =	vst v63  }
0x3a: {  	_ =	swait.ge [sflag:s19], $0x4000  }
0x3b: {  	[sflag:s19] =	ssyncset.done $0x0  }
0x3c: {  	[sflag:s19] =	ssyncadd.s32 $0xFFFFC000  }
0x3d: {  	[spmem:s2] =	stream.indirect.scatter.add.f32 [tilespmem:s16], [sflag:$0x5], $0x80, s15, s15, $0xb8;
	[tilespmem:$0x1BE00] =	vst v63  }
0x3e: {  	_ =	swait.ge [sflag:s11], $0x4000  }
0x3f: {  	s24 =	sadd.s32 s24, s7;
	[sflag:s11] =	ssyncset.done $0x0  }
0x40: {  	s25 =	sadd.s32 $0xA00, s24;
	[sflag:s11] =	ssyncadd.s32 $0xFFFFC000  }
0x41: {  	[tilespmem:s3], [sflag:$0x1] =	stream.linear.gather [hbm4b:s25+s3], $0x100, $0x38;
	[tilespmem:$0x1BE00] =	vst v63  }
0x42: {  	_ =	swait.ge [sflag:s14], $0x100  }
0x43: {  	[sflag:s14] =	ssyncset.done $0x0  }
0x44: {  	[sflag:s14] =	ssyncadd.s32 $0xFFFFFF00  }
0x45: {  	[tilespmem:s16], [sflag:$0x3] =	stream.indirect.gather [hbm4b:s4+s15], $0x80, s3, s15, $0xb8;
	[tilespmem:$0x1BE00] =	vst v63  }
0x46: {  	_ =	swait.ge [sflag:s20], $0x4000  }
0x47: {  	[sflag:s20] =	ssyncset.done $0x0  }
.Ltmp0:
0x48: {  	[sflag:s20] =	ssyncadd.s32 $0xFFFFC000;
	(pc) =	sbr.rel @p0 .LBB2_2-.Ltmp0, $4  }
0x49: {  	[spmem:s2] =	stream.indirect.scatter.add.f32 [tilespmem:s18], [sflag:$0x5], $0x80, s21, s15, $0xb8;
	[tilespmem:$0x1BE00] =	vst v63  }
0x4a: {  	_ =	swait.ge [sflag:s11], $0x4000  }
0x4b: {  	[sflag:s11] =	ssyncset.done $0x0  }
0x4c: {  	s24 =	sadd.s32 $0xA20, s24;
	[sflag:s11] =	ssyncadd.s32 $0xFFFFC000  }
0x4d: {  	[tilespmem:s13], [sflag:$0x2] =	stream.linear.gather [hbm4b:s24+s3], $0x100, $0x38;
	[tilespmem:$0x1BE00] =	vst v63  }
0x4e: {  	_ =	swait.ge [sflag:s17], $0x100  }
0x4f: {  	[sflag:s17] =	ssyncset.done $0x0  }
0x50: {  	[sflag:s17] =	ssyncadd.s32 $0xFFFFFF00  }
0x51: {  	[tilespmem:s18], [sflag:$0x4] =	stream.indirect.gather [hbm4b:s4+s15], $0x80, s13, s15, $0xb8;
	[tilespmem:$0x1BE00] =	vst v63  }
0x52: {  	_ =	swait.ge [sflag:s19], $0x4000  }
0x53: {  	[sflag:s19] =	ssyncset.done $0x0  }
0x54: {  	[sflag:s19] =	ssyncadd.s32 $0xFFFFC000  }
0x55: {  	[spmem:s2] =	stream.indirect.scatter.add.f32 [tilespmem:s16], [sflag:$0x5], $0x80, s15, s15, $0xb8;
	[tilespmem:$0x1BE00] =	vst v63  }
0x56: {  	_ =	swait.ge [sflag:s11], $0x4000  }
0x57: {  	[sflag:s11] =	ssyncset.done $0x0  }
0x58: {  	[sflag:s11] =	ssyncadd.s32 $0xFFFFC000  }
0x59: {  	_ =	swait.ge [sflag:s20], $0x4000  }
0x5a: {  	[sflag:s20] =	ssyncset.done $0x0  }
0x5b: {  	[sflag:s20] =	ssyncadd.s32 $0xFFFFC000  }
0x5c: {  	[spmem:s2] =	stream.indirect.scatter.add.f32 [tilespmem:s18], [sflag:$0x5], $0x80, s21, s15, $0xb8;
	[tilespmem:$0x1BE00] =	vst v63  }
0x5d: {  	_ =	swait.ge [sflag:s11], $0x4000  }
0x5e: {  	s22 =	sadd.s32 $0x1, s22;
	[sflag:s11] =	ssyncset.done $0x0  }
0x5f: {  	p0 =	sne.s32 s22, s9;
	[sflag:s11] =	ssyncadd.s32 $0xFFFFC000  }
.Ltmp1:
0x60: {  	[bflag:$0x0] =	sbarrier.arrive $0xFFFF;
	(pc) =	sbr.rel @p0 .LBB2_1-.Ltmp1, $4  }
0x61: {  	[hbm:s8], [sflag:s6] =	dma.local [spmem:s10], $0x2780  }
0x62: {  	_ =	swait.ge [sflag:s11], $0x2780  }
0x63: {  	[sflag:s11] =	ssyncset.done $0x0  }
0x64: {  	[sflag:s11] =	ssyncadd.s32 $0xFFFFD880  }
0x65: {  	_ =	sfence.sel $0x180000  }
0x66: {  	[bflag:$0x0] =	sbarrier.arrive $0xFFFF  }
0x67: {  	p0 =	sne.s32 s0, $0x0;
	_ =	strace $0x9000004A  }
0x68: {  	s0 =	sadd.s32 @!p0 $0x100000, s1;
	[bflag:$0x2] =	sbarrier.arrive $0xFFFF  }
0x69: {  	[sflag:s0] =	ssyncadd.tile.s32 @!p0 $0x1;
	_ =	shalt  }
.Lfunc_end2:
_tile_overlayer_lowered:
.L_overlay_start_2:
0x6a: {  	(tag) =	ssettag $0x2  }
0x6b: {  	s0 =	rddreg [dreg:$0x0];
	s2 =	stileid.u32  }
0x6c: {  	s1 =	rddreg [dreg:$0x1];
	p0 =	sne.s32 s2, $0x0  }
0x6d: {  	s3 =	rddreg [dreg:$0x2];
	[bflag:$0x3] =	sbarrier.arrive $0xFFFF;
	s2 =	simm.s32 @!p0 $0x1C05  }
0x6e: {  	[timem:s3], [sflag:s2] =	dma.local @!p0 [hbm:s0], s1  }
0x6f: {  	s0 =	simm.s32 @!p0 $0x5  }
0x70: {  	_ =	swait.ge @!p0 [sflag:s0], s1  }
0x71: {  	s1 =	ssub.s32 @!p0 $0x0, s1;
	[sflag:s0] =	ssyncset.done @!p0 $0x0  }
0x72: {  	[sflag:s0] =	ssyncadd.s32 @!p0 s1  }
0x73: {  	[bflag:$0x3] =	sbarrier.arrive $0xFFFF  }
0x74: {  	_ =	shalt  }

// kernel: kernel.17.cloned.1.call-start
scs
__scs_entry_jumppad:
0x0: {  	(pc) =	sbr.rel $0x88, $3  }
0x1: {  	(tag) =	ssettag $0x0;
	lr =	simm.s32 $0x1  }
0x2: {  	[smem:$0x3F95] =	sst lr;
	_ =	strace $0xD0000000  }
0x3: {  	_ = 	snop  }
0x4: {  	_ = 	snop  }
0x5: {  	_ = 	snop  }
0x6: {  	_ = 	snop  }
0x7: {  	_ = 	snop  }
__scs_overlays_trampoline_lowered:
0x8: {  	[smem:$0x3FA4] =	sst s0  }
0x9: {  	[smem:$0x3FA5] =	sst s1  }
0xa: {  	[smem:$0x3FA6] =	sst s2  }
0xb: {  	[smem:$0x3FA7] =	sst s3  }
0xc: {  	[smem:$0x3FA8] =	sst s4  }
0xd: {  	[smem:$0x3FA9] =	sst s5  }
0xe: {  	[smem:$0x3FAA] =	sst s6  }
0xf: {  	[smem:$0x3FAB] =	sst s7  }
0x10: {  	[smem:$0x3FAC] =	sst s8  }
0x11: {  	[smem:$0x3FAD] =	sst s9;
	s0 =	simm.s32 @!p0 $0x0  }
0x12: {  	s1 =	sld [smem:$0x3F93];
	s0 =	simm.s32 @p0 $0x1  }
0x13: {  	[smem:$0x3FAE] =	sst s0;
	s0 =	simm.s32 @!p1 $0x0  }
0x14: {  	s2 =	sld [smem:$0x3F92];
	s0 =	simm.s32 @p1 $0x1  }
0x15: {  	[smem:$0x3FAF] =	sst s0;
	s0 =	simm.s32 @!p2 $0x0  }
0x16: {  	s3 =	sld [smem:$0x3FDB];
	s0 =	simm.s32 @p2 $0x1  }
0x17: {  	s4 =	simm.s32 $0x1BF5;
	[smem:$0x3FB1] =	sst s0  }
0x18: {  	s0 =	sld [smem:$0x3F94];
	_ =	swait.ge [sflag:s4], $0x0  }
0x19: {  	s7 =	sld [smem:$0x3F95]  }
0x1a: {  	s8 =	sadd.s32 $0xFFFFE003, lr  }
0x1b: {  	s9 =	sadd.s32 $0xFFFFFEF7, lr;
	s5 =	simm.s32 $0xFFFFFFFF;
	p2 =	slt.u32 s8, $0xFFFFF086  }
0x1c: {  	p1 =	slt.u32 s9, $0xF7A;
	s5 =	simm.s32 @!p2 $0x0  }
0x1d: {  	s5 =	simm.s32 @p1 $0x1;
	p0 =	seq.s32 s7, s2  }
0x1e: {  	s7 =	smul.u32 @!p0 $0xF7A, s2;
	p2 =	seq.s32 @!p0 s5, $0x0  }
0x1f: {  	s9 =	smul.u32 $0xF7A, s1;
	s8 =	simm.s32 @!p0 $0x1BF5;
	p2 =	por !p2, p0  }
0x20: {  	[sflag:s8] =	ssyncset.s32 @!p0 $0xFFFFF086;
	s6 =	sadd.s32 @!p0 s3, s7;
	s7 =	simm.s32 @!p0 $0x108  }
0x21: {  	s3 =	sadd.s32 s3, s9;
	s6 =	sadd.s32 @!p0 $0x88, s6;
	s7 =	simm.s32 @p2 $0x1082  }
0x22: {  	[simem:s7], [sflag:s8] =	dma.local @!p0 [hbm:s6], $0xF7A  }
0x23: {  	s9 =	sor.u32 $0xD0000000, s2;
	s6 =	simm.s32 $0x108;
	_ =	swait.ge @!p0 [sflag:s8], $0x0  }
0x24: {  	s3 =	sadd.s32 $0x88, s3;
	s6 =	simm.s32 @!p1 $0x1082;
	[sflag:s4] =	ssyncset.s32 $0xFFFFF086  }
0x25: {  	[simem:s6], [sflag:s4] =	dma.local [hbm:s3], $0xF7A  }
0x26: {  	[smem:$0x3F95] =	sst s1;
	(tag) =	ssettag s2;
	_ =	strace s9  }
0x27: {  	s1 =	sld [smem:$0x3FA5]  }
0x28: {  	s2 =	sld [smem:$0x3FA6]  }
0x29: {  	s4 =	sld [smem:$0x3FA8]  }
0x2a: {  	p0 =	seq.s32 s5, $0x0;
	s5 =	sld [smem:$0x3FA9]  }
0x2b: {  	s6 =	sld [smem:$0x3FAA]  }
0x2c: {  	s7 =	sld [smem:$0x3FAB]  }
0x2d: {  	s3 =	simm.s32 $0x108;
	s8 =	sld [smem:$0x3FAC]  }
0x2e: {  	s3 =	simm.s32 @!p0 $0x1082;
	s9 =	sld [smem:$0x3FAD]  }
0x2f: {  	lr =	sadd.s32 s0, s3;
	s0 =	sld [smem:$0x3FA4]  }
0x30: {  	s3 =	sld [smem:$0x3FA7]  }
0x31: {  	[smem:$0x3FB0] =	sst s10  }
0x32: {  	s10 =	sld [smem:$0x3FAE];
	_ =	sdelay $0x3  }
0x33: {  	p0 =	seq.s32 s10, $0x1;
	s10 =	sld [smem:$0x3FB0];
	_ =	sdelay $0x3  }
0x34: {  	[smem:$0x3FB0] =	sst s10  }
0x35: {  	s10 =	sld [smem:$0x3FAF];
	_ =	sdelay $0x3  }
0x36: {  	p1 =	seq.s32 s10, $0x1;
	s10 =	sld [smem:$0x3FB0];
	_ =	sdelay $0x3  }
0x37: {  	[smem:$0x3FB0] =	sst s10  }
0x38: {  	s10 =	sld [smem:$0x3FB1]  }
0x39: {  	_ = 	snop;
	(pc) =	sbr.ind lr, $3  }
0x3a: {  	_ = 	snop  }
0x3b: {  	_ = 	snop  }
0x3c: {  	p2 =	seq.s32 s10, $0x1;
	s10 =	sld [smem:$0x3FB0]  }
0x3d: {  	_ =	shalt  }
0x3e: {  	_ =	shalt  }
0x3f: {  	_ =	shalt  }
0x40: {  	_ =	shalt  }
0x41: {  	_ =	shalt  }
0x42: {  	_ =	shalt  }
0x43: {  	_ =	shalt  }
0x44: {  	_ =	shalt  }
0x45: {  	_ =	shalt  }
0x46: {  	_ =	shalt  }
0x47: {  	_ =	shalt  }
0x48: {  	_ =	shalt  }
0x49: {  	_ =	shalt  }
0x4a: {  	_ =	shalt  }
0x4b: {  	_ =	shalt  }
0x4c: {  	_ =	shalt  }
0x4d: {  	_ =	shalt  }
0x4e: {  	_ =	shalt  }
0x4f: {  	_ =	shalt  }
0x50: {  	_ =	shalt  }
0x51: {  	_ =	shalt  }
0x52: {  	_ =	shalt  }
0x53: {  	_ =	shalt  }
0x54: {  	_ =	shalt  }
0x55: {  	_ =	shalt  }
0x56: {  	_ =	shalt  }
0x57: {  	_ =	shalt  }
0x58: {  	_ =	shalt  }
0x59: {  	_ =	shalt  }
0x5a: {  	_ =	shalt  }
0x5b: {  	_ =	shalt  }
0x5c: {  	_ =	shalt  }
0x5d: {  	_ =	shalt  }
0x5e: {  	_ =	shalt  }
0x5f: {  	_ =	shalt  }
0x60: {  	_ =	shalt  }
0x61: {  	_ =	shalt  }
0x62: {  	_ =	shalt  }
0x63: {  	_ =	shalt  }
0x64: {  	_ =	shalt  }
0x65: {  	_ =	shalt  }
0x66: {  	_ =	shalt  }
0x67: {  	_ =	shalt  }
0x68: {  	_ =	shalt  }
0x69: {  	_ =	shalt  }
0x6a: {  	_ =	shalt  }
0x6b: {  	_ =	shalt  }
0x6c: {  	_ =	shalt  }
0x6d: {  	_ =	shalt  }
0x6e: {  	_ =	shalt  }
0x6f: {  	_ =	shalt  }
0x70: {  	_ =	shalt  }
0x71: {  	_ =	shalt  }
0x72: {  	_ =	shalt  }
0x73: {  	_ =	shalt  }
0x74: {  	_ =	shalt  }
0x75: {  	_ =	shalt  }
0x76: {  	_ =	shalt  }
0x77: {  	_ =	shalt  }
0x78: {  	_ =	shalt  }
0x79: {  	_ =	shalt  }
0x7a: {  	_ =	shalt  }
0x7b: {  	_ =	shalt  }
0x7c: {  	_ =	shalt  }
0x7d: {  	_ =	shalt  }
0x7e: {  	_ =	shalt  }
0x7f: {  	_ =	shalt  }
0x80: {  	_ =	shalt  }
0x81: {  	_ =	shalt  }
0x82: {  	_ =	shalt  }
0x83: {  	_ =	shalt  }
0x84: {  	_ =	shalt  }
0x85: {  	_ =	shalt  }
0x86: {  	_ =	shalt  }
0x87: {  	_ =	shalt  }
.Lfunc_end0:
.L_simem_size_0:
called_computation.2_lowered:
.L_overlay_start_0:
0x88: {  	s2 =	sld [smem:$0x3FD9]  }
0x89: {  	s3 =	sld [smem:$0x3FFE];
	_ =	sdelay $0x1  }
0x8a: {  	s1 =	srdreg.scid  }
0x8b: {  	s0 =	sand.u32 $0x1, s1  }
0x8c: {  	s16 =	sshll.u32 s0, $0xA;
	s2 =	sadd.s32 s3, s2  }
0x8d: {  	s2 =	sadd.s32 s2, s16  }
0x8e: {  	[smem:$0x3FBC] =	sst s2  }
0x8f: {  	_ = 	snop  }
0x90: {  	(tm) =	ssettm $0x1  }
0x91: {  	s17 =	sld [smem:$0x3FFB];
	_ =	sdelay $0x3  }
0x92: {  	_ =	strace s17  }
0x93: {  	s2 =	sld [smem:$0x3FFC];
	_ =	sdelay $0x3  }
0x94: {  	_ =	strace s2  }
0x95: {  	s2 =	sld [smem:$0x3FFD];
	_ =	sdelay $0x3  }
0x96: {  	_ =	strace s2  }
0x97: {  	_ =	strace $0x8FFFFFFF  }
0x98: {  	s18 =	sld [smem:$0x3FDB];
	_ =	sdelay $0x1  }
0x99: {  	s19 =	simm.s32 $_scs_section_size  }
0x9a: {  	s4 =	simm.s32 $_size__tile_overlayer_lowered;
	s5 =	simm.s32 $_tile_overlayer_lowered  }
0x9b: {  	s22 =	simm.s32 $0x1BFF;
	s21 =	sshll.u32 s5, $0x1;
	s2 =	sadd.s32 s19, s18  }
0x9c: {  	s6 =	simm.s32 $0x0;
	s20 =	sshll.u32 s4, $0x1;
	s4 =	sadd.s32 s21, s2  }
0x9d: {  	[timem:s6], [sflag:s22] =	dma.local [hbm:s4], s20  }
0x9e: {  	_ =	swait.ge [sflag:s22], s20  }
0x9f: {  	s3 =	ssub.s32 $0x0, s20;
	[sflag:s22] =	ssyncset.done $0x0  }
0xa0: {  	[sflag:s22] =	ssyncadd.s32 s3;
	_ =	sdelay $0x1  }
0xa1: {  	s23 =	simm.s32 $0x1B8B  }
0xa2: {  	_ =	swait.ge [sflag:s23], $0x1  }
0xa3: {  	[sflag:s23] =	ssyncset.done $0x0  }
0xa4: {  	s25 =	simm.s32 $0x1B8E;
	s24 =	sld [smem:$0x3FFE];
	[sflag:s23] =	ssyncadd.s32 $0xFFFFFFFF  }
0xa5: {  	s26 =	simm.s32 $execute0_lowered;
	[smem:$0x3FD2] =	sst s25  }
0xa6: {  	s4 =	sshll.u32 s26, $0x1;
	_ =	strace $0x8000004C;
	[dreg:$0x1] =	wrdreg $0xFFFFFFFF  }
0xa7: {  	s28 =	simm.s32 $_size_execute0_lowered;
	s2 =	sadd.s32 s2, s4;
	[dreg:$0x0] =	wrdreg $0x0  }
0xa8: {  	s4 =	sshll.u32 s28, $0x1;
	[dreg:$0x2] =	wrdreg s2  }
0xa9: {  	[dreg:$0x3] =	wrdreg s4  }
0xaa: {  	[dreg:$0x4] =	wrdreg $0xC0  }
0xab: {  	_ =	task [dreg:s6], $0x5FFFF  }
0xac: {  	[dreg:$0x1] =	wrdreg $0xFFFFFFFF  }
0xad: {  	[dreg:$0x0] =	wrdreg $0x60  }
0xae: {  	[dreg:$0x2] =	wrdreg s24  }
0xaf: {  	[dreg:$0x3] =	wrdreg $0x82000  }
0xb0: {  	[dreg:$0x4] =	wrdreg $0x9  }
0xb1: {  	_ =	task.clear_ibuf [dreg:s6], $0x5FFFF;
	_ =	strace $0x9000004C  }
0xb2: {  	s29 =	simm.s32 $0x9;
	_ =	strace $0x8000004E  }
0xb3: {  	_ =	swait.ge [sflag:s29], $0x1  }
0xb4: {  	[sflag:s29] =	ssyncadd.s32 $0xFFFFFFFF  }
0xb5: {  	_ =	strace $0x9000004E  }
0xb6: {  	_ =	sfence  }
0xb7: {  	s30 =	sld [smem:$0x0];
	_ =	sdelay $0x2  }
0xb8: {  	s31 =	sshll.u32 s1, $0xD;
	s1 =	sshrl.u32 s1, $0x2  }
0xb9: {  	s3 =	sand.u32 $0x4000, s31;
	s1 =	sadd.s32 s1, s30  }
0xba: {  	s0 =	sor.u32 s3, s0;
	s1 =	sshll.u32 s1, $0x11  }
0xbb: {  	s0 =	sor.u32 s1, s0  }
0xbc: {  	s0 =	sadd.s32 $0x8F2B, s0  }
0xbd: {  	[sflag:s0] =	ssyncadd.remote.s32 $0x1  }
0xbe: {  	_ =	sfence.sel $0xFFFF  }
0xbf: {  	[dreg:$0x0] =	wrdreg $0xFFFFFFFF;
	(pc) =	sbr.abs _section_cstart, $3  }
0xc0: {  	[dreg:$0x1] =	wrdreg $0xFFFFFFFF  }
0xc1: {  	_ =	task.clear_ibuf [dreg:s6], $0x2FFFF;
	_ =	strace $0x9FFFFFFF  }
0xc2: {  	(tm) =	ssettm $0x7FFFFFFF  }
0xc3: {  	_ =	shalt  }
tec
execute0_lowered:
.L_overlay_start_1:
0x0: {  	(tag) =	ssettag $0x1  }
0x1: {  	s5 =	rddreg [dreg:$0x0]  }
0x2: {  	s2 =	rddreg [dreg:$0x1]  }
0x3: {  	s0 =	srdreg.scid;
	s1 =	rddreg [dreg:$0x2];
	s3 =	simm.s32 $0x0  }
0x4: {  	s13 =	simm.s32 $0x100;
	s14 =	simm.s32 $0x1;
	s15 =	simm.s32 $0x80  }
0x5: {  	s16 =	simm.s32 $0x200;
	s17 =	simm.s32 $0x2;
	s6 =	sand.u32 $0x1, s0  }
0x6: {  	s18 =	simm.s32 $0x4200;
	s0 =	stileid.u32;
	s4 =	smul.u32 $0xA0000, s6  }
0x7: {  	s19 =	simm.s32 $0x3;
	s20 =	simm.s32 $0x4;
	s7 =	smul.u32 $0xA000, s0  }
0x8: {  	s21 =	simm.s32 $0x180;
	[smem:$0x7FF] =	sst s3;
	s25 =	smul.u32 $0x13C00, s0  }
0x9: {  	s22 =	simm.s32 $0x0;
	s9 =	smul.u32 $0x140000, s6;
	_ =	strace $0x8000004D  }
0xa: {  	s26 =	smul.u32 $0x4F000, s0;
	s6 =	ssub.s32 $0x2, s6;
	s31 =	sshll.u32 s0, $0x6  }
0xb: {  	s28 =	sshrl.u32 s6, $0x1;
	s4 =	sadd.s32 s7, s4;
	s10 =	sshrl.u32 s25, $0x3  }
0xc: {  	s7 =	sadd.s32 s25, s9;
	s29 =	sshrl.u32 s26, $0x2;
	s30 =	ssub.s32 s6, s28  }
0xd: {  	s6 =	sor.u32 $0x1C05, s31;
	s8 =	sshrl.u32 s4, $0x3;
	s4 =	sadd.s32 $0x68400, s5  }
0xe: {  	s10 =	sadd.s32 s10, s5;
	s7 =	sshrl.u32 s7, $0x3;
	s12 =	sadd.s32 s29, s2  }
0xf: {  	s9 =	smax.u32 s30, $0x1;
	s8 =	sadd.s32 s8, s5;
	s11 =	sadd.s32 s7, s5  }
0x10: {  	s5 =	sadd.s32 $0x40400, s10;
	s10 =	sshrl.u32 s12, $0x3;
	s7 =	sadd.s32 $0xB8400, s8  }
0x11: {  	s8 =	sadd.s32 $0xE0400, s11;
	s11 =	simm.s32 $0x5;
	s12 =	sadd.s32 $0x20, s7  }
.LBB2_1:
0x12: {  	[spmem:s10], [sflag:s6] =	dma.local [hbm:s5], $0x2780  }
0x13: {  	_ =	swait.ge [sflag:s11], $0x2780  }
0x14: {  	[sflag:s11] =	ssyncset.done $0x0  }
0x15: {  	[sflag:s11] =	ssyncadd.s32 $0xFFFFD880  }
0x16: {  	[bflag:$0x0] =	sbarrier.arrive $0xFFFF  }
0x17: {  	[tilespmem:s3], [sflag:$0x1] =	stream.linear.gather [hbm4b:s7+s3], $0x100, $0x38;
	[tilespmem:$0x1BE00] =	vst v63  }
0x18: {  	_ = 	snop  }
0x19: {  	[tilespmem:s13], [sflag:$0x2] =	stream.linear.gather [hbm4b:s12+s3], $0x100, $0x38;
	[tilespmem:$0x1BE00] =	vst v63  }
0x1a: {  	_ =	swait.ge [sflag:s14], $0x100  }
0x1b: {  	[sflag:s14] =	ssyncset.done $0x0  }
0x1c: {  	[sflag:s14] =	ssyncadd.s32 $0xFFFFFF00  }
0x1d: {  	[tilespmem:s16], [sflag:$0x3] =	stream.indirect.gather [hbm4b:s4+s15], $0x80, s3, s15, $0xb8;
	[tilespmem:$0x1BE00] =	vst v63  }
0x1e: {  	_ =	swait.ge [sflag:s17], $0x100  }
0x1f: {  	[sflag:s17] =	ssyncset.done $0x0  }
0x20: {  	[sflag:s17] =	ssyncadd.s32 $0xFFFFFF00  }
0x21: {  	[tilespmem:s18], [sflag:$0x4] =	stream.indirect.gather [hbm4b:s4+s15], $0x80, s13, s15, $0xb8;
	[tilespmem:$0x1BE00] =	vst v63  }
0x22: {  	_ =	swait.ge [sflag:s19], $0x4000  }
0x23: {  	[sflag:s19] =	ssyncset.done $0x0  }
0x24: {  	[sflag:s19] =	ssyncadd.s32 $0xFFFFC000  }
0x25: {  	[spmem:s2] =	stream.indirect.scatter.add.f32 [tilespmem:s16], [sflag:$0x5], $0x80, s15, s15, $0xb8;
	[tilespmem:$0x1BE00] =	vst v63  }
0x26: {  	_ =	swait.ge [sflag:s11], $0x4000  }
0x27: {  	s24 =	sadd.s32 $0xFFFFEC40, s7;
	[sflag:s11] =	ssyncset.done $0x0  }
0x28: {  	s23 =	sadd.s32 $0x1400, s24;
	[sflag:s11] =	ssyncadd.s32 $0xFFFFC000  }
0x29: {  	[tilespmem:s3], [sflag:$0x1] =	stream.linear.gather [hbm4b:s23+s3], $0x100, $0x38;
	[tilespmem:$0x1BE00] =	vst v63  }
0x2a: {  	_ =	swait.ge [sflag:s14], $0x100  }
0x2b: {  	[sflag:s14] =	ssyncset.done $0x0  }
0x2c: {  	[sflag:s14] =	ssyncadd.s32 $0xFFFFFF00  }
0x2d: {  	[tilespmem:s16], [sflag:$0x3] =	stream.indirect.gather [hbm4b:s4+s15], $0x80, s3, s15, $0xb8;
	[tilespmem:$0x1BE00] =	vst v63  }
0x2e: {  	_ =	swait.ge [sflag:s20], $0x4000  }
0x2f: {  	[sflag:s20] =	ssyncset.done $0x0  }
0x30: {  	[sflag:s20] =	ssyncadd.s32 $0xFFFFC000  }
0x31: {  	[spmem:s2] =	stream.indirect.scatter.add.f32 [tilespmem:s18], [sflag:$0x5], $0x80, s21, s15, $0xb8;
	[tilespmem:$0x1BE00] =	vst v63  }
0x32: {  	_ =	swait.ge [sflag:s11], $0x4000  }
0x33: {  	[sflag:s11] =	ssyncset.done $0x0  }
0x34: {  	s24 =	sadd.s32 $0x1420, s24;
	s23 =	simm.s32 $0xFFFFEC80;
	[sflag:s11] =	ssyncadd.s32 $0xFFFFC000  }
.LBB2_2:
0x35: {  	[tilespmem:s13], [sflag:$0x2] =	stream.linear.gather [hbm4b:s24+s3], $0x100, $0x38;
	[tilespmem:$0x1BE00] =	vst v63  }
0x36: {  	s24 =	smov.u32 s23  }
0x37: {  	p0 =	sne.s32 s23, $0xFFFFFFC0;
	s23 =	sadd.s32 $0x40, s23;
	_ =	swait.ge [sflag:s17], $0x100  }
0x38: {  	[sflag:s17] =	ssyncset.done $0x0  }
0x39: {  	[sflag:s17] =	ssyncadd.s32 $0xFFFFFF00  }
0x3a: {  	[tilespmem:s18], [sflag:$0x4] =	stream.indirect.gather [hbm4b:s4+s15], $0x80, s13, s15, $0xb8;
	[tilespmem:$0x1BE00] =	vst v63  }
0x3b: {  	_ =	swait.ge [sflag:s19], $0x4000  }
0x3c: {  	[sflag:s19] =	ssyncset.done $0x0  }
0x3d: {  	[sflag:s19] =	ssyncadd.s32 $0xFFFFC000  }
0x3e: {  	[spmem:s2] =	stream.indirect.scatter.add.f32 [tilespmem:s16], [sflag:$0x5], $0x80, s15, s15, $0xb8;
	[tilespmem:$0x1BE00] =	vst v63  }
0x3f: {  	_ =	swait.ge [sflag:s11], $0x4000  }
0x40: {  	s24 =	sadd.s32 s24, s7;
	[sflag:s11] =	ssyncset.done $0x0  }
0x41: {  	s25 =	sadd.s32 $0x1400, s24;
	[sflag:s11] =	ssyncadd.s32 $0xFFFFC000  }
0x42: {  	[tilespmem:s3], [sflag:$0x1] =	stream.linear.gather [hbm4b:s25+s3], $0x100, $0x38;
	[tilespmem:$0x1BE00] =	vst v63  }
0x43: {  	_ =	swait.ge [sflag:s14], $0x100  }
0x44: {  	[sflag:s14] =	ssyncset.done $0x0  }
0x45: {  	[sflag:s14] =	ssyncadd.s32 $0xFFFFFF00  }
0x46: {  	[tilespmem:s16], [sflag:$0x3] =	stream.indirect.gather [hbm4b:s4+s15], $0x80, s3, s15, $0xb8;
	[tilespmem:$0x1BE00] =	vst v63  }
0x47: {  	_ =	swait.ge [sflag:s20], $0x4000  }
0x48: {  	[sflag:s20] =	ssyncset.done $0x0  }
.Ltmp0:
0x49: {  	[sflag:s20] =	ssyncadd.s32 $0xFFFFC000;
	(pc) =	sbr.rel @p0 .LBB2_2-.Ltmp0, $4  }
0x4a: {  	[spmem:s2] =	stream.indirect.scatter.add.f32 [tilespmem:s18], [sflag:$0x5], $0x80, s21, s15, $0xb8;
	[tilespmem:$0x1BE00] =	vst v63  }
0x4b: {  	_ =	swait.ge [sflag:s11], $0x4000  }
0x4c: {  	[sflag:s11] =	ssyncset.done $0x0  }
0x4d: {  	s24 =	sadd.s32 $0x1420, s24;
	[sflag:s11] =	ssyncadd.s32 $0xFFFFC000  }
0x4e: {  	[tilespmem:s13], [sflag:$0x2] =	stream.linear.gather [hbm4b:s24+s3], $0x100, $0x38;
	[tilespmem:$0x1BE00] =	vst v63  }
0x4f: {  	_ =	swait.ge [sflag:s17], $0x100  }
0x50: {  	[sflag:s17] =	ssyncset.done $0x0  }
0x51: {  	[sflag:s17] =	ssyncadd.s32 $0xFFFFFF00  }
0x52: {  	[tilespmem:s18], [sflag:$0x4] =	stream.indirect.gather [hbm4b:s4+s15], $0x80, s13, s15, $0xb8;
	[tilespmem:$0x1BE00] =	vst v63  }
0x53: {  	_ =	swait.ge [sflag:s19], $0x4000  }
0x54: {  	[sflag:s19] =	ssyncset.done $0x0  }
0x55: {  	[sflag:s19] =	ssyncadd.s32 $0xFFFFC000  }
0x56: {  	[spmem:s2] =	stream.indirect.scatter.add.f32 [tilespmem:s16], [sflag:$0x5], $0x80, s15, s15, $0xb8;
	[tilespmem:$0x1BE00] =	vst v63  }
0x57: {  	_ =	swait.ge [sflag:s11], $0x4000  }
0x58: {  	[sflag:s11] =	ssyncset.done $0x0  }
0x59: {  	[sflag:s11] =	ssyncadd.s32 $0xFFFFC000  }
0x5a: {  	_ =	swait.ge [sflag:s20], $0x4000  }
0x5b: {  	[sflag:s20] =	ssyncset.done $0x0  }
0x5c: {  	[sflag:s20] =	ssyncadd.s32 $0xFFFFC000  }
0x5d: {  	[spmem:s2] =	stream.indirect.scatter.add.f32 [tilespmem:s18], [sflag:$0x5], $0x80, s21, s15, $0xb8;
	[tilespmem:$0x1BE00] =	vst v63  }
0x5e: {  	_ =	swait.ge [sflag:s11], $0x4000  }
0x5f: {  	s22 =	sadd.s32 $0x1, s22;
	[sflag:s11] =	ssyncset.done $0x0  }
0x60: {  	p0 =	sne.s32 s22, s9;
	[sflag:s11] =	ssyncadd.s32 $0xFFFFC000  }
.Ltmp1:
0x61: {  	[bflag:$0x0] =	sbarrier.arrive $0xFFFF;
	(pc) =	sbr.rel @p0 .LBB2_1-.Ltmp1, $4  }
0x62: {  	[hbm:s8], [sflag:s6] =	dma.local [spmem:s10], $0x2780  }
0x63: {  	_ =	swait.ge [sflag:s11], $0x2780  }
0x64: {  	[sflag:s11] =	ssyncset.done $0x0  }
0x65: {  	[sflag:s11] =	ssyncadd.s32 $0xFFFFD880  }
0x66: {  	_ =	sfence.sel $0x180000  }
0x67: {  	[bflag:$0x0] =	sbarrier.arrive $0xFFFF  }
0x68: {  	p0 =	sne.s32 s0, $0x0;
	_ =	strace $0x9000004D  }
0x69: {  	s0 =	sadd.s32 @!p0 $0x100000, s1;
	[bflag:$0x2] =	sbarrier.arrive $0xFFFF  }
0x6a: {  	[sflag:s0] =	ssyncadd.tile.s32 @!p0 $0x1;
	_ =	shalt  }
.Lfunc_end2:
_tile_overlayer_lowered:
.L_overlay_start_2:
0x6b: {  	(tag) =	ssettag $0x2  }
0x6c: {  	s0 =	rddreg [dreg:$0x0];
	s2 =	stileid.u32  }
0x6d: {  	s1 =	rddreg [dreg:$0x1];
	p0 =	sne.s32 s2, $0x0  }
0x6e: {  	s3 =	rddreg [dreg:$0x2];
	[bflag:$0x3] =	sbarrier.arrive $0xFFFF;
	s2 =	simm.s32 @!p0 $0x1C05  }
0x6f: {  	[timem:s3], [sflag:s2] =	dma.local @!p0 [hbm:s0], s1  }
0x70: {  	s0 =	simm.s32 @!p0 $0x5  }
0x71: {  	_ =	swait.ge @!p0 [sflag:s0], s1  }
0x72: {  	s1 =	ssub.s32 @!p0 $0x0, s1;
	[sflag:s0] =	ssyncset.done @!p0 $0x0  }
0x73: {  	[sflag:s0] =	ssyncadd.s32 @!p0 s1  }
0x74: {  	[bflag:$0x3] =	sbarrier.arrive $0xFFFF  }
0x75: {  	_ =	shalt  }

// kernel: kernel.20.cloned.1.call-start
scs
__scs_entry_jumppad:
0x0: {  	(pc) =	sbr.rel $0x88, $3  }
0x1: {  	(tag) =	ssettag $0x0;
	lr =	simm.s32 $0x1  }
0x2: {  	[smem:$0x3F95] =	sst lr;
	_ =	strace $0xD0000000  }
0x3: {  	_ = 	snop  }
0x4: {  	_ = 	snop  }
0x5: {  	_ = 	snop  }
0x6: {  	_ = 	snop  }
0x7: {  	_ = 	snop  }
__scs_overlays_trampoline_lowered:
0x8: {  	[smem:$0x3FA4] =	sst s0  }
0x9: {  	[smem:$0x3FA5] =	sst s1  }
0xa: {  	[smem:$0x3FA6] =	sst s2  }
0xb: {  	[smem:$0x3FA7] =	sst s3  }
0xc: {  	[smem:$0x3FA8] =	sst s4  }
0xd: {  	[smem:$0x3FA9] =	sst s5  }
0xe: {  	[smem:$0x3FAA] =	sst s6  }
0xf: {  	[smem:$0x3FAB] =	sst s7  }
0x10: {  	[smem:$0x3FAC] =	sst s8  }
0x11: {  	[smem:$0x3FAD] =	sst s9;
	s0 =	simm.s32 @!p0 $0x0  }
0x12: {  	s1 =	sld [smem:$0x3F93];
	s0 =	simm.s32 @p0 $0x1  }
0x13: {  	[smem:$0x3FAE] =	sst s0;
	s0 =	simm.s32 @!p1 $0x0  }
0x14: {  	s2 =	sld [smem:$0x3F92];
	s0 =	simm.s32 @p1 $0x1  }
0x15: {  	[smem:$0x3FAF] =	sst s0;
	s0 =	simm.s32 @!p2 $0x0  }
0x16: {  	s3 =	sld [smem:$0x3FDB];
	s0 =	simm.s32 @p2 $0x1  }
0x17: {  	s4 =	simm.s32 $0x1BF5;
	[smem:$0x3FB1] =	sst s0  }
0x18: {  	s0 =	sld [smem:$0x3F94];
	_ =	swait.ge [sflag:s4], $0x0  }
0x19: {  	s7 =	sld [smem:$0x3F95]  }
0x1a: {  	s8 =	sadd.s32 $0xFFFFE003, lr  }
0x1b: {  	s9 =	sadd.s32 $0xFFFFFEF7, lr;
	s5 =	simm.s32 $0xFFFFFFFF;
	p2 =	slt.u32 s8, $0xFFFFF086  }
0x1c: {  	p1 =	slt.u32 s9, $0xF7A;
	s5 =	simm.s32 @!p2 $0x0  }
0x1d: {  	s5 =	simm.s32 @p1 $0x1;
	p0 =	seq.s32 s7, s2  }
0x1e: {  	s7 =	smul.u32 @!p0 $0xF7A, s2;
	p2 =	seq.s32 @!p0 s5, $0x0  }
0x1f: {  	s9 =	smul.u32 $0xF7A, s1;
	s8 =	simm.s32 @!p0 $0x1BF5;
	p2 =	por !p2, p0  }
0x20: {  	[sflag:s8] =	ssyncset.s32 @!p0 $0xFFFFF086;
	s6 =	sadd.s32 @!p0 s3, s7;
	s7 =	simm.s32 @!p0 $0x108  }
0x21: {  	s3 =	sadd.s32 s3, s9;
	s6 =	sadd.s32 @!p0 $0x88, s6;
	s7 =	simm.s32 @p2 $0x1082  }
0x22: {  	[simem:s7], [sflag:s8] =	dma.local @!p0 [hbm:s6], $0xF7A  }
0x23: {  	s9 =	sor.u32 $0xD0000000, s2;
	s6 =	simm.s32 $0x108;
	_ =	swait.ge @!p0 [sflag:s8], $0x0  }
0x24: {  	s3 =	sadd.s32 $0x88, s3;
	s6 =	simm.s32 @!p1 $0x1082;
	[sflag:s4] =	ssyncset.s32 $0xFFFFF086  }
0x25: {  	[simem:s6], [sflag:s4] =	dma.local [hbm:s3], $0xF7A  }
0x26: {  	[smem:$0x3F95] =	sst s1;
	(tag) =	ssettag s2;
	_ =	strace s9  }
0x27: {  	s1 =	sld [smem:$0x3FA5]  }
0x28: {  	s2 =	sld [smem:$0x3FA6]  }
0x29: {  	s4 =	sld [smem:$0x3FA8]  }
0x2a: {  	p0 =	seq.s32 s5, $0x0;
	s5 =	sld [smem:$0x3FA9]  }
0x2b: {  	s6 =	sld [smem:$0x3FAA]  }
0x2c: {  	s7 =	sld [smem:$0x3FAB]  }
0x2d: {  	s3 =	simm.s32 $0x108;
	s8 =	sld [smem:$0x3FAC]  }
0x2e: {  	s3 =	simm.s32 @!p0 $0x1082;
	s9 =	sld [smem:$0x3FAD]  }
0x2f: {  	lr =	sadd.s32 s0, s3;
	s0 =	sld [smem:$0x3FA4]  }
0x30: {  	s3 =	sld [smem:$0x3FA7]  }
0x31: {  	[smem:$0x3FB0] =	sst s10  }
0x32: {  	s10 =	sld [smem:$0x3FAE];
	_ =	sdelay $0x3  }
0x33: {  	p0 =	seq.s32 s10, $0x1;
	s10 =	sld [smem:$0x3FB0];
	_ =	sdelay $0x3  }
0x34: {  	[smem:$0x3FB0] =	sst s10  }
0x35: {  	s10 =	sld [smem:$0x3FAF];
	_ =	sdelay $0x3  }
0x36: {  	p1 =	seq.s32 s10, $0x1;
	s10 =	sld [smem:$0x3FB0];
	_ =	sdelay $0x3  }
0x37: {  	[smem:$0x3FB0] =	sst s10  }
0x38: {  	s10 =	sld [smem:$0x3FB1]  }
0x39: {  	_ = 	snop;
	(pc) =	sbr.ind lr, $3  }
0x3a: {  	_ = 	snop  }
0x3b: {  	_ = 	snop  }
0x3c: {  	p2 =	seq.s32 s10, $0x1;
	s10 =	sld [smem:$0x3FB0]  }
0x3d: {  	_ =	shalt  }
0x3e: {  	_ =	shalt  }
0x3f: {  	_ =	shalt  }
0x40: {  	_ =	shalt  }
0x41: {  	_ =	shalt  }
0x42: {  	_ =	shalt  }
0x43: {  	_ =	shalt  }
0x44: {  	_ =	shalt  }
0x45: {  	_ =	shalt  }
0x46: {  	_ =	shalt  }
0x47: {  	_ =	shalt  }
0x48: {  	_ =	shalt  }
0x49: {  	_ =	shalt  }
0x4a: {  	_ =	shalt  }
0x4b: {  	_ =	shalt  }
0x4c: {  	_ =	shalt  }
0x4d: {  	_ =	shalt  }
0x4e: {  	_ =	shalt  }
0x4f: {  	_ =	shalt  }
0x50: {  	_ =	shalt  }
0x51: {  	_ =	shalt  }
0x52: {  	_ =	shalt  }
0x53: {  	_ =	shalt  }
0x54: {  	_ =	shalt  }
0x55: {  	_ =	shalt  }
0x56: {  	_ =	shalt  }
0x57: {  	_ =	shalt  }
0x58: {  	_ =	shalt  }
0x59: {  	_ =	shalt  }
0x5a: {  	_ =	shalt  }
0x5b: {  	_ =	shalt  }
0x5c: {  	_ =	shalt  }
0x5d: {  	_ =	shalt  }
0x5e: {  	_ =	shalt  }
0x5f: {  	_ =	shalt  }
0x60: {  	_ =	shalt  }
0x61: {  	_ =	shalt  }
0x62: {  	_ =	shalt  }
0x63: {  	_ =	shalt  }
0x64: {  	_ =	shalt  }
0x65: {  	_ =	shalt  }
0x66: {  	_ =	shalt  }
0x67: {  	_ =	shalt  }
0x68: {  	_ =	shalt  }
0x69: {  	_ =	shalt  }
0x6a: {  	_ =	shalt  }
0x6b: {  	_ =	shalt  }
0x6c: {  	_ =	shalt  }
0x6d: {  	_ =	shalt  }
0x6e: {  	_ =	shalt  }
0x6f: {  	_ =	shalt  }
0x70: {  	_ =	shalt  }
0x71: {  	_ =	shalt  }
0x72: {  	_ =	shalt  }
0x73: {  	_ =	shalt  }
0x74: {  	_ =	shalt  }
0x75: {  	_ =	shalt  }
0x76: {  	_ =	shalt  }
0x77: {  	_ =	shalt  }
0x78: {  	_ =	shalt  }
0x79: {  	_ =	shalt  }
0x7a: {  	_ =	shalt  }
0x7b: {  	_ =	shalt  }
0x7c: {  	_ =	shalt  }
0x7d: {  	_ =	shalt  }
0x7e: {  	_ =	shalt  }
0x7f: {  	_ =	shalt  }
0x80: {  	_ =	shalt  }
0x81: {  	_ =	shalt  }
0x82: {  	_ =	shalt  }
0x83: {  	_ =	shalt  }
0x84: {  	_ =	shalt  }
0x85: {  	_ =	shalt  }
0x86: {  	_ =	shalt  }
0x87: {  	_ =	shalt  }
.Lfunc_end0:
.L_simem_size_0:
called_computation.3_lowered:
.L_overlay_start_0:
0x88: {  	s2 =	sld [smem:$0x3FD9]  }
0x89: {  	s3 =	sld [smem:$0x3FFE];
	_ =	sdelay $0x1  }
0x8a: {  	s1 =	srdreg.scid  }
0x8b: {  	s0 =	sand.u32 $0x1, s1  }
0x8c: {  	s16 =	sshll.u32 s0, $0xA;
	s2 =	sadd.s32 s3, s2  }
0x8d: {  	s2 =	sadd.s32 s2, s16  }
0x8e: {  	[smem:$0x3FBC] =	sst s2  }
0x8f: {  	_ = 	snop  }
0x90: {  	(tm) =	ssettm $0x1  }
0x91: {  	s17 =	sld [smem:$0x3FFB];
	_ =	sdelay $0x3  }
0x92: {  	_ =	strace s17  }
0x93: {  	s2 =	sld [smem:$0x3FFC];
	_ =	sdelay $0x3  }
0x94: {  	_ =	strace s2  }
0x95: {  	s2 =	sld [smem:$0x3FFD];
	_ =	sdelay $0x3  }
0x96: {  	_ =	strace s2  }
0x97: {  	_ =	strace $0x8FFFFFFF  }
0x98: {  	s18 =	sld [smem:$0x3FDB];
	_ =	sdelay $0x1  }
0x99: {  	s19 =	simm.s32 $_scs_section_size  }
0x9a: {  	s4 =	simm.s32 $_size__tile_overlayer_lowered;
	s5 =	simm.s32 $_tile_overlayer_lowered  }
0x9b: {  	s22 =	simm.s32 $0x1BFF;
	s21 =	sshll.u32 s5, $0x1;
	s2 =	sadd.s32 s19, s18  }
0x9c: {  	s6 =	simm.s32 $0x0;
	s20 =	sshll.u32 s4, $0x1;
	s4 =	sadd.s32 s21, s2  }
0x9d: {  	[timem:s6], [sflag:s22] =	dma.local [hbm:s4], s20  }
0x9e: {  	_ =	swait.ge [sflag:s22], s20  }
0x9f: {  	s3 =	ssub.s32 $0x0, s20;
	[sflag:s22] =	ssyncset.done $0x0  }
0xa0: {  	[sflag:s22] =	ssyncadd.s32 s3;
	_ =	sdelay $0x1  }
0xa1: {  	s23 =	simm.s32 $0x1B8B  }
0xa2: {  	_ =	swait.ge [sflag:s23], $0x1  }
0xa3: {  	[sflag:s23] =	ssyncset.done $0x0  }
0xa4: {  	s25 =	simm.s32 $0x1B8E;
	s24 =	sld [smem:$0x3FFE];
	[sflag:s23] =	ssyncadd.s32 $0xFFFFFFFF  }
0xa5: {  	s26 =	simm.s32 $execute0_lowered;
	[smem:$0x3FD2] =	sst s25  }
0xa6: {  	s4 =	sshll.u32 s26, $0x1;
	_ =	strace $0x8000004F;
	[dreg:$0x1] =	wrdreg $0xFFFFFFFF  }
0xa7: {  	s28 =	simm.s32 $_size_execute0_lowered;
	s2 =	sadd.s32 s2, s4;
	[dreg:$0x0] =	wrdreg $0x0  }
0xa8: {  	s4 =	sshll.u32 s28, $0x1;
	[dreg:$0x2] =	wrdreg s2  }
0xa9: {  	[dreg:$0x3] =	wrdreg s4  }
0xaa: {  	[dreg:$0x4] =	wrdreg $0xC0  }
0xab: {  	_ =	task [dreg:s6], $0x5FFFF  }
0xac: {  	[dreg:$0x1] =	wrdreg $0xFFFFFFFF  }
0xad: {  	[dreg:$0x0] =	wrdreg $0x60  }
0xae: {  	[dreg:$0x2] =	wrdreg s24  }
0xaf: {  	[dreg:$0x3] =	wrdreg $0x82000  }
0xb0: {  	[dreg:$0x4] =	wrdreg $0x9  }
0xb1: {  	_ =	task.clear_ibuf [dreg:s6], $0x5FFFF;
	_ =	strace $0x9000004F  }
0xb2: {  	s29 =	simm.s32 $0x9;
	_ =	strace $0x80000051  }
0xb3: {  	_ =	swait.ge [sflag:s29], $0x1  }
0xb4: {  	[sflag:s29] =	ssyncadd.s32 $0xFFFFFFFF  }
0xb5: {  	_ =	strace $0x90000051  }
0xb6: {  	_ =	sfence  }
0xb7: {  	s30 =	sld [smem:$0x0];
	_ =	sdelay $0x2  }
0xb8: {  	s31 =	sshll.u32 s1, $0xD;
	s1 =	sshrl.u32 s1, $0x2  }
0xb9: {  	s3 =	sand.u32 $0x4000, s31;
	s1 =	sadd.s32 s1, s30  }
0xba: {  	s0 =	sor.u32 s3, s0;
	s1 =	sshll.u32 s1, $0x11  }
0xbb: {  	s0 =	sor.u32 s1, s0  }
0xbc: {  	s0 =	sadd.s32 $0x8F2B, s0  }
0xbd: {  	[sflag:s0] =	ssyncadd.remote.s32 $0x1  }
0xbe: {  	_ =	sfence.sel $0xFFFF  }
0xbf: {  	[dreg:$0x0] =	wrdreg $0xFFFFFFFF;
	(pc) =	sbr.abs _section_cstart, $3  }
0xc0: {  	[dreg:$0x1] =	wrdreg $0xFFFFFFFF  }
0xc1: {  	_ =	task.clear_ibuf [dreg:s6], $0x2FFFF;
	_ =	strace $0x9FFFFFFF  }
0xc2: {  	(tm) =	ssettm $0x7FFFFFFF  }
0xc3: {  	_ =	shalt  }
tec
execute0_lowered:
.L_overlay_start_1:
0x0: {  	(tag) =	ssettag $0x1  }
0x1: {  	s6 =	rddreg [dreg:$0x0]  }
0x2: {  	s0 =	srdreg.scid;
	s2 =	rddreg [dreg:$0x1];
	s3 =	simm.s32 $0x0  }
0x3: {  	s13 =	simm.s32 $0x100;
	s14 =	simm.s32 $0x1;
	s15 =	simm.s32 $0x80  }
0x4: {  	s16 =	simm.s32 $0x200;
	s17 =	simm.s32 $0x2;
	s18 =	simm.s32 $0x4200  }
0x5: {  	s19 =	simm.s32 $0x3;
	s5 =	sand.u32 $0x1, s0;
	s0 =	stileid.u32  }
0x6: {  	s20 =	simm.s32 $0x4;
	s21 =	simm.s32 $0x180;
	s8 =	smul.u32 $0x13C00, s0  }
0x7: {  	s22 =	simm.s32 $0x0;
	[smem:$0x7FF] =	sst s3;
	s9 =	smul.u32 $0x140000, s5  }
0x8: {  	s4 =	sadd.s32 $0x18400, s6;
	s1 =	sshll.u32 s5, $0x4;
	s29 =	smul.u32 $0x4F000, s0  }
0x9: {  	s5 =	ssub.s32 $0x2, s5;
	s31 =	sshll.u32 s0, $0x6;
	s1 =	sor.u32 s0, s1  }
0xa: {  	s30 =	sshrl.u32 s5, $0x1;
	s7 =	smul.u32 $0xA00, s1;
	s1 =	rddreg [dreg:$0x2]  }
0xb: {  	_ =	strace $0x80000050;
	s10 =	sshrl.u32 s8, $0x3;
	s8 =	sadd.s32 s8, s9  }
0xc: {  	s9 =	sshrl.u32 s29, $0x2;
	s11 =	ssub.s32 s5, s30;
	s10 =	sadd.s32 s10, s6  }
0xd: {  	s8 =	sshrl.u32 s8, $0x3;
	s12 =	sadd.s32 s9, s2;
	s9 =	smax.u32 s11, $0x1  }
0xe: {  	s11 =	simm.s32 $0x5;
	s7 =	sadd.s32 s7, s6;
	s8 =	sadd.s32 s8, s6  }
0xf: {  	s5 =	sadd.s32 $0x40400, s10;
	s6 =	sor.u32 $0x1C05, s31;
	s7 =	sadd.s32 $0x4400, s7  }
0x10: {  	s10 =	sshrl.u32 s12, $0x3;
	s8 =	sadd.s32 $0x68400, s8;
	s12 =	sadd.s32 $0x20, s7  }
.LBB2_1:
0x11: {  	[spmem:s10], [sflag:s6] =	dma.local [hbm:s5], $0x2780  }
0x12: {  	_ =	swait.ge [sflag:s11], $0x2780  }
0x13: {  	[sflag:s11] =	ssyncset.done $0x0  }
0x14: {  	[sflag:s11] =	ssyncadd.s32 $0xFFFFD880  }
0x15: {  	[bflag:$0x0] =	sbarrier.arrive $0xFFFF  }
0x16: {  	[tilespmem:s3], [sflag:$0x1] =	stream.linear.gather [hbm4b:s7+s3], $0x100, $0x38;
	[tilespmem:$0x1BE00] =	vst v63  }
0x17: {  	_ = 	snop  }
0x18: {  	[tilespmem:s13], [sflag:$0x2] =	stream.linear.gather [hbm4b:s12+s3], $0x100, $0x38;
	[tilespmem:$0x1BE00] =	vst v63  }
0x19: {  	_ =	swait.ge [sflag:s14], $0x100  }
0x1a: {  	[sflag:s14] =	ssyncset.done $0x0  }
0x1b: {  	[sflag:s14] =	ssyncadd.s32 $0xFFFFFF00  }
0x1c: {  	[tilespmem:s16], [sflag:$0x3] =	stream.indirect.gather [hbm4b:s4+s15], $0x80, s3, s15, $0xb8;
	[tilespmem:$0x1BE00] =	vst v63  }
0x1d: {  	_ =	swait.ge [sflag:s17], $0x100  }
0x1e: {  	[sflag:s17] =	ssyncset.done $0x0  }
0x1f: {  	[sflag:s17] =	ssyncadd.s32 $0xFFFFFF00  }
0x20: {  	[tilespmem:s18], [sflag:$0x4] =	stream.indirect.gather [hbm4b:s4+s15], $0x80, s13, s15, $0xb8;
	[tilespmem:$0x1BE00] =	vst v63  }
0x21: {  	_ =	swait.ge [sflag:s19], $0x4000  }
0x22: {  	[sflag:s19] =	ssyncset.done $0x0  }
0x23: {  	[sflag:s19] =	ssyncadd.s32 $0xFFFFC000  }
0x24: {  	[spmem:s2] =	stream.indirect.scatter.add.f32 [tilespmem:s16], [sflag:$0x5], $0x80, s15, s15, $0xb8;
	[tilespmem:$0x1BE00] =	vst v63  }
0x25: {  	_ =	swait.ge [sflag:s11], $0x4000  }
0x26: {  	s24 =	sadd.s32 $0xFFFFF640, s7;
	[sflag:s11] =	ssyncset.done $0x0  }
0x27: {  	s23 =	sadd.s32 $0xA00, s24;
	[sflag:s11] =	ssyncadd.s32 $0xFFFFC000  }
0x28: {  	[tilespmem:s3], [sflag:$0x1] =	stream.linear.gather [hbm4b:s23+s3], $0x100, $0x38;
	[tilespmem:$0x1BE00] =	vst v63  }
0x29: {  	_ =	swait.ge [sflag:s14], $0x100  }
0x2a: {  	[sflag:s14] =	ssyncset.done $0x0  }
0x2b: {  	[sflag:s14] =	ssyncadd.s32 $0xFFFFFF00  }
0x2c: {  	[tilespmem:s16], [sflag:$0x3] =	stream.indirect.gather [hbm4b:s4+s15], $0x80, s3, s15, $0xb8;
	[tilespmem:$0x1BE00] =	vst v63  }
0x2d: {  	_ =	swait.ge [sflag:s20], $0x4000  }
0x2e: {  	[sflag:s20] =	ssyncset.done $0x0  }
0x2f: {  	[sflag:s20] =	ssyncadd.s32 $0xFFFFC000  }
0x30: {  	[spmem:s2] =	stream.indirect.scatter.add.f32 [tilespmem:s18], [sflag:$0x5], $0x80, s21, s15, $0xb8;
	[tilespmem:$0x1BE00] =	vst v63  }
0x31: {  	_ =	swait.ge [sflag:s11], $0x4000  }
0x32: {  	[sflag:s11] =	ssyncset.done $0x0  }
0x33: {  	s24 =	sadd.s32 $0xA20, s24;
	s23 =	simm.s32 $0xFFFFF680;
	[sflag:s11] =	ssyncadd.s32 $0xFFFFC000  }
.LBB2_2:
0x34: {  	[tilespmem:s13], [sflag:$0x2] =	stream.linear.gather [hbm4b:s24+s3], $0x100, $0x38;
	[tilespmem:$0x1BE00] =	vst v63  }
0x35: {  	s24 =	smov.u32 s23  }
0x36: {  	p0 =	sne.s32 s23, $0xFFFFFFC0;
	s23 =	sadd.s32 $0x40, s23;
	_ =	swait.ge [sflag:s17], $0x100  }
0x37: {  	[sflag:s17] =	ssyncset.done $0x0  }
0x38: {  	[sflag:s17] =	ssyncadd.s32 $0xFFFFFF00  }
0x39: {  	[tilespmem:s18], [sflag:$0x4] =	stream.indirect.gather [hbm4b:s4+s15], $0x80, s13, s15, $0xb8;
	[tilespmem:$0x1BE00] =	vst v63  }
0x3a: {  	_ =	swait.ge [sflag:s19], $0x4000  }
0x3b: {  	[sflag:s19] =	ssyncset.done $0x0  }
0x3c: {  	[sflag:s19] =	ssyncadd.s32 $0xFFFFC000  }
0x3d: {  	[spmem:s2] =	stream.indirect.scatter.add.f32 [tilespmem:s16], [sflag:$0x5], $0x80, s15, s15, $0xb8;
	[tilespmem:$0x1BE00] =	vst v63  }
0x3e: {  	_ =	swait.ge [sflag:s11], $0x4000  }
0x3f: {  	s24 =	sadd.s32 s24, s7;
	[sflag:s11] =	ssyncset.done $0x0  }
0x40: {  	s25 =	sadd.s32 $0xA00, s24;
	[sflag:s11] =	ssyncadd.s32 $0xFFFFC000  }
0x41: {  	[tilespmem:s3], [sflag:$0x1] =	stream.linear.gather [hbm4b:s25+s3], $0x100, $0x38;
	[tilespmem:$0x1BE00] =	vst v63  }
0x42: {  	_ =	swait.ge [sflag:s14], $0x100  }
0x43: {  	[sflag:s14] =	ssyncset.done $0x0  }
0x44: {  	[sflag:s14] =	ssyncadd.s32 $0xFFFFFF00  }
0x45: {  	[tilespmem:s16], [sflag:$0x3] =	stream.indirect.gather [hbm4b:s4+s15], $0x80, s3, s15, $0xb8;
	[tilespmem:$0x1BE00] =	vst v63  }
0x46: {  	_ =	swait.ge [sflag:s20], $0x4000  }
0x47: {  	[sflag:s20] =	ssyncset.done $0x0  }
.Ltmp0:
0x48: {  	[sflag:s20] =	ssyncadd.s32 $0xFFFFC000;
	(pc) =	sbr.rel @p0 .LBB2_2-.Ltmp0, $4  }
0x49: {  	[spmem:s2] =	stream.indirect.scatter.add.f32 [tilespmem:s18], [sflag:$0x5], $0x80, s21, s15, $0xb8;
	[tilespmem:$0x1BE00] =	vst v63  }
0x4a: {  	_ =	swait.ge [sflag:s11], $0x4000  }
0x4b: {  	[sflag:s11] =	ssyncset.done $0x0  }
0x4c: {  	s24 =	sadd.s32 $0xA20, s24;
	[sflag:s11] =	ssyncadd.s32 $0xFFFFC000  }
0x4d: {  	[tilespmem:s13], [sflag:$0x2] =	stream.linear.gather [hbm4b:s24+s3], $0x100, $0x38;
	[tilespmem:$0x1BE00] =	vst v63  }
0x4e: {  	_ =	swait.ge [sflag:s17], $0x100  }
0x4f: {  	[sflag:s17] =	ssyncset.done $0x0  }
0x50: {  	[sflag:s17] =	ssyncadd.s32 $0xFFFFFF00  }
0x51: {  	[tilespmem:s18], [sflag:$0x4] =	stream.indirect.gather [hbm4b:s4+s15], $0x80, s13, s15, $0xb8;
	[tilespmem:$0x1BE00] =	vst v63  }
0x52: {  	_ =	swait.ge [sflag:s19], $0x4000  }
0x53: {  	[sflag:s19] =	ssyncset.done $0x0  }
0x54: {  	[sflag:s19] =	ssyncadd.s32 $0xFFFFC000  }
0x55: {  	[spmem:s2] =	stream.indirect.scatter.add.f32 [tilespmem:s16], [sflag:$0x5], $0x80, s15, s15, $0xb8;
	[tilespmem:$0x1BE00] =	vst v63  }
0x56: {  	_ =	swait.ge [sflag:s11], $0x4000  }
0x57: {  	[sflag:s11] =	ssyncset.done $0x0  }
0x58: {  	[sflag:s11] =	ssyncadd.s32 $0xFFFFC000  }
0x59: {  	_ =	swait.ge [sflag:s20], $0x4000  }
0x5a: {  	[sflag:s20] =	ssyncset.done $0x0  }
0x5b: {  	[sflag:s20] =	ssyncadd.s32 $0xFFFFC000  }
0x5c: {  	[spmem:s2] =	stream.indirect.scatter.add.f32 [tilespmem:s18], [sflag:$0x5], $0x80, s21, s15, $0xb8;
	[tilespmem:$0x1BE00] =	vst v63  }
0x5d: {  	_ =	swait.ge [sflag:s11], $0x4000  }
0x5e: {  	s22 =	sadd.s32 $0x1, s22;
	[sflag:s11] =	ssyncset.done $0x0  }
0x5f: {  	p0 =	sne.s32 s22, s9;
	[sflag:s11] =	ssyncadd.s32 $0xFFFFC000  }
.Ltmp1:
0x60: {  	[bflag:$0x0] =	sbarrier.arrive $0xFFFF;
	(pc) =	sbr.rel @p0 .LBB2_1-.Ltmp1, $4  }
0x61: {  	[hbm:s8], [sflag:s6] =	dma.local [spmem:s10], $0x2780  }
0x62: {  	_ =	swait.ge [sflag:s11], $0x2780  }
0x63: {  	[sflag:s11] =	ssyncset.done $0x0  }
0x64: {  	[sflag:s11] =	ssyncadd.s32 $0xFFFFD880  }
0x65: {  	_ =	sfence.sel $0x180000  }
0x66: {  	[bflag:$0x0] =	sbarrier.arrive $0xFFFF  }
0x67: {  	p0 =	sne.s32 s0, $0x0;
	_ =	strace $0x90000050  }
0x68: {  	s0 =	sadd.s32 @!p0 $0x100000, s1;
	[bflag:$0x2] =	sbarrier.arrive $0xFFFF  }
0x69: {  	[sflag:s0] =	ssyncadd.tile.s32 @!p0 $0x1;
	_ =	shalt  }
.Lfunc_end2:
_tile_overlayer_lowered:
.L_overlay_start_2:
0x6a: {  	(tag) =	ssettag $0x2  }
0x6b: {  	s0 =	rddreg [dreg:$0x0];
	s2 =	stileid.u32  }
0x6c: {  	s1 =	rddreg [dreg:$0x1];
	p0 =	sne.s32 s2, $0x0  }
0x6d: {  	s3 =	rddreg [dreg:$0x2];
	[bflag:$0x3] =	sbarrier.arrive $0xFFFF;
	s2 =	simm.s32 @!p0 $0x1C05  }
0x6e: {  	[timem:s3], [sflag:s2] =	dma.local @!p0 [hbm:s0], s1  }
0x6f: {  	s0 =	simm.s32 @!p0 $0x5  }
0x70: {  	_ =	swait.ge @!p0 [sflag:s0], s1  }
0x71: {  	s1 =	ssub.s32 @!p0 $0x0, s1;
	[sflag:s0] =	ssyncset.done @!p0 $0x0  }
0x72: {  	[sflag:s0] =	ssyncadd.s32 @!p0 s1  }
0x73: {  	[bflag:$0x3] =	sbarrier.arrive $0xFFFF  }
0x74: {  	_ =	shalt  }

</sc_bundles>
